<compile_context>
chip_gen: v7x
topology: tpu7x:2x2x1
jax: 0.10.2.dev20260603
libtpu: 0.0.44.dev20260713+nightly
codegen_flags: <defaults>
</compile_context>

<pallas_src>
import jax
import jax.numpy as jnp
from jax import lax
from jax.experimental import pallas as pl
from jax.experimental.pallas import tpu as pltpu
from jax.experimental.pallas import tpu_sc as plsc

_NC = 2
_NS = 16
_NW = _NC * _NS
_NBUF = 4
_BT = 128
_TPAD = 136


def _build(B, S, V, D):
    n_bt = B // _BT
    n_units = S * n_bt
    per_w = n_units // _NW
    mesh = plsc.VectorSubcoreMesh(core_axis_name="c", subcore_axis_name="s")

    def body(x_hbm, tab_hbm, pos_hbm, out_hbm, idx_v, rows_v, trans_v,
             pos_v, *sems):
        sg = sems[:_NBUF]
        ss = sems[_NBUF:2 * _NBUF]
        si = sems[2 * _NBUF:]
        wid = lax.axis_index("s") * _NC + lax.axis_index("c")
        base = wid * per_w

        pltpu.sync_copy(pos_hbm, pos_v)

        lane = lax.iota(jnp.int32, 16)
        idx_dt = [(c * 16 + lane) >> 3 for c in range(D // 16)]
        idx_dt = [(c * 16 + lane) >> 3 for c in range(D // 16)]
        idx_dr = [(c * 16 + lane) & 7 for c in range(D // 16)]

        def unit_sbt(i):
            uid = base + i
            s = uid // n_bt
            return s, uid % n_bt

        def load_idx(i, u):
            s, bt = unit_sbt(i)
            pltpu.async_copy(x_hbm.at[s >> 3, bt, s & 7], idx_v.at[u], si[u])

        def wait_idx(u):
            pltpu.make_async_copy(
                x_hbm.at[0, 0, 0], idx_v.at[u], si[u]).wait()

        def start_gather(u):
            pltpu.async_copy(tab_hbm.at[idx_v.at[u]], rows_v.at[u], sg[u])

        def wait_gather(u):
            pltpu.make_async_copy(
                tab_hbm.at[idx_v.at[u]], rows_v.at[u], sg[u]).wait()

        def start_scatter(i, u):
            s, bt = unit_sbt(i)
            pltpu.async_copy(trans_v.at[u, :, :, pl.ds(0, _BT)],
                             out_hbm.at[s, :, bt], ss[u])

        def wait_scatter(u):
            pltpu.make_async_copy(trans_v.at[u, :, :, pl.ds(0, _BT)],
                                  out_hbm.at[0, :, 0], ss[u]).wait()

        for u in range(_NBUF):
            load_idx(u, u)
        for u in range(2):
            wait_idx(u)
            start_gather(u)

        @pl.loop(0, per_w, step=_NBUF)
        def _(i0):
            for u in range(_NBUF):
                i = i0 + u
                un = (u + 2) % _NBUF

                @pl.when(i + 2 < per_w)
                def _():
                    wait_idx(un)
                    start_gather(un)

                @pl.when(i >= _NBUF)
                def _():
                    wait_scatter(u)

                wait_gather(u)

                @pl.when(i + _NBUF < per_w)
                def _():
                    load_idx(i + _NBUF, u)

                s, _bt = unit_sbt(i)
                pos_c = [pos_v[s, pl.ds(c * 16, 16)] for c in range(D // 16)]

                @plsc.parallel_loop(0, _BT, unroll=2)
                def _(t):
                    tv = jnp.full((16,), t, jnp.int32)
                    for c in range(D // 16):
                        v = rows_v[u, t, pl.ds(c * 16, 16)] + pos_c[c]
                        plsc.store_scatter(
                            trans_v.at[u], [idx_dt[c], idx_dr[c], tv], v)

                start_scatter(i, u)

        for u in range(_NBUF):
            wait_scatter((per_w - _NBUF + u) % _NBUF)

    return pl.kernel(
        body,
        out_type=jax.ShapeDtypeStruct((S, D // 8, B // _BT, 8, _BT),
                                      jnp.float32),
        mesh=mesh,
        compiler_params=pltpu.CompilerParams(
            use_tc_tiling_on_sc=False, needs_layout_passes=False),
        scratch_types=[
            pltpu.VMEM((_NBUF, _BT), jnp.int32),
            pltpu.VMEM((_NBUF, _BT, D), jnp.float32),
            pltpu.VMEM((_NBUF, D // 8, 8, _TPAD), jnp.float32),
            pltpu.VMEM((S, D), jnp.float32),
        ] + [pltpu.SemaphoreType.DMA] * (3 * _NBUF),
    )


def kernel(x, token_table, pos_table):
    B, S = x.shape
    V, D = token_table.shape
    x4 = (x.astype(jnp.int32).T
          .reshape(S // 8, 8, B // _BT, _BT)
          .transpose(0, 2, 1, 3))
    out5 = _build(B, S, V, D)(x4, token_table, pos_table)
    return out5.transpose(2, 4, 0, 1, 3).reshape(B, S, D)

# --- scband reference (transcript-rebuilt; emitter-appended) ---
"""Pipeline reference for scband-token-and-position-embedding-56624848831255 (READ-ONLY COPY).

The authoritative reference and input builder live on the scoring server;
editing this copy changes nothing except your own understanding.
"""

import jax, jax.numpy as jnp
import numpy as np

SEQ_LENGTH = 200
VOCAB_SIZE = 100000
EMBED_DIM = 64
BATCH = 4096


def setup_inputs(seed: int = 0) -> dict:
    key = jax.random.key(seed)
    k1, k2, k3 = jax.random.split(key, 3)
    x = jax.random.randint(k1, (BATCH, SEQ_LENGTH), 0, VOCAB_SIZE, dtype=jnp.int64 if jax.config.jax_enable_x64 else jnp.int32)
    token_table = jax.random.normal(k2, (VOCAB_SIZE, EMBED_DIM), dtype=jnp.float32) * 0.05
    pos_table = jax.random.normal(k3, (SEQ_LENGTH, EMBED_DIM), dtype=jnp.float32) * 0.05
    return {"x": x, "token_table": token_table, "pos_table": pos_table}


def reference(x, token_table, pos_table):
    # token embedding lookup: gather rows of token_table
    tok = jnp.take(token_table, x, axis=0)  # [B, S, D]
    seq_len = x.shape[1]
    positions = jnp.arange(seq_len)
    pos = jnp.take(pos_table, positions, axis=0)  # [S, D]
    out = tok + pos[None, :, :]
    # dropout with training=False is identity
    return out

if __name__ == "__main__":
    import jax
    _d = setup_inputs()
    print(jax.jit(kernel)(*tuple(_d.values())))

</pallas_src>

<mosaic_0001>
#map = affine_map<(d0, d1) -> (0, 0, 0, 0)>
#map1 = affine_map<(d0, d1) -> (0, 0)>
#map2 = affine_map<(d0, d1) -> (0, 0, 0, 0, 0)>
module attributes {stable_mosaic.version = 14 : i64} {
  func.func @body(%arg0: i32, %arg1: i32, %arg2: memref<25x32x8x128xi32, #tpu.memory_space<hbm>>, %arg3: memref<100000x64xf32, #tpu.memory_space<hbm>>, %arg4: memref<200x64xf32, #tpu.memory_space<hbm>>, %arg5: memref<200x8x32x8x128xf32, #tpu.memory_space<hbm>>, %arg6: memref<4x128xi32, #tpu.memory_space<vmem>>, %arg7: memref<4x128x64xf32, #tpu.memory_space<vmem>>, %arg8: memref<4x8x8x136xf32, #tpu.memory_space<vmem>>, %arg9: memref<200x64xf32, #tpu.memory_space<vmem>>, %arg10: memref<!tpu.dma_semaphore, #tpu.memory_space<semaphore_mem>>, %arg11: memref<!tpu.dma_semaphore, #tpu.memory_space<semaphore_mem>>, %arg12: memref<!tpu.dma_semaphore, #tpu.memory_space<semaphore_mem>>, %arg13: memref<!tpu.dma_semaphore, #tpu.memory_space<semaphore_mem>>, %arg14: memref<!tpu.dma_semaphore, #tpu.memory_space<semaphore_mem>>, %arg15: memref<!tpu.dma_semaphore, #tpu.memory_space<semaphore_mem>>, %arg16: memref<!tpu.dma_semaphore, #tpu.memory_space<semaphore_mem>>, %arg17: memref<!tpu.dma_semaphore, #tpu.memory_space<semaphore_mem>>, %arg18: memref<!tpu.dma_semaphore, #tpu.memory_space<semaphore_mem>>, %arg19: memref<!tpu.dma_semaphore, #tpu.memory_space<semaphore_mem>>, %arg20: memref<!tpu.dma_semaphore, #tpu.memory_space<semaphore_mem>>, %arg21: memref<!tpu.dma_semaphore, #tpu.memory_space<semaphore_mem>>) attributes {dimension_semantics = [#tpu.dimension_semantics<core_parallel>, #tpu.dimension_semantics<subcore_parallel>], iteration_bounds = array<i64: 2, 16>, scalar_prefetch = 0 : i64, scratch_operands = 16 : i64, tpu.core_type = #tpu.core_type<sc_vector_subcore>, window_params = [{transform_indices = #map}, {transform_indices = #map1}, {transform_indices = #map1}, {transform_indices = #map2}]} {
    %mul3A = arith.constant 2 : i32
    %mul3A_0 = arith.muli %arg1, %mul3A : i32
    %add3A = arith.addi %mul3A_0, %arg0 : i32
    %mul3A_1 = arith.constant 200 : i32
    %mul3A_2 = arith.muli %add3A, %mul3A_1 : i32
    "tpu.region"() ({
      %run_scoped3A = tpu.sem_alloc : memref<!tpu.dma_semaphore, #tpu.memory_space<semaphore_mem>>
      tpu.enqueue_dma source(%arg4 : memref<200x64xf32, #tpu.memory_space<hbm>>) target(%arg9 : memref<200x64xf32, #tpu.memory_space<vmem>>) target_semaphore(%run_scoped3A : memref<!tpu.dma_semaphore, #tpu.memory_space<semaphore_mem>>)
      tpu.wait_dma2 semaphore(%run_scoped3A : memref<!tpu.dma_semaphore, #tpu.memory_space<semaphore_mem>>) src(%arg4 : memref<200x64xf32, #tpu.memory_space<hbm>>) dst(%arg9 : memref<200x64xf32, #tpu.memory_space<vmem>>)
      tpu.yield
    }) : () -> ()
    %iota3A = tpu.iota {dimensions = array<i32: 0>} : vector<16xi32>
    %add3A_3 = arith.constant 0 : i32
    %add3A_4 = vector.broadcast %add3A_3 : i32 to vector<16xi32>
    %add3A_5 = arith.addi %add3A_4, %iota3A : vector<16xi32>
    %shift_right_arithmetic3A = arith.constant 3 : i32
    %shift_right_arithmetic3A_6 = vector.broadcast %shift_right_arithmetic3A : i32 to vector<16xi32>
    %shift_right_arithmetic3A_7 = arith.shrsi %add3A_5, %shift_right_arithmetic3A_6 : vector<16xi32>
    %add3A_8 = arith.constant 16 : i32
    %add3A_9 = vector.broadcast %add3A_8 : i32 to vector<16xi32>
    %add3A_10 = arith.addi %add3A_9, %iota3A : vector<16xi32>
    %shift_right_arithmetic3A_11 = arith.constant 3 : i32
    %shift_right_arithmetic3A_12 = vector.broadcast %shift_right_arithmetic3A_11 : i32 to vector<16xi32>
    %shift_right_arithmetic3A_13 = arith.shrsi %add3A_10, %shift_right_arithmetic3A_12 : vector<16xi32>
    %add3A_14 = arith.constant 32 : i32
    %add3A_15 = vector.broadcast %add3A_14 : i32 to vector<16xi32>
    %add3A_16 = arith.addi %add3A_15, %iota3A : vector<16xi32>
    %shift_right_arithmetic3A_17 = arith.constant 3 : i32
    %shift_right_arithmetic3A_18 = vector.broadcast %shift_right_arithmetic3A_17 : i32 to vector<16xi32>
    %shift_right_arithmetic3A_19 = arith.shrsi %add3A_16, %shift_right_arithmetic3A_18 : vector<16xi32>
    %add3A_20 = arith.constant 48 : i32
    %add3A_21 = vector.broadcast %add3A_20 : i32 to vector<16xi32>
    %add3A_22 = arith.addi %add3A_21, %iota3A : vector<16xi32>
    %shift_right_arithmetic3A_23 = arith.constant 3 : i32
    %shift_right_arithmetic3A_24 = vector.broadcast %shift_right_arithmetic3A_23 : i32 to vector<16xi32>
    %shift_right_arithmetic3A_25 = arith.shrsi %add3A_22, %shift_right_arithmetic3A_24 : vector<16xi32>
    %add3A_26 = arith.constant 0 : i32
    %add3A_27 = vector.broadcast %add3A_26 : i32 to vector<16xi32>
    %add3A_28 = arith.addi %add3A_27, %iota3A : vector<16xi32>
    %shift_right_arithmetic3A_29 = arith.constant 3 : i32
    %shift_right_arithmetic3A_30 = vector.broadcast %shift_right_arithmetic3A_29 : i32 to vector<16xi32>
    %shift_right_arithmetic3A_31 = arith.shrsi %add3A_28, %shift_right_arithmetic3A_30 : vector<16xi32>
    %add3A_32 = arith.constant 16 : i32
    %add3A_33 = vector.broadcast %add3A_32 : i32 to vector<16xi32>
    %add3A_34 = arith.addi %add3A_33, %iota3A : vector<16xi32>
    %shift_right_arithmetic3A_35 = arith.constant 3 : i32
    %shift_right_arithmetic3A_36 = vector.broadcast %shift_right_arithmetic3A_35 : i32 to vector<16xi32>
    %shift_right_arithmetic3A_37 = arith.shrsi %add3A_34, %shift_right_arithmetic3A_36 : vector<16xi32>
    %add3A_38 = arith.constant 32 : i32
    %add3A_39 = vector.broadcast %add3A_38 : i32 to vector<16xi32>
    %add3A_40 = arith.addi %add3A_39, %iota3A : vector<16xi32>
    %shift_right_arithmetic3A_41 = arith.constant 3 : i32
    %shift_right_arithmetic3A_42 = vector.broadcast %shift_right_arithmetic3A_41 : i32 to vector<16xi32>
    %shift_right_arithmetic3A_43 = arith.shrsi %add3A_40, %shift_right_arithmetic3A_42 : vector<16xi32>
    %add3A_44 = arith.constant 48 : i32
    %add3A_45 = vector.broadcast %add3A_44 : i32 to vector<16xi32>
    %add3A_46 = arith.addi %add3A_45, %iota3A : vector<16xi32>
    %shift_right_arithmetic3A_47 = arith.constant 3 : i32
    %shift_right_arithmetic3A_48 = vector.broadcast %shift_right_arithmetic3A_47 : i32 to vector<16xi32>
    %shift_right_arithmetic3A_49 = arith.shrsi %add3A_46, %shift_right_arithmetic3A_48 : vector<16xi32>
    %add3A_50 = arith.constant 0 : i32
    %add3A_51 = vector.broadcast %add3A_50 : i32 to vector<16xi32>
    %add3A_52 = arith.addi %add3A_51, %iota3A : vector<16xi32>
    %and3A = arith.constant 7 : i32
    %and3A_53 = vector.broadcast %and3A : i32 to vector<16xi32>
    %and3A_54 = arith.andi %add3A_52, %and3A_53 : vector<16xi32>
    %add3A_55 = arith.constant 16 : i32
    %add3A_56 = vector.broadcast %add3A_55 : i32 to vector<16xi32>
    %add3A_57 = arith.addi %add3A_56, %iota3A : vector<16xi32>
    %and3A_58 = arith.constant 7 : i32
    %and3A_59 = vector.broadcast %and3A_58 : i32 to vector<16xi32>
    %and3A_60 = arith.andi %add3A_57, %and3A_59 : vector<16xi32>
    %add3A_61 = arith.constant 32 : i32
    %add3A_62 = vector.broadcast %add3A_61 : i32 to vector<16xi32>
    %add3A_63 = arith.addi %add3A_62, %iota3A : vector<16xi32>
    %and3A_64 = arith.constant 7 : i32
    %and3A_65 = vector.broadcast %and3A_64 : i32 to vector<16xi32>
    %and3A_66 = arith.andi %add3A_63, %and3A_65 : vector<16xi32>
    %add3A_67 = arith.constant 48 : i32
    %add3A_68 = vector.broadcast %add3A_67 : i32 to vector<16xi32>
    %add3A_69 = arith.addi %add3A_68, %iota3A : vector<16xi32>
    %and3A_70 = arith.constant 7 : i32
    %and3A_71 = vector.broadcast %and3A_70 : i32 to vector<16xi32>
    %and3A_72 = arith.andi %add3A_69, %and3A_71 : vector<16xi32>
    %add3A_73 = arith.constant 0 : i32
    %add3A_74 = arith.addi %mul3A_2, %add3A_73 : i32
    %jit3A = arith.constant 32 : i32
    %div3A = arith.divsi %add3A_74, %jit3A : i32
    %sign3A = arith.constant 0 : i32
    %sign3A_75 = arith.cmpi sgt, %add3A_74, %sign3A : i32
    %sign3A_76 = arith.extui %sign3A_75 : i1 to i32
    %sign3A_77 = arith.constant 0 : i32
    %sign3A_78 = arith.cmpi slt, %add3A_74, %sign3A_77 : i32
    %sign3A_79 = arith.extui %sign3A_78 : i1 to i32
    %sign3A_80 = arith.subi %sign3A_76, %sign3A_79 : i32
    %sign3A_81 = arith.constant 0 : i32
    %sign3A_82 = arith.cmpi sgt, %jit3A, %sign3A_81 : i32
    %sign3A_83 = arith.extui %sign3A_82 : i1 to i32
    %sign3A_84 = arith.constant 0 : i32
    %sign3A_85 = arith.cmpi slt, %jit3A, %sign3A_84 : i32
    %sign3A_86 = arith.extui %sign3A_85 : i1 to i32
    %sign3A_87 = arith.subi %sign3A_83, %sign3A_86 : i32
    %ne3A = arith.cmpi ne, %sign3A_80, %sign3A_87 : i32
    %rem3A = arith.remsi %add3A_74, %jit3A : i32
    %ne3A_88 = arith.constant 0 : i32
    %ne3A_89 = arith.cmpi ne, %rem3A, %ne3A_88 : i32
    %and3A_90 = arith.andi %ne3A, %ne3A_89 : i1
    %sub3A = arith.constant 1 : i32
    %sub3A_91 = arith.subi %div3A, %sub3A : i32
    %select_n3A = arith.select %and3A_90, %sub3A_91, %div3A : i32
    %jit3A_92 = arith.constant 32 : i32
    %eq3A = arith.constant 0 : i32
    %eq3A_93 = arith.cmpi eq, %jit3A_92, %eq3A : i32
    %jit3A_94 = arith.constant 1 : i32
    %select_n3A_95 = arith.select %eq3A_93, %jit3A_94, %jit3A_92 : i32
    %rem3A_96 = arith.remsi %add3A_74, %select_n3A_95 : i32
    %ne3A_97 = arith.constant 0 : i32
    %ne3A_98 = arith.cmpi ne, %rem3A_96, %ne3A_97 : i32
    %lt3A = arith.constant 0 : i32
    %lt3A_99 = arith.cmpi slt, %rem3A_96, %lt3A : i32
    %lt3A_100 = arith.constant 0 : i32
    %lt3A_101 = arith.cmpi slt, %select_n3A_95, %lt3A_100 : i32
    %ne3A_102 = arith.xori %lt3A_99, %lt3A_101 : i1
    %and3A_103 = arith.andi %ne3A_102, %ne3A_98 : i1
    %add3A_104 = arith.addi %rem3A_96, %select_n3A_95 : i32
    %select_n3A_105 = arith.select %and3A_103, %add3A_104, %rem3A_96 : i32
    %shift_right_arithmetic3A_106 = arith.constant 3 : i32
    %shift_right_arithmetic3A_107 = arith.shrsi %select_n3A, %shift_right_arithmetic3A_106 : i32
    %and3A_108 = arith.constant 7 : i32
    %and3A_109 = arith.andi %select_n3A, %and3A_108 : i32
    %dma_start3A = arith.constant 0 : i32
    %dma_start3A_110 = arith.constant 0 : i32
    %dma_start3A_111 = tpu.memref_slice %arg6[%dma_start3A, %dma_start3A_110] : memref<4x128xi32, #tpu.memory_space<vmem>> -> memref<1x128xi32, #tpu.memory_space<vmem>>
    %dma_start3A_112 = tpu.memref_squeeze %dma_start3A_111 : memref<1x128xi32, #tpu.memory_space<vmem>> -> memref<128xi32, #tpu.memory_space<vmem>>
    %dma_start3A_113 = arith.constant 0 : i32
    %dma_start3A_114 = tpu.memref_slice %arg2[%shift_right_arithmetic3A_107, %select_n3A_105, %and3A_109, %dma_start3A_113] : memref<25x32x8x128xi32, #tpu.memory_space<hbm>> -> memref<1x1x1x128xi32, #tpu.memory_space<hbm>>
    %dma_start3A_115 = tpu.memref_squeeze %dma_start3A_114 : memref<1x1x1x128xi32, #tpu.memory_space<hbm>> -> memref<128xi32, #tpu.memory_space<hbm>>
    %dma_start3A_116 = arith.constant 0 : i32
    %dma_start3A_117 = tpu.memref_slice %arg6[%dma_start3A, %dma_start3A_116] : memref<4x128xi32, #tpu.memory_space<vmem>> -> memref<1x128xi32, #tpu.memory_space<vmem>>
    %dma_start3A_118 = tpu.memref_squeeze %dma_start3A_117 : memref<1x128xi32, #tpu.memory_space<vmem>> -> memref<128xi32, #tpu.memory_space<vmem>>
    %dma_start3A_119 = arith.constant 0 : i32
    %dma_start3A_120 = tpu.memref_slice %arg2[%shift_right_arithmetic3A_107, %select_n3A_105, %and3A_109, %dma_start3A_119] : memref<25x32x8x128xi32, #tpu.memory_space<hbm>> -> memref<1x1x1x128xi32, #tpu.memory_space<hbm>>
    %dma_start3A_121 = tpu.memref_squeeze %dma_start3A_120 : memref<1x1x1x128xi32, #tpu.memory_space<hbm>> -> memref<128xi32, #tpu.memory_space<hbm>>
    tpu.enqueue_dma source(%dma_start3A_121 : memref<128xi32, #tpu.memory_space<hbm>>) target(%dma_start3A_118 : memref<128xi32, #tpu.memory_space<vmem>>) target_semaphore(%arg18 : memref<!tpu.dma_semaphore, #tpu.memory_space<semaphore_mem>>)
    %add3A_122 = arith.constant 1 : i32
    %add3A_123 = arith.addi %mul3A_2, %add3A_122 : i32
    %jit3A_124 = arith.constant 32 : i32
    %div3A_125 = arith.divsi %add3A_123, %jit3A_124 : i32
    %sign3A_126 = arith.constant 0 : i32
    %sign3A_127 = arith.cmpi sgt, %add3A_123, %sign3A_126 : i32
    %sign3A_128 = arith.extui %sign3A_127 : i1 to i32
    %sign3A_129 = arith.constant 0 : i32
    %sign3A_130 = arith.cmpi slt, %add3A_123, %sign3A_129 : i32
    %sign3A_131 = arith.extui %sign3A_130 : i1 to i32
    %sign3A_132 = arith.subi %sign3A_128, %sign3A_131 : i32
    %sign3A_133 = arith.constant 0 : i32
    %sign3A_134 = arith.cmpi sgt, %jit3A_124, %sign3A_133 : i32
    %sign3A_135 = arith.extui %sign3A_134 : i1 to i32
    %sign3A_136 = arith.constant 0 : i32
    %sign3A_137 = arith.cmpi slt, %jit3A_124, %sign3A_136 : i32
    %sign3A_138 = arith.extui %sign3A_137 : i1 to i32
    %sign3A_139 = arith.subi %sign3A_135, %sign3A_138 : i32
    %ne3A_140 = arith.cmpi ne, %sign3A_132, %sign3A_139 : i32
    %rem3A_141 = arith.remsi %add3A_123, %jit3A_124 : i32
    %ne3A_142 = arith.constant 0 : i32
    %ne3A_143 = arith.cmpi ne, %rem3A_141, %ne3A_142 : i32
    %and3A_144 = arith.andi %ne3A_140, %ne3A_143 : i1
    %sub3A_145 = arith.constant 1 : i32
    %sub3A_146 = arith.subi %div3A_125, %sub3A_145 : i32
    %select_n3A_147 = arith.select %and3A_144, %sub3A_146, %div3A_125 : i32
    %jit3A_148 = arith.constant 32 : i32
    %eq3A_149 = arith.constant 0 : i32
    %eq3A_150 = arith.cmpi eq, %jit3A_148, %eq3A_149 : i32
    %jit3A_151 = arith.constant 1 : i32
    %select_n3A_152 = arith.select %eq3A_150, %jit3A_151, %jit3A_148 : i32
    %rem3A_153 = arith.remsi %add3A_123, %select_n3A_152 : i32
    %ne3A_154 = arith.constant 0 : i32
    %ne3A_155 = arith.cmpi ne, %rem3A_153, %ne3A_154 : i32
    %lt3A_156 = arith.constant 0 : i32
    %lt3A_157 = arith.cmpi slt, %rem3A_153, %lt3A_156 : i32
    %lt3A_158 = arith.constant 0 : i32
    %lt3A_159 = arith.cmpi slt, %select_n3A_152, %lt3A_158 : i32
    %ne3A_160 = arith.xori %lt3A_157, %lt3A_159 : i1
    %and3A_161 = arith.andi %ne3A_160, %ne3A_155 : i1
    %add3A_162 = arith.addi %rem3A_153, %select_n3A_152 : i32
    %select_n3A_163 = arith.select %and3A_161, %add3A_162, %rem3A_153 : i32
    %shift_right_arithmetic3A_164 = arith.constant 3 : i32
    %shift_right_arithmetic3A_165 = arith.shrsi %select_n3A_147, %shift_right_arithmetic3A_164 : i32
    %and3A_166 = arith.constant 7 : i32
    %and3A_167 = arith.andi %select_n3A_147, %and3A_166 : i32
    %dma_start3A_168 = arith.constant 1 : i32
    %dma_start3A_169 = arith.constant 0 : i32
    %dma_start3A_170 = tpu.memref_slice %arg6[%dma_start3A_168, %dma_start3A_169] : memref<4x128xi32, #tpu.memory_space<vmem>> -> memref<1x128xi32, #tpu.memory_space<vmem>>
    %dma_start3A_171 = tpu.memref_squeeze %dma_start3A_170 : memref<1x128xi32, #tpu.memory_space<vmem>> -> memref<128xi32, #tpu.memory_space<vmem>>
    %dma_start3A_172 = arith.constant 0 : i32
    %dma_start3A_173 = tpu.memref_slice %arg2[%shift_right_arithmetic3A_165, %select_n3A_163, %and3A_167, %dma_start3A_172] : memref<25x32x8x128xi32, #tpu.memory_space<hbm>> -> memref<1x1x1x128xi32, #tpu.memory_space<hbm>>
    %dma_start3A_174 = tpu.memref_squeeze %dma_start3A_173 : memref<1x1x1x128xi32, #tpu.memory_space<hbm>> -> memref<128xi32, #tpu.memory_space<hbm>>
    %dma_start3A_175 = arith.constant 0 : i32
    %dma_start3A_176 = tpu.memref_slice %arg6[%dma_start3A_168, %dma_start3A_175] : memref<4x128xi32, #tpu.memory_space<vmem>> -> memref<1x128xi32, #tpu.memory_space<vmem>>
    %dma_start3A_177 = tpu.memref_squeeze %dma_start3A_176 : memref<1x128xi32, #tpu.memory_space<vmem>> -> memref<128xi32, #tpu.memory_space<vmem>>
    %dma_start3A_178 = arith.constant 0 : i32
    %dma_start3A_179 = tpu.memref_slice %arg2[%shift_right_arithmetic3A_165, %select_n3A_163, %and3A_167, %dma_start3A_178] : memref<25x32x8x128xi32, #tpu.memory_space<hbm>> -> memref<1x1x1x128xi32, #tpu.memory_space<hbm>>
    %dma_start3A_180 = tpu.memref_squeeze %dma_start3A_179 : memref<1x1x1x128xi32, #tpu.memory_space<hbm>> -> memref<128xi32, #tpu.memory_space<hbm>>
    tpu.enqueue_dma source(%dma_start3A_180 : memref<128xi32, #tpu.memory_space<hbm>>) target(%dma_start3A_177 : memref<128xi32, #tpu.memory_space<vmem>>) target_semaphore(%arg19 : memref<!tpu.dma_semaphore, #tpu.memory_space<semaphore_mem>>)
    %add3A_181 = arith.constant 2 : i32
    %add3A_182 = arith.addi %mul3A_2, %add3A_181 : i32
    %jit3A_183 = arith.constant 32 : i32
    %div3A_184 = arith.divsi %add3A_182, %jit3A_183 : i32
    %sign3A_185 = arith.constant 0 : i32
    %sign3A_186 = arith.cmpi sgt, %add3A_182, %sign3A_185 : i32
    %sign3A_187 = arith.extui %sign3A_186 : i1 to i32
    %sign3A_188 = arith.constant 0 : i32
    %sign3A_189 = arith.cmpi slt, %add3A_182, %sign3A_188 : i32
    %sign3A_190 = arith.extui %sign3A_189 : i1 to i32
    %sign3A_191 = arith.subi %sign3A_187, %sign3A_190 : i32
    %sign3A_192 = arith.constant 0 : i32
    %sign3A_193 = arith.cmpi sgt, %jit3A_183, %sign3A_192 : i32
    %sign3A_194 = arith.extui %sign3A_193 : i1 to i32
    %sign3A_195 = arith.constant 0 : i32
    %sign3A_196 = arith.cmpi slt, %jit3A_183, %sign3A_195 : i32
    %sign3A_197 = arith.extui %sign3A_196 : i1 to i32
    %sign3A_198 = arith.subi %sign3A_194, %sign3A_197 : i32
    %ne3A_199 = arith.cmpi ne, %sign3A_191, %sign3A_198 : i32
    %rem3A_200 = arith.remsi %add3A_182, %jit3A_183 : i32
    %ne3A_201 = arith.constant 0 : i32
    %ne3A_202 = arith.cmpi ne, %rem3A_200, %ne3A_201 : i32
    %and3A_203 = arith.andi %ne3A_199, %ne3A_202 : i1
    %sub3A_204 = arith.constant 1 : i32
    %sub3A_205 = arith.subi %div3A_184, %sub3A_204 : i32
    %select_n3A_206 = arith.select %and3A_203, %sub3A_205, %div3A_184 : i32
    %jit3A_207 = arith.constant 32 : i32
    %eq3A_208 = arith.constant 0 : i32
    %eq3A_209 = arith.cmpi eq, %jit3A_207, %eq3A_208 : i32
    %jit3A_210 = arith.constant 1 : i32
    %select_n3A_211 = arith.select %eq3A_209, %jit3A_210, %jit3A_207 : i32
    %rem3A_212 = arith.remsi %add3A_182, %select_n3A_211 : i32
    %ne3A_213 = arith.constant 0 : i32
    %ne3A_214 = arith.cmpi ne, %rem3A_212, %ne3A_213 : i32
    %lt3A_215 = arith.constant 0 : i32
    %lt3A_216 = arith.cmpi slt, %rem3A_212, %lt3A_215 : i32
    %lt3A_217 = arith.constant 0 : i32
    %lt3A_218 = arith.cmpi slt, %select_n3A_211, %lt3A_217 : i32
    %ne3A_219 = arith.xori %lt3A_216, %lt3A_218 : i1
    %and3A_220 = arith.andi %ne3A_219, %ne3A_214 : i1
    %add3A_221 = arith.addi %rem3A_212, %select_n3A_211 : i32
    %select_n3A_222 = arith.select %and3A_220, %add3A_221, %rem3A_212 : i32
    %shift_right_arithmetic3A_223 = arith.constant 3 : i32
    %shift_right_arithmetic3A_224 = arith.shrsi %select_n3A_206, %shift_right_arithmetic3A_223 : i32
    %and3A_225 = arith.constant 7 : i32
    %and3A_226 = arith.andi %select_n3A_206, %and3A_225 : i32
    %dma_start3A_227 = arith.constant 2 : i32
    %dma_start3A_228 = arith.constant 0 : i32
    %dma_start3A_229 = tpu.memref_slice %arg6[%dma_start3A_227, %dma_start3A_228] : memref<4x128xi32, #tpu.memory_space<vmem>> -> memref<1x128xi32, #tpu.memory_space<vmem>>
    %dma_start3A_230 = tpu.memref_squeeze %dma_start3A_229 : memref<1x128xi32, #tpu.memory_space<vmem>> -> memref<128xi32, #tpu.memory_space<vmem>>
    %dma_start3A_231 = arith.constant 0 : i32
    %dma_start3A_232 = tpu.memref_slice %arg2[%shift_right_arithmetic3A_224, %select_n3A_222, %and3A_226, %dma_start3A_231] : memref<25x32x8x128xi32, #tpu.memory_space<hbm>> -> memref<1x1x1x128xi32, #tpu.memory_space<hbm>>
    %dma_start3A_233 = tpu.memref_squeeze %dma_start3A_232 : memref<1x1x1x128xi32, #tpu.memory_space<hbm>> -> memref<128xi32, #tpu.memory_space<hbm>>
    %dma_start3A_234 = arith.constant 0 : i32
    %dma_start3A_235 = tpu.memref_slice %arg6[%dma_start3A_227, %dma_start3A_234] : memref<4x128xi32, #tpu.memory_space<vmem>> -> memref<1x128xi32, #tpu.memory_space<vmem>>
    %dma_start3A_236 = tpu.memref_squeeze %dma_start3A_235 : memref<1x128xi32, #tpu.memory_space<vmem>> -> memref<128xi32, #tpu.memory_space<vmem>>
    %dma_start3A_237 = arith.constant 0 : i32
    %dma_start3A_238 = tpu.memref_slice %arg2[%shift_right_arithmetic3A_224, %select_n3A_222, %and3A_226, %dma_start3A_237] : memref<25x32x8x128xi32, #tpu.memory_space<hbm>> -> memref<1x1x1x128xi32, #tpu.memory_space<hbm>>
    %dma_start3A_239 = tpu.memref_squeeze %dma_start3A_238 : memref<1x1x1x128xi32, #tpu.memory_space<hbm>> -> memref<128xi32, #tpu.memory_space<hbm>>
    tpu.enqueue_dma source(%dma_start3A_239 : memref<128xi32, #tpu.memory_space<hbm>>) target(%dma_start3A_236 : memref<128xi32, #tpu.memory_space<vmem>>) target_semaphore(%arg20 : memref<!tpu.dma_semaphore, #tpu.memory_space<semaphore_mem>>)
    %add3A_240 = arith.constant 3 : i32
    %add3A_241 = arith.addi %mul3A_2, %add3A_240 : i32
    %jit3A_242 = arith.constant 32 : i32
    %div3A_243 = arith.divsi %add3A_241, %jit3A_242 : i32
    %sign3A_244 = arith.constant 0 : i32
    %sign3A_245 = arith.cmpi sgt, %add3A_241, %sign3A_244 : i32
    %sign3A_246 = arith.extui %sign3A_245 : i1 to i32
    %sign3A_247 = arith.constant 0 : i32
    %sign3A_248 = arith.cmpi slt, %add3A_241, %sign3A_247 : i32
    %sign3A_249 = arith.extui %sign3A_248 : i1 to i32
    %sign3A_250 = arith.subi %sign3A_246, %sign3A_249 : i32
    %sign3A_251 = arith.constant 0 : i32
    %sign3A_252 = arith.cmpi sgt, %jit3A_242, %sign3A_251 : i32
    %sign3A_253 = arith.extui %sign3A_252 : i1 to i32
    %sign3A_254 = arith.constant 0 : i32
    %sign3A_255 = arith.cmpi slt, %jit3A_242, %sign3A_254 : i32
    %sign3A_256 = arith.extui %sign3A_255 : i1 to i32
    %sign3A_257 = arith.subi %sign3A_253, %sign3A_256 : i32
    %ne3A_258 = arith.cmpi ne, %sign3A_250, %sign3A_257 : i32
    %rem3A_259 = arith.remsi %add3A_241, %jit3A_242 : i32
    %ne3A_260 = arith.constant 0 : i32
    %ne3A_261 = arith.cmpi ne, %rem3A_259, %ne3A_260 : i32
    %and3A_262 = arith.andi %ne3A_258, %ne3A_261 : i1
    %sub3A_263 = arith.constant 1 : i32
    %sub3A_264 = arith.subi %div3A_243, %sub3A_263 : i32
    %select_n3A_265 = arith.select %and3A_262, %sub3A_264, %div3A_243 : i32
    %jit3A_266 = arith.constant 32 : i32
    %eq3A_267 = arith.constant 0 : i32
    %eq3A_268 = arith.cmpi eq, %jit3A_266, %eq3A_267 : i32
    %jit3A_269 = arith.constant 1 : i32
    %select_n3A_270 = arith.select %eq3A_268, %jit3A_269, %jit3A_266 : i32
    %rem3A_271 = arith.remsi %add3A_241, %select_n3A_270 : i32
    %ne3A_272 = arith.constant 0 : i32
    %ne3A_273 = arith.cmpi ne, %rem3A_271, %ne3A_272 : i32
    %lt3A_274 = arith.constant 0 : i32
    %lt3A_275 = arith.cmpi slt, %rem3A_271, %lt3A_274 : i32
    %lt3A_276 = arith.constant 0 : i32
    %lt3A_277 = arith.cmpi slt, %select_n3A_270, %lt3A_276 : i32
    %ne3A_278 = arith.xori %lt3A_275, %lt3A_277 : i1
    %and3A_279 = arith.andi %ne3A_278, %ne3A_273 : i1
    %add3A_280 = arith.addi %rem3A_271, %select_n3A_270 : i32
    %select_n3A_281 = arith.select %and3A_279, %add3A_280, %rem3A_271 : i32
    %shift_right_arithmetic3A_282 = arith.constant 3 : i32
    %shift_right_arithmetic3A_283 = arith.shrsi %select_n3A_265, %shift_right_arithmetic3A_282 : i32
    %and3A_284 = arith.constant 7 : i32
    %and3A_285 = arith.andi %select_n3A_265, %and3A_284 : i32
    %dma_start3A_286 = arith.constant 3 : i32
    %dma_start3A_287 = arith.constant 0 : i32
    %dma_start3A_288 = tpu.memref_slice %arg6[%dma_start3A_286, %dma_start3A_287] : memref<4x128xi32, #tpu.memory_space<vmem>> -> memref<1x128xi32, #tpu.memory_space<vmem>>
    %dma_start3A_289 = tpu.memref_squeeze %dma_start3A_288 : memref<1x128xi32, #tpu.memory_space<vmem>> -> memref<128xi32, #tpu.memory_space<vmem>>
    %dma_start3A_290 = arith.constant 0 : i32
    %dma_start3A_291 = tpu.memref_slice %arg2[%shift_right_arithmetic3A_283, %select_n3A_281, %and3A_285, %dma_start3A_290] : memref<25x32x8x128xi32, #tpu.memory_space<hbm>> -> memref<1x1x1x128xi32, #tpu.memory_space<hbm>>
    %dma_start3A_292 = tpu.memref_squeeze %dma_start3A_291 : memref<1x1x1x128xi32, #tpu.memory_space<hbm>> -> memref<128xi32, #tpu.memory_space<hbm>>
    %dma_start3A_293 = arith.constant 0 : i32
    %dma_start3A_294 = tpu.memref_slice %arg6[%dma_start3A_286, %dma_start3A_293] : memref<4x128xi32, #tpu.memory_space<vmem>> -> memref<1x128xi32, #tpu.memory_space<vmem>>
    %dma_start3A_295 = tpu.memref_squeeze %dma_start3A_294 : memref<1x128xi32, #tpu.memory_space<vmem>> -> memref<128xi32, #tpu.memory_space<vmem>>
    %dma_start3A_296 = arith.constant 0 : i32
    %dma_start3A_297 = tpu.memref_slice %arg2[%shift_right_arithmetic3A_283, %select_n3A_281, %and3A_285, %dma_start3A_296] : memref<25x32x8x128xi32, #tpu.memory_space<hbm>> -> memref<1x1x1x128xi32, #tpu.memory_space<hbm>>
    %dma_start3A_298 = tpu.memref_squeeze %dma_start3A_297 : memref<1x1x1x128xi32, #tpu.memory_space<hbm>> -> memref<128xi32, #tpu.memory_space<hbm>>
    tpu.enqueue_dma source(%dma_start3A_298 : memref<128xi32, #tpu.memory_space<hbm>>) target(%dma_start3A_295 : memref<128xi32, #tpu.memory_space<vmem>>) target_semaphore(%arg21 : memref<!tpu.dma_semaphore, #tpu.memory_space<semaphore_mem>>)
    %dma_wait3A = arith.constant 0 : i32
    %dma_wait3A_299 = arith.constant 0 : i32
    %dma_wait3A_300 = arith.constant 0 : i32
    %dma_wait3A_301 = arith.constant 0 : i32
    %dma_wait3A_302 = arith.constant 0 : i32
    %dma_wait3A_303 = tpu.memref_slice %arg6[%dma_wait3A_301, %dma_wait3A_302] : memref<4x128xi32, #tpu.memory_space<vmem>> -> memref<1x128xi32, #tpu.memory_space<vmem>>
    %dma_wait3A_304 = tpu.memref_squeeze %dma_wait3A_303 : memref<1x128xi32, #tpu.memory_space<vmem>> -> memref<128xi32, #tpu.memory_space<vmem>>
    %dma_wait3A_305 = arith.constant 0 : i32
    %dma_wait3A_306 = tpu.memref_slice %arg2[%dma_wait3A, %dma_wait3A_299, %dma_wait3A_300, %dma_wait3A_305] : memref<25x32x8x128xi32, #tpu.memory_space<hbm>> -> memref<1x1x1x128xi32, #tpu.memory_space<hbm>>
    %dma_wait3A_307 = tpu.memref_squeeze %dma_wait3A_306 : memref<1x1x1x128xi32, #tpu.memory_space<hbm>> -> memref<128xi32, #tpu.memory_space<hbm>>
    %dma_wait3A_308 = arith.constant 0 : i32
    %dma_wait3A_309 = tpu.memref_slice %arg6[%dma_wait3A_301, %dma_wait3A_308] : memref<4x128xi32, #tpu.memory_space<vmem>> -> memref<1x128xi32, #tpu.memory_space<vmem>>
    %dma_wait3A_310 = tpu.memref_squeeze %dma_wait3A_309 : memref<1x128xi32, #tpu.memory_space<vmem>> -> memref<128xi32, #tpu.memory_space<vmem>>
    %dma_wait3A_311 = arith.constant 0 : i32
    %dma_wait3A_312 = tpu.memref_slice %arg2[%dma_wait3A, %dma_wait3A_299, %dma_wait3A_300, %dma_wait3A_311] : memref<25x32x8x128xi32, #tpu.memory_space<hbm>> -> memref<1x1x1x128xi32, #tpu.memory_space<hbm>>
    %dma_wait3A_313 = tpu.memref_squeeze %dma_wait3A_312 : memref<1x1x1x128xi32, #tpu.memory_space<hbm>> -> memref<128xi32, #tpu.memory_space<hbm>>
    tpu.wait_dma2 semaphore(%arg18 : memref<!tpu.dma_semaphore, #tpu.memory_space<semaphore_mem>>) src(%dma_wait3A_313 : memref<128xi32, #tpu.memory_space<hbm>>) dst(%dma_wait3A_310 : memref<128xi32, #tpu.memory_space<vmem>>)
    %dma_start3A_314 = arith.constant 0 : i32
    %dma_start3A_315 = arith.constant 0 : i32
    %dma_start3A_316 = arith.constant 0 : i32
    %dma_start3A_317 = arith.constant 0 : i32
    %dma_start3A_318 = tpu.memref_slice %arg7[%dma_start3A_315, %dma_start3A_316, %dma_start3A_317] : memref<4x128x64xf32, #tpu.memory_space<vmem>> -> memref<1x128x64xf32, #tpu.memory_space<vmem>>
    %dma_start3A_319 = tpu.memref_squeeze %dma_start3A_318 : memref<1x128x64xf32, #tpu.memory_space<vmem>> -> memref<128x64xf32, #tpu.memory_space<vmem>>
    %dma_start3A_320 = arith.constant 0 : i32
    %dma_start3A_321 = tpu.memref_slice %arg6[%dma_start3A_314, %dma_start3A_320] : memref<4x128xi32, #tpu.memory_space<vmem>> -> memref<1x128xi32, #tpu.memory_space<vmem>>
    %dma_start3A_322 = tpu.memref_squeeze %dma_start3A_321 : memref<1x128xi32, #tpu.memory_space<vmem>> -> memref<128xi32, #tpu.memory_space<vmem>>
    %dma_start3A_323 = arith.constant 0 : i32
    %dma_start3A_324 = arith.constant 0 : i32
    %dma_start3A_325 = tpu.memref_slice %arg3[%dma_start3A_323, %dma_start3A_324] : memref<100000x64xf32, #tpu.memory_space<hbm>> -> memref<100000x64xf32, #tpu.memory_space<hbm>>
    tpu.enqueue_indirect_dma source(%dma_start3A_325 : memref<100000x64xf32, #tpu.memory_space<hbm>>) target(%dma_start3A_319 : memref<128x64xf32, #tpu.memory_space<vmem>>) offsets(%dma_start3A_322 : memref<128xi32, #tpu.memory_space<vmem>>) semaphore(%arg10 : memref<!tpu.dma_semaphore, #tpu.memory_space<semaphore_mem>>)
    %dma_wait3A_326 = arith.constant 0 : i32
    %dma_wait3A_327 = arith.constant 0 : i32
    %dma_wait3A_328 = arith.constant 0 : i32
    %dma_wait3A_329 = arith.constant 1 : i32
    %dma_wait3A_330 = arith.constant 0 : i32
    %dma_wait3A_331 = tpu.memref_slice %arg6[%dma_wait3A_329, %dma_wait3A_330] : memref<4x128xi32, #tpu.memory_space<vmem>> -> memref<1x128xi32, #tpu.memory_space<vmem>>
    %dma_wait3A_332 = tpu.memref_squeeze %dma_wait3A_331 : memref<1x128xi32, #tpu.memory_space<vmem>> -> memref<128xi32, #tpu.memory_space<vmem>>
    %dma_wait3A_333 = arith.constant 0 : i32
    %dma_wait3A_334 = tpu.memref_slice %arg2[%dma_wait3A_326, %dma_wait3A_327, %dma_wait3A_328, %dma_wait3A_333] : memref<25x32x8x128xi32, #tpu.memory_space<hbm>> -> memref<1x1x1x128xi32, #tpu.memory_space<hbm>>
    %dma_wait3A_335 = tpu.memref_squeeze %dma_wait3A_334 : memref<1x1x1x128xi32, #tpu.memory_space<hbm>> -> memref<128xi32, #tpu.memory_space<hbm>>
    %dma_wait3A_336 = arith.constant 0 : i32
    %dma_wait3A_337 = tpu.memref_slice %arg6[%dma_wait3A_329, %dma_wait3A_336] : memref<4x128xi32, #tpu.memory_space<vmem>> -> memref<1x128xi32, #tpu.memory_space<vmem>>
    %dma_wait3A_338 = tpu.memref_squeeze %dma_wait3A_337 : memref<1x128xi32, #tpu.memory_space<vmem>> -> memref<128xi32, #tpu.memory_space<vmem>>
    %dma_wait3A_339 = arith.constant 0 : i32
    %dma_wait3A_340 = tpu.memref_slice %arg2[%dma_wait3A_326, %dma_wait3A_327, %dma_wait3A_328, %dma_wait3A_339] : memref<25x32x8x128xi32, #tpu.memory_space<hbm>> -> memref<1x1x1x128xi32, #tpu.memory_space<hbm>>
    %dma_wait3A_341 = tpu.memref_squeeze %dma_wait3A_340 : memref<1x1x1x128xi32, #tpu.memory_space<hbm>> -> memref<128xi32, #tpu.memory_space<hbm>>
    tpu.wait_dma2 semaphore(%arg19 : memref<!tpu.dma_semaphore, #tpu.memory_space<semaphore_mem>>) src(%dma_wait3A_341 : memref<128xi32, #tpu.memory_space<hbm>>) dst(%dma_wait3A_338 : memref<128xi32, #tpu.memory_space<vmem>>)
    %dma_start3A_342 = arith.constant 1 : i32
    %dma_start3A_343 = arith.constant 1 : i32
    %dma_start3A_344 = arith.constant 0 : i32
    %dma_start3A_345 = arith.constant 0 : i32
    %dma_start3A_346 = tpu.memref_slice %arg7[%dma_start3A_343, %dma_start3A_344, %dma_start3A_345] : memref<4x128x64xf32, #tpu.memory_space<vmem>> -> memref<1x128x64xf32, #tpu.memory_space<vmem>>
    %dma_start3A_347 = tpu.memref_squeeze %dma_start3A_346 : memref<1x128x64xf32, #tpu.memory_space<vmem>> -> memref<128x64xf32, #tpu.memory_space<vmem>>
    %dma_start3A_348 = arith.constant 0 : i32
    %dma_start3A_349 = tpu.memref_slice %arg6[%dma_start3A_342, %dma_start3A_348] : memref<4x128xi32, #tpu.memory_space<vmem>> -> memref<1x128xi32, #tpu.memory_space<vmem>>
    %dma_start3A_350 = tpu.memref_squeeze %dma_start3A_349 : memref<1x128xi32, #tpu.memory_space<vmem>> -> memref<128xi32, #tpu.memory_space<vmem>>
    %dma_start3A_351 = arith.constant 0 : i32
    %dma_start3A_352 = arith.constant 0 : i32
    %dma_start3A_353 = tpu.memref_slice %arg3[%dma_start3A_351, %dma_start3A_352] : memref<100000x64xf32, #tpu.memory_space<hbm>> -> memref<100000x64xf32, #tpu.memory_space<hbm>>
    tpu.enqueue_indirect_dma source(%dma_start3A_353 : memref<100000x64xf32, #tpu.memory_space<hbm>>) target(%dma_start3A_347 : memref<128x64xf32, #tpu.memory_space<vmem>>) offsets(%dma_start3A_350 : memref<128xi32, #tpu.memory_space<vmem>>) semaphore(%arg11 : memref<!tpu.dma_semaphore, #tpu.memory_space<semaphore_mem>>)
    %scan3A = arith.constant 0 : i32
    %scan3A_354 = arith.constant 50 : i32
    %scan3A_355 = arith.addi %scan3A, %scan3A_354 : i32
    %scan3A_356 = arith.constant 1 : i32
    scf.for %scan3A_450 = %scan3A to %scan3A_355 step %scan3A_356  : i32 {
      %mul3A_451 = arith.constant 4 : i32
      %mul3A_452 = arith.muli %scan3A_450, %mul3A_451 : i32
      %add3A_453 = arith.constant 0 : i32
      %add3A_454 = arith.addi %add3A_453, %mul3A_452 : i32
      %add3A_455 = arith.constant 0 : i32
      %add3A_456 = arith.addi %add3A_454, %add3A_455 : i32
      %add3A_457 = arith.constant 2 : i32
      %add3A_458 = arith.addi %add3A_456, %add3A_457 : i32
      %lt3A_459 = arith.constant 200 : i32
      %lt3A_460 = arith.cmpi slt, %add3A_458, %lt3A_459 : i32
      %convert_element_type3A = arith.extui %lt3A_460 : i1 to i32
      %cond3A = arith.constant 0 : i32
      %cond3A_461 = arith.cmpi ne, %convert_element_type3A, %cond3A : i32
      scf.if %cond3A_461 {
        %dma_wait3A_1054 = arith.constant 0 : i32
        %dma_wait3A_1055 = arith.constant 0 : i32
        %dma_wait3A_1056 = arith.constant 0 : i32
        %dma_wait3A_1057 = arith.constant 2 : i32
        %dma_wait3A_1058 = arith.constant 0 : i32
        %dma_wait3A_1059 = tpu.memref_slice %arg6[%dma_wait3A_1057, %dma_wait3A_1058] : memref<4x128xi32, #tpu.memory_space<vmem>> -> memref<1x128xi32, #tpu.memory_space<vmem>>
        %dma_wait3A_1060 = tpu.memref_squeeze %dma_wait3A_1059 : memref<1x128xi32, #tpu.memory_space<vmem>> -> memref<128xi32, #tpu.memory_space<vmem>>
        %dma_wait3A_1061 = arith.constant 0 : i32
        %dma_wait3A_1062 = tpu.memref_slice %arg2[%dma_wait3A_1054, %dma_wait3A_1055, %dma_wait3A_1056, %dma_wait3A_1061] : memref<25x32x8x128xi32, #tpu.memory_space<hbm>> -> memref<1x1x1x128xi32, #tpu.memory_space<hbm>>
        %dma_wait3A_1063 = tpu.memref_squeeze %dma_wait3A_1062 : memref<1x1x1x128xi32, #tpu.memory_space<hbm>> -> memref<128xi32, #tpu.memory_space<hbm>>
        %dma_wait3A_1064 = arith.constant 0 : i32
        %dma_wait3A_1065 = tpu.memref_slice %arg6[%dma_wait3A_1057, %dma_wait3A_1064] : memref<4x128xi32, #tpu.memory_space<vmem>> -> memref<1x128xi32, #tpu.memory_space<vmem>>
        %dma_wait3A_1066 = tpu.memref_squeeze %dma_wait3A_1065 : memref<1x128xi32, #tpu.memory_space<vmem>> -> memref<128xi32, #tpu.memory_space<vmem>>
        %dma_wait3A_1067 = arith.constant 0 : i32
        %dma_wait3A_1068 = tpu.memref_slice %arg2[%dma_wait3A_1054, %dma_wait3A_1055, %dma_wait3A_1056, %dma_wait3A_1067] : memref<25x32x8x128xi32, #tpu.memory_space<hbm>> -> memref<1x1x1x128xi32, #tpu.memory_space<hbm>>
        %dma_wait3A_1069 = tpu.memref_squeeze %dma_wait3A_1068 : memref<1x1x1x128xi32, #tpu.memory_space<hbm>> -> memref<128xi32, #tpu.memory_space<hbm>>
        tpu.wait_dma2 semaphore(%arg20 : memref<!tpu.dma_semaphore, #tpu.memory_space<semaphore_mem>>) src(%dma_wait3A_1069 : memref<128xi32, #tpu.memory_space<hbm>>) dst(%dma_wait3A_1066 : memref<128xi32, #tpu.memory_space<vmem>>)
        %dma_start3A_1070 = arith.constant 2 : i32
        %dma_start3A_1071 = arith.constant 2 : i32
        %dma_start3A_1072 = arith.constant 0 : i32
        %dma_start3A_1073 = arith.constant 0 : i32
        %dma_start3A_1074 = tpu.memref_slice %arg7[%dma_start3A_1071, %dma_start3A_1072, %dma_start3A_1073] : memref<4x128x64xf32, #tpu.memory_space<vmem>> -> memref<1x128x64xf32, #tpu.memory_space<vmem>>
        %dma_start3A_1075 = tpu.memref_squeeze %dma_start3A_1074 : memref<1x128x64xf32, #tpu.memory_space<vmem>> -> memref<128x64xf32, #tpu.memory_space<vmem>>
        %dma_start3A_1076 = arith.constant 0 : i32
        %dma_start3A_1077 = tpu.memref_slice %arg6[%dma_start3A_1070, %dma_start3A_1076] : memref<4x128xi32, #tpu.memory_space<vmem>> -> memref<1x128xi32, #tpu.memory_space<vmem>>
        %dma_start3A_1078 = tpu.memref_squeeze %dma_start3A_1077 : memref<1x128xi32, #tpu.memory_space<vmem>> -> memref<128xi32, #tpu.memory_space<vmem>>
        %dma_start3A_1079 = arith.constant 0 : i32
        %dma_start3A_1080 = arith.constant 0 : i32
        %dma_start3A_1081 = tpu.memref_slice %arg3[%dma_start3A_1079, %dma_start3A_1080] : memref<100000x64xf32, #tpu.memory_space<hbm>> -> memref<100000x64xf32, #tpu.memory_space<hbm>>
        tpu.enqueue_indirect_dma source(%dma_start3A_1081 : memref<100000x64xf32, #tpu.memory_space<hbm>>) target(%dma_start3A_1075 : memref<128x64xf32, #tpu.memory_space<vmem>>) offsets(%dma_start3A_1078 : memref<128xi32, #tpu.memory_space<vmem>>) semaphore(%arg12 : memref<!tpu.dma_semaphore, #tpu.memory_space<semaphore_mem>>)
      } else {
      }
      %ge3A = arith.constant 4 : i32
      %ge3A_462 = arith.cmpi sge, %add3A_456, %ge3A : i32
      %convert_element_type3A_463 = arith.extui %ge3A_462 : i1 to i32
      %cond3A_464 = arith.constant 0 : i32
      %cond3A_465 = arith.cmpi ne, %convert_element_type3A_463, %cond3A_464 : i32
      scf.if %cond3A_465 {
        %dma_wait3A_1054 = arith.constant 0 : i32
        %dma_wait3A_1055 = arith.constant 0 : i32
        %dma_wait3A_1056 = arith.constant 0 : i32
        %dma_wait3A_1057 = arith.constant 0 : i32
        %dma_wait3A_1058 = arith.constant 0 : i32
        %dma_wait3A_1059 = arith.constant 0 : i32
        %dma_wait3A_1060 = tpu.memref_slice %arg8[%dma_wait3A_1054, %dma_wait3A_1057, %dma_wait3A_1058, %dma_wait3A_1059] : memref<4x8x8x136xf32, #tpu.memory_space<vmem>> -> memref<1x8x8x128xf32, #tpu.memory_space<vmem>>
        %dma_wait3A_1061 = tpu.memref_squeeze %dma_wait3A_1060 : memref<1x8x8x128xf32, #tpu.memory_space<vmem>> -> memref<8x8x128xf32, #tpu.memory_space<vmem>>
        %dma_wait3A_1062 = arith.constant 0 : i32
        %dma_wait3A_1063 = arith.constant 0 : i32
        %dma_wait3A_1064 = arith.constant 0 : i32
        %dma_wait3A_1065 = tpu.memref_slice %arg5[%dma_wait3A_1055, %dma_wait3A_1062, %dma_wait3A_1056, %dma_wait3A_1063, %dma_wait3A_1064] : memref<200x8x32x8x128xf32, #tpu.memory_space<hbm>> -> memref<1x8x1x8x128xf32, #tpu.memory_space<hbm>>
        %dma_wait3A_1066 = tpu.memref_squeeze %dma_wait3A_1065 : memref<1x8x1x8x128xf32, #tpu.memory_space<hbm>> -> memref<8x8x128xf32, #tpu.memory_space<hbm>>
        %dma_wait3A_1067 = arith.constant 0 : i32
        %dma_wait3A_1068 = arith.constant 0 : i32
        %dma_wait3A_1069 = arith.constant 0 : i32
        %dma_wait3A_1070 = tpu.memref_slice %arg5[%dma_wait3A_1055, %dma_wait3A_1067, %dma_wait3A_1056, %dma_wait3A_1068, %dma_wait3A_1069] : memref<200x8x32x8x128xf32, #tpu.memory_space<hbm>> -> memref<1x8x1x8x128xf32, #tpu.memory_space<hbm>>
        %dma_wait3A_1071 = tpu.memref_squeeze %dma_wait3A_1070 : memref<1x8x1x8x128xf32, #tpu.memory_space<hbm>> -> memref<8x8x128xf32, #tpu.memory_space<hbm>>
        %dma_wait3A_1072 = arith.constant 0 : i32
        %dma_wait3A_1073 = arith.constant 0 : i32
        %dma_wait3A_1074 = arith.constant 0 : i32
        %dma_wait3A_1075 = tpu.memref_slice %arg8[%dma_wait3A_1054, %dma_wait3A_1072, %dma_wait3A_1073, %dma_wait3A_1074] : memref<4x8x8x136xf32, #tpu.memory_space<vmem>> -> memref<1x8x8x128xf32, #tpu.memory_space<vmem>>
        %dma_wait3A_1076 = tpu.memref_squeeze %dma_wait3A_1075 : memref<1x8x8x128xf32, #tpu.memory_space<vmem>> -> memref<8x8x128xf32, #tpu.memory_space<vmem>>
        tpu.wait_dma2 semaphore(%arg14 : memref<!tpu.dma_semaphore, #tpu.memory_space<semaphore_mem>>) src(%dma_wait3A_1076 : memref<8x8x128xf32, #tpu.memory_space<vmem>>) dst(%dma_wait3A_1071 : memref<8x8x128xf32, #tpu.memory_space<hbm>>)
      } else {
      }
      %dma_wait3A_466 = arith.constant 0 : i32
      %dma_wait3A_467 = arith.constant 0 : i32
      %dma_wait3A_468 = arith.constant 0 : i32
      %dma_wait3A_469 = arith.constant 0 : i32
      %dma_wait3A_470 = tpu.memref_slice %arg7[%dma_wait3A_467, %dma_wait3A_468, %dma_wait3A_469] : memref<4x128x64xf32, #tpu.memory_space<vmem>> -> memref<1x128x64xf32, #tpu.memory_space<vmem>>
      %dma_wait3A_471 = tpu.memref_squeeze %dma_wait3A_470 : memref<1x128x64xf32, #tpu.memory_space<vmem>> -> memref<128x64xf32, #tpu.memory_space<vmem>>
      %dma_wait3A_472 = arith.constant 0 : i32
      %dma_wait3A_473 = tpu.memref_slice %arg6[%dma_wait3A_466, %dma_wait3A_472] : memref<4x128xi32, #tpu.memory_space<vmem>> -> memref<1x128xi32, #tpu.memory_space<vmem>>
      %dma_wait3A_474 = tpu.memref_squeeze %dma_wait3A_473 : memref<1x128xi32, #tpu.memory_space<vmem>> -> memref<128xi32, #tpu.memory_space<vmem>>
      %dma_wait3A_475 = arith.constant 0 : i32
      %dma_wait3A_476 = arith.constant 0 : i32
      %dma_wait3A_477 = tpu.memref_slice %arg3[%dma_wait3A_475, %dma_wait3A_476] : memref<100000x64xf32, #tpu.memory_space<hbm>> -> memref<100000x64xf32, #tpu.memory_space<hbm>>
      tpu.wait_indirect_dma semaphore(%arg10 : memref<!tpu.dma_semaphore, #tpu.memory_space<semaphore_mem>>) src(%dma_wait3A_477 : memref<100000x64xf32, #tpu.memory_space<hbm>>) dst(%dma_wait3A_471 : memref<128x64xf32, #tpu.memory_space<vmem>>)
      %add3A_478 = arith.constant 4 : i32
      %add3A_479 = arith.addi %add3A_456, %add3A_478 : i32
      %lt3A_480 = arith.constant 200 : i32
      %lt3A_481 = arith.cmpi slt, %add3A_479, %lt3A_480 : i32
      %convert_element_type3A_482 = arith.extui %lt3A_481 : i1 to i32
      %cond3A_483 = arith.constant 0 : i32
      %cond3A_484 = arith.cmpi ne, %convert_element_type3A_482, %cond3A_483 : i32
      scf.if %cond3A_484 {
        %add3A_1054 = arith.constant 4 : i32
        %add3A_1055 = arith.addi %add3A_456, %add3A_1054 : i32
        %add3A_1056 = arith.addi %mul3A_2, %add3A_1055 : i32
        %jit3A_1057 = arith.constant 32 : i32
        %div3A_1058 = arith.divsi %add3A_1056, %jit3A_1057 : i32
        %sign3A_1059 = arith.constant 0 : i32
        %sign3A_1060 = arith.cmpi sgt, %add3A_1056, %sign3A_1059 : i32
        %sign3A_1061 = arith.extui %sign3A_1060 : i1 to i32
        %sign3A_1062 = arith.constant 0 : i32
        %sign3A_1063 = arith.cmpi slt, %add3A_1056, %sign3A_1062 : i32
        %sign3A_1064 = arith.extui %sign3A_1063 : i1 to i32
        %sign3A_1065 = arith.subi %sign3A_1061, %sign3A_1064 : i32
        %sign3A_1066 = arith.constant 0 : i32
        %sign3A_1067 = arith.cmpi sgt, %jit3A_1057, %sign3A_1066 : i32
        %sign3A_1068 = arith.extui %sign3A_1067 : i1 to i32
        %sign3A_1069 = arith.constant 0 : i32
        %sign3A_1070 = arith.cmpi slt, %jit3A_1057, %sign3A_1069 : i32
        %sign3A_1071 = arith.extui %sign3A_1070 : i1 to i32
        %sign3A_1072 = arith.subi %sign3A_1068, %sign3A_1071 : i32
        %ne3A_1073 = arith.cmpi ne, %sign3A_1065, %sign3A_1072 : i32
        %rem3A_1074 = arith.remsi %add3A_1056, %jit3A_1057 : i32
        %ne3A_1075 = arith.constant 0 : i32
        %ne3A_1076 = arith.cmpi ne, %rem3A_1074, %ne3A_1075 : i32
        %and3A_1077 = arith.andi %ne3A_1073, %ne3A_1076 : i1
        %sub3A_1078 = arith.constant 1 : i32
        %sub3A_1079 = arith.subi %div3A_1058, %sub3A_1078 : i32
        %select_n3A_1080 = arith.select %and3A_1077, %sub3A_1079, %div3A_1058 : i32
        %jit3A_1081 = arith.constant 32 : i32
        %eq3A_1082 = arith.constant 0 : i32
        %eq3A_1083 = arith.cmpi eq, %jit3A_1081, %eq3A_1082 : i32
        %jit3A_1084 = arith.constant 1 : i32
        %select_n3A_1085 = arith.select %eq3A_1083, %jit3A_1084, %jit3A_1081 : i32
        %rem3A_1086 = arith.remsi %add3A_1056, %select_n3A_1085 : i32
        %ne3A_1087 = arith.constant 0 : i32
        %ne3A_1088 = arith.cmpi ne, %rem3A_1086, %ne3A_1087 : i32
        %lt3A_1089 = arith.constant 0 : i32
        %lt3A_1090 = arith.cmpi slt, %rem3A_1086, %lt3A_1089 : i32
        %lt3A_1091 = arith.constant 0 : i32
        %lt3A_1092 = arith.cmpi slt, %select_n3A_1085, %lt3A_1091 : i32
        %ne3A_1093 = arith.xori %lt3A_1090, %lt3A_1092 : i1
        %and3A_1094 = arith.andi %ne3A_1093, %ne3A_1088 : i1
        %add3A_1095 = arith.addi %rem3A_1086, %select_n3A_1085 : i32
        %select_n3A_1096 = arith.select %and3A_1094, %add3A_1095, %rem3A_1086 : i32
        %shift_right_arithmetic3A_1097 = arith.constant 3 : i32
        %shift_right_arithmetic3A_1098 = arith.shrsi %select_n3A_1080, %shift_right_arithmetic3A_1097 : i32
        %and3A_1099 = arith.constant 7 : i32
        %and3A_1100 = arith.andi %select_n3A_1080, %and3A_1099 : i32
        %dma_start3A_1101 = arith.constant 0 : i32
        %dma_start3A_1102 = arith.constant 0 : i32
        %dma_start3A_1103 = tpu.memref_slice %arg6[%dma_start3A_1101, %dma_start3A_1102] : memref<4x128xi32, #tpu.memory_space<vmem>> -> memref<1x128xi32, #tpu.memory_space<vmem>>
        %dma_start3A_1104 = tpu.memref_squeeze %dma_start3A_1103 : memref<1x128xi32, #tpu.memory_space<vmem>> -> memref<128xi32, #tpu.memory_space<vmem>>
        %dma_start3A_1105 = arith.constant 0 : i32
        %dma_start3A_1106 = tpu.memref_slice %arg2[%shift_right_arithmetic3A_1098, %select_n3A_1096, %and3A_1100, %dma_start3A_1105] : memref<25x32x8x128xi32, #tpu.memory_space<hbm>> -> memref<1x1x1x128xi32, #tpu.memory_space<hbm>>
        %dma_start3A_1107 = tpu.memref_squeeze %dma_start3A_1106 : memref<1x1x1x128xi32, #tpu.memory_space<hbm>> -> memref<128xi32, #tpu.memory_space<hbm>>
        %dma_start3A_1108 = arith.constant 0 : i32
        %dma_start3A_1109 = tpu.memref_slice %arg6[%dma_start3A_1101, %dma_start3A_1108] : memref<4x128xi32, #tpu.memory_space<vmem>> -> memref<1x128xi32, #tpu.memory_space<vmem>>
        %dma_start3A_1110 = tpu.memref_squeeze %dma_start3A_1109 : memref<1x128xi32, #tpu.memory_space<vmem>> -> memref<128xi32, #tpu.memory_space<vmem>>
        %dma_start3A_1111 = arith.constant 0 : i32
        %dma_start3A_1112 = tpu.memref_slice %arg2[%shift_right_arithmetic3A_1098, %select_n3A_1096, %and3A_1100, %dma_start3A_1111] : memref<25x32x8x128xi32, #tpu.memory_space<hbm>> -> memref<1x1x1x128xi32, #tpu.memory_space<hbm>>
        %dma_start3A_1113 = tpu.memref_squeeze %dma_start3A_1112 : memref<1x1x1x128xi32, #tpu.memory_space<hbm>> -> memref<128xi32, #tpu.memory_space<hbm>>
        tpu.enqueue_dma source(%dma_start3A_1113 : memref<128xi32, #tpu.memory_space<hbm>>) target(%dma_start3A_1110 : memref<128xi32, #tpu.memory_space<vmem>>) target_semaphore(%arg18 : memref<!tpu.dma_semaphore, #tpu.memory_space<semaphore_mem>>)
      } else {
      }
      %add3A_485 = arith.addi %mul3A_2, %add3A_456 : i32
      %jit3A_486 = arith.constant 32 : i32
      %div3A_487 = arith.divsi %add3A_485, %jit3A_486 : i32
      %sign3A_488 = arith.constant 0 : i32
      %sign3A_489 = arith.cmpi sgt, %add3A_485, %sign3A_488 : i32
      %sign3A_490 = arith.extui %sign3A_489 : i1 to i32
      %sign3A_491 = arith.constant 0 : i32
      %sign3A_492 = arith.cmpi slt, %add3A_485, %sign3A_491 : i32
      %sign3A_493 = arith.extui %sign3A_492 : i1 to i32
      %sign3A_494 = arith.subi %sign3A_490, %sign3A_493 : i32
      %sign3A_495 = arith.constant 0 : i32
      %sign3A_496 = arith.cmpi sgt, %jit3A_486, %sign3A_495 : i32
      %sign3A_497 = arith.extui %sign3A_496 : i1 to i32
      %sign3A_498 = arith.constant 0 : i32
      %sign3A_499 = arith.cmpi slt, %jit3A_486, %sign3A_498 : i32
      %sign3A_500 = arith.extui %sign3A_499 : i1 to i32
      %sign3A_501 = arith.subi %sign3A_497, %sign3A_500 : i32
      %ne3A_502 = arith.cmpi ne, %sign3A_494, %sign3A_501 : i32
      %rem3A_503 = arith.remsi %add3A_485, %jit3A_486 : i32
      %ne3A_504 = arith.constant 0 : i32
      %ne3A_505 = arith.cmpi ne, %rem3A_503, %ne3A_504 : i32
      %and3A_506 = arith.andi %ne3A_502, %ne3A_505 : i1
      %sub3A_507 = arith.constant 1 : i32
      %sub3A_508 = arith.subi %div3A_487, %sub3A_507 : i32
      %select_n3A_509 = arith.select %and3A_506, %sub3A_508, %div3A_487 : i32
      %jit3A_510 = arith.constant 32 : i32
      %eq3A_511 = arith.constant 0 : i32
      %eq3A_512 = arith.cmpi eq, %jit3A_510, %eq3A_511 : i32
      %jit3A_513 = arith.constant 1 : i32
      %select_n3A_514 = arith.select %eq3A_512, %jit3A_513, %jit3A_510 : i32
      %rem3A_515 = arith.remsi %add3A_485, %select_n3A_514 : i32
      %ne3A_516 = arith.constant 0 : i32
      %ne3A_517 = arith.cmpi ne, %rem3A_515, %ne3A_516 : i32
      %lt3A_518 = arith.constant 0 : i32
      %lt3A_519 = arith.cmpi slt, %rem3A_515, %lt3A_518 : i32
      %lt3A_520 = arith.constant 0 : i32
      %lt3A_521 = arith.cmpi slt, %select_n3A_514, %lt3A_520 : i32
      %ne3A_522 = arith.xori %lt3A_519, %lt3A_521 : i1
      %and3A_523 = arith.andi %ne3A_522, %ne3A_517 : i1
      %add3A_524 = arith.addi %rem3A_515, %select_n3A_514 : i32
      %select_n3A_525 = arith.select %and3A_523, %add3A_524, %rem3A_515 : i32
      %get3A = arith.index_cast %select_n3A_509 : i32 to index
      %get3A_526 = arith.constant 0 : index
      %get3A_527 = tpu.vector_load %arg9[%get3A, %get3A_526] {strides = array<i32>} : memref<200x64xf32, #tpu.memory_space<vmem>>, vector<16xf32>,
      %get3A_528 = arith.index_cast %select_n3A_509 : i32 to index
      %get3A_529 = arith.constant 16 : index
      %get3A_530 = tpu.vector_load %arg9[%get3A_528, %get3A_529] {strides = array<i32>} : memref<200x64xf32, #tpu.memory_space<vmem>>, vector<16xf32>,
      %get3A_531 = arith.index_cast %select_n3A_509 : i32 to index
      %get3A_532 = arith.constant 32 : index
      %get3A_533 = tpu.vector_load %arg9[%get3A_531, %get3A_532] {strides = array<i32>} : memref<200x64xf32, #tpu.memory_space<vmem>>, vector<16xf32>,
      %get3A_534 = arith.index_cast %select_n3A_509 : i32 to index
      %get3A_535 = arith.constant 48 : index
      %get3A_536 = tpu.vector_load %arg9[%get3A_534, %get3A_535] {strides = array<i32>} : memref<200x64xf32, #tpu.memory_space<vmem>>, vector<16xf32>,
      %parallel_loop3A = arith.constant 0 : i32
      %parallel_loop3A_537 = arith.constant 128 : i32
      %parallel_loop3A_538 = arith.constant 1 : i32
      scf.for %parallel_loop3A_1054 = %parallel_loop3A to %parallel_loop3A_537 step %parallel_loop3A_538  : i32 {
        %parallel_loop3A_1055 = vector.broadcast %parallel_loop3A_1054 : i32 to vector<16xi32>
        %parallel_loop3A_1056 = arith.constant 0 : i32
        %parallel_loop3A_1057 = arith.index_cast %parallel_loop3A_1056 : i32 to index
        %parallel_loop3A_1058 = arith.index_cast %parallel_loop3A_1054 : i32 to index
        %parallel_loop3A_1059 = arith.constant 0 : index
        %parallel_loop3A_1060 = tpu.vector_load %arg7[%parallel_loop3A_1057, %parallel_loop3A_1058, %parallel_loop3A_1059] {strides = array<i32>} : memref<4x128x64xf32, #tpu.memory_space<vmem>>, vector<16xf32>,
        %parallel_loop3A_1061 = arith.addf %parallel_loop3A_1060, %get3A_527 : vector<16xf32>
        %parallel_loop3A_1062 = arith.constant 0 : i32
        %parallel_loop3A_1063 = arith.constant 0 : i32
        %parallel_loop3A_1064 = arith.constant 0 : i32
        %parallel_loop3A_1065 = arith.constant 0 : i32
        %parallel_loop3A_1066 = tpu.memref_slice %arg8[%parallel_loop3A_1062, %parallel_loop3A_1063, %parallel_loop3A_1064, %parallel_loop3A_1065] : memref<4x8x8x136xf32, #tpu.memory_space<vmem>> -> memref<1x8x8x136xf32, #tpu.memory_space<vmem>>
        %parallel_loop3A_1067 = tpu.memref_squeeze %parallel_loop3A_1066 : memref<1x8x8x136xf32, #tpu.memory_space<vmem>> -> memref<8x8x136xf32, #tpu.memory_space<vmem>>
        tpu.vector_store_idx %parallel_loop3A_1067[%shift_right_arithmetic3A_31, %and3A_54, %parallel_loop3A_1055], %parallel_loop3A_1061 : memref<8x8x136xf32, #tpu.memory_space<vmem>>[vector<16xi32>, vector<16xi32>, vector<16xi32>], vector<16xf32>,
        %parallel_loop3A_1068 = arith.constant 0 : i32
        %parallel_loop3A_1069 = arith.index_cast %parallel_loop3A_1068 : i32 to index
        %parallel_loop3A_1070 = arith.index_cast %parallel_loop3A_1054 : i32 to index
        %parallel_loop3A_1071 = arith.constant 16 : index
        %parallel_loop3A_1072 = tpu.vector_load %arg7[%parallel_loop3A_1069, %parallel_loop3A_1070, %parallel_loop3A_1071] {strides = array<i32>} : memref<4x128x64xf32, #tpu.memory_space<vmem>>, vector<16xf32>,
        %parallel_loop3A_1073 = arith.addf %parallel_loop3A_1072, %get3A_530 : vector<16xf32>
        %parallel_loop3A_1074 = arith.constant 0 : i32
        %parallel_loop3A_1075 = arith.constant 0 : i32
        %parallel_loop3A_1076 = arith.constant 0 : i32
        %parallel_loop3A_1077 = arith.constant 0 : i32
        %parallel_loop3A_1078 = tpu.memref_slice %arg8[%parallel_loop3A_1074, %parallel_loop3A_1075, %parallel_loop3A_1076, %parallel_loop3A_1077] : memref<4x8x8x136xf32, #tpu.memory_space<vmem>> -> memref<1x8x8x136xf32, #tpu.memory_space<vmem>>
        %parallel_loop3A_1079 = tpu.memref_squeeze %parallel_loop3A_1078 : memref<1x8x8x136xf32, #tpu.memory_space<vmem>> -> memref<8x8x136xf32, #tpu.memory_space<vmem>>
        tpu.vector_store_idx %parallel_loop3A_1079[%shift_right_arithmetic3A_37, %and3A_60, %parallel_loop3A_1055], %parallel_loop3A_1073 : memref<8x8x136xf32, #tpu.memory_space<vmem>>[vector<16xi32>, vector<16xi32>, vector<16xi32>], vector<16xf32>,
        %parallel_loop3A_1080 = arith.constant 0 : i32
        %parallel_loop3A_1081 = arith.index_cast %parallel_loop3A_1080 : i32 to index
        %parallel_loop3A_1082 = arith.index_cast %parallel_loop3A_1054 : i32 to index
        %parallel_loop3A_1083 = arith.constant 32 : index
        %parallel_loop3A_1084 = tpu.vector_load %arg7[%parallel_loop3A_1081, %parallel_loop3A_1082, %parallel_loop3A_1083] {strides = array<i32>} : memref<4x128x64xf32, #tpu.memory_space<vmem>>, vector<16xf32>,
        %parallel_loop3A_1085 = arith.addf %parallel_loop3A_1084, %get3A_533 : vector<16xf32>
        %parallel_loop3A_1086 = arith.constant 0 : i32
        %parallel_loop3A_1087 = arith.constant 0 : i32
        %parallel_loop3A_1088 = arith.constant 0 : i32
        %parallel_loop3A_1089 = arith.constant 0 : i32
        %parallel_loop3A_1090 = tpu.memref_slice %arg8[%parallel_loop3A_1086, %parallel_loop3A_1087, %parallel_loop3A_1088, %parallel_loop3A_1089] : memref<4x8x8x136xf32, #tpu.memory_space<vmem>> -> memref<1x8x8x136xf32, #tpu.memory_space<vmem>>
        %parallel_loop3A_1091 = tpu.memref_squeeze %parallel_loop3A_1090 : memref<1x8x8x136xf32, #tpu.memory_space<vmem>> -> memref<8x8x136xf32, #tpu.memory_space<vmem>>
        tpu.vector_store_idx %parallel_loop3A_1091[%shift_right_arithmetic3A_43, %and3A_66, %parallel_loop3A_1055], %parallel_loop3A_1085 : memref<8x8x136xf32, #tpu.memory_space<vmem>>[vector<16xi32>, vector<16xi32>, vector<16xi32>], vector<16xf32>,
        %parallel_loop3A_1092 = arith.constant 0 : i32
        %parallel_loop3A_1093 = arith.index_cast %parallel_loop3A_1092 : i32 to index
        %parallel_loop3A_1094 = arith.index_cast %parallel_loop3A_1054 : i32 to index
        %parallel_loop3A_1095 = arith.constant 48 : index
        %parallel_loop3A_1096 = tpu.vector_load %arg7[%parallel_loop3A_1093, %parallel_loop3A_1094, %parallel_loop3A_1095] {strides = array<i32>} : memref<4x128x64xf32, #tpu.memory_space<vmem>>, vector<16xf32>,
        %parallel_loop3A_1097 = arith.addf %parallel_loop3A_1096, %get3A_536 : vector<16xf32>
        %parallel_loop3A_1098 = arith.constant 0 : i32
        %parallel_loop3A_1099 = arith.constant 0 : i32
        %parallel_loop3A_1100 = arith.constant 0 : i32
        %parallel_loop3A_1101 = arith.constant 0 : i32
        %parallel_loop3A_1102 = tpu.memref_slice %arg8[%parallel_loop3A_1098, %parallel_loop3A_1099, %parallel_loop3A_1100, %parallel_loop3A_1101] : memref<4x8x8x136xf32, #tpu.memory_space<vmem>> -> memref<1x8x8x136xf32, #tpu.memory_space<vmem>>
        %parallel_loop3A_1103 = tpu.memref_squeeze %parallel_loop3A_1102 : memref<1x8x8x136xf32, #tpu.memory_space<vmem>> -> memref<8x8x136xf32, #tpu.memory_space<vmem>>
        tpu.vector_store_idx %parallel_loop3A_1103[%shift_right_arithmetic3A_49, %and3A_72, %parallel_loop3A_1055], %parallel_loop3A_1097 : memref<8x8x136xf32, #tpu.memory_space<vmem>>[vector<16xi32>, vector<16xi32>, vector<16xi32>], vector<16xf32>,
      } {sc.loop_unroll_factor = 2 : i64, sc.parallel_access}
      %add3A_539 = arith.addi %mul3A_2, %add3A_456 : i32
      %jit3A_540 = arith.constant 32 : i32
      %div3A_541 = arith.divsi %add3A_539, %jit3A_540 : i32
      %sign3A_542 = arith.constant 0 : i32
      %sign3A_543 = arith.cmpi sgt, %add3A_539, %sign3A_542 : i32
      %sign3A_544 = arith.extui %sign3A_543 : i1 to i32
      %sign3A_545 = arith.constant 0 : i32
      %sign3A_546 = arith.cmpi slt, %add3A_539, %sign3A_545 : i32
      %sign3A_547 = arith.extui %sign3A_546 : i1 to i32
      %sign3A_548 = arith.subi %sign3A_544, %sign3A_547 : i32
      %sign3A_549 = arith.constant 0 : i32
      %sign3A_550 = arith.cmpi sgt, %jit3A_540, %sign3A_549 : i32
      %sign3A_551 = arith.extui %sign3A_550 : i1 to i32
      %sign3A_552 = arith.constant 0 : i32
      %sign3A_553 = arith.cmpi slt, %jit3A_540, %sign3A_552 : i32
      %sign3A_554 = arith.extui %sign3A_553 : i1 to i32
      %sign3A_555 = arith.subi %sign3A_551, %sign3A_554 : i32
      %ne3A_556 = arith.cmpi ne, %sign3A_548, %sign3A_555 : i32
      %rem3A_557 = arith.remsi %add3A_539, %jit3A_540 : i32
      %ne3A_558 = arith.constant 0 : i32
      %ne3A_559 = arith.cmpi ne, %rem3A_557, %ne3A_558 : i32
      %and3A_560 = arith.andi %ne3A_556, %ne3A_559 : i1
      %sub3A_561 = arith.constant 1 : i32
      %sub3A_562 = arith.subi %div3A_541, %sub3A_561 : i32
      %select_n3A_563 = arith.select %and3A_560, %sub3A_562, %div3A_541 : i32
      %jit3A_564 = arith.constant 32 : i32
      %eq3A_565 = arith.constant 0 : i32
      %eq3A_566 = arith.cmpi eq, %jit3A_564, %eq3A_565 : i32
      %jit3A_567 = arith.constant 1 : i32
      %select_n3A_568 = arith.select %eq3A_566, %jit3A_567, %jit3A_564 : i32
      %rem3A_569 = arith.remsi %add3A_539, %select_n3A_568 : i32
      %ne3A_570 = arith.constant 0 : i32
      %ne3A_571 = arith.cmpi ne, %rem3A_569, %ne3A_570 : i32
      %lt3A_572 = arith.constant 0 : i32
      %lt3A_573 = arith.cmpi slt, %rem3A_569, %lt3A_572 : i32
      %lt3A_574 = arith.constant 0 : i32
      %lt3A_575 = arith.cmpi slt, %select_n3A_568, %lt3A_574 : i32
      %ne3A_576 = arith.xori %lt3A_573, %lt3A_575 : i1
      %and3A_577 = arith.andi %ne3A_576, %ne3A_571 : i1
      %add3A_578 = arith.addi %rem3A_569, %select_n3A_568 : i32
      %select_n3A_579 = arith.select %and3A_577, %add3A_578, %rem3A_569 : i32
      %dma_start3A_580 = arith.constant 0 : i32
      %dma_start3A_581 = arith.constant 0 : i32
      %dma_start3A_582 = arith.constant 0 : i32
      %dma_start3A_583 = arith.constant 0 : i32
      %dma_start3A_584 = tpu.memref_slice %arg8[%dma_start3A_580, %dma_start3A_581, %dma_start3A_582, %dma_start3A_583] : memref<4x8x8x136xf32, #tpu.memory_space<vmem>> -> memref<1x8x8x128xf32, #tpu.memory_space<vmem>>
      %dma_start3A_585 = tpu.memref_squeeze %dma_start3A_584 : memref<1x8x8x128xf32, #tpu.memory_space<vmem>> -> memref<8x8x128xf32, #tpu.memory_space<vmem>>
      %dma_start3A_586 = arith.constant 0 : i32
      %dma_start3A_587 = arith.constant 0 : i32
      %dma_start3A_588 = arith.constant 0 : i32
      %dma_start3A_589 = tpu.memref_slice %arg5[%select_n3A_563, %dma_start3A_586, %select_n3A_579, %dma_start3A_587, %dma_start3A_588] : memref<200x8x32x8x128xf32, #tpu.memory_space<hbm>> -> memref<1x8x1x8x128xf32, #tpu.memory_space<hbm>>
      %dma_start3A_590 = tpu.memref_squeeze %dma_start3A_589 : memref<1x8x1x8x128xf32, #tpu.memory_space<hbm>> -> memref<8x8x128xf32, #tpu.memory_space<hbm>>
      %dma_start3A_591 = arith.constant 0 : i32
      %dma_start3A_592 = arith.constant 0 : i32
      %dma_start3A_593 = arith.constant 0 : i32
      %dma_start3A_594 = tpu.memref_slice %arg5[%select_n3A_563, %dma_start3A_591, %select_n3A_579, %dma_start3A_592, %dma_start3A_593] : memref<200x8x32x8x128xf32, #tpu.memory_space<hbm>> -> memref<1x8x1x8x128xf32, #tpu.memory_space<hbm>>
      %dma_start3A_595 = tpu.memref_squeeze %dma_start3A_594 : memref<1x8x1x8x128xf32, #tpu.memory_space<hbm>> -> memref<8x8x128xf32, #tpu.memory_space<hbm>>
      %dma_start3A_596 = arith.constant 0 : i32
      %dma_start3A_597 = arith.constant 0 : i32
      %dma_start3A_598 = arith.constant 0 : i32
      %dma_start3A_599 = tpu.memref_slice %arg8[%dma_start3A_580, %dma_start3A_596, %dma_start3A_597, %dma_start3A_598] : memref<4x8x8x136xf32, #tpu.memory_space<vmem>> -> memref<1x8x8x128xf32, #tpu.memory_space<vmem>>
      %dma_start3A_600 = tpu.memref_squeeze %dma_start3A_599 : memref<1x8x8x128xf32, #tpu.memory_space<vmem>> -> memref<8x8x128xf32, #tpu.memory_space<vmem>>
      tpu.enqueue_dma source(%dma_start3A_600 : memref<8x8x128xf32, #tpu.memory_space<vmem>>) target(%dma_start3A_595 : memref<8x8x128xf32, #tpu.memory_space<hbm>>) target_semaphore(%arg14 : memref<!tpu.dma_semaphore, #tpu.memory_space<semaphore_mem>>)
      %add3A_601 = arith.constant 1 : i32
      %add3A_602 = arith.addi %add3A_454, %add3A_601 : i32
      %add3A_603 = arith.constant 2 : i32
      %add3A_604 = arith.addi %add3A_602, %add3A_603 : i32
      %lt3A_605 = arith.constant 200 : i32
      %lt3A_606 = arith.cmpi slt, %add3A_604, %lt3A_605 : i32
      %convert_element_type3A_607 = arith.extui %lt3A_606 : i1 to i32
      %cond3A_608 = arith.constant 0 : i32
      %cond3A_609 = arith.cmpi ne, %convert_element_type3A_607, %cond3A_608 : i32
      scf.if %cond3A_609 {
        %dma_wait3A_1054 = arith.constant 0 : i32
        %dma_wait3A_1055 = arith.constant 0 : i32
        %dma_wait3A_1056 = arith.constant 0 : i32
        %dma_wait3A_1057 = arith.constant 3 : i32
        %dma_wait3A_1058 = arith.constant 0 : i32
        %dma_wait3A_1059 = tpu.memref_slice %arg6[%dma_wait3A_1057, %dma_wait3A_1058] : memref<4x128xi32, #tpu.memory_space<vmem>> -> memref<1x128xi32, #tpu.memory_space<vmem>>
        %dma_wait3A_1060 = tpu.memref_squeeze %dma_wait3A_1059 : memref<1x128xi32, #tpu.memory_space<vmem>> -> memref<128xi32, #tpu.memory_space<vmem>>
        %dma_wait3A_1061 = arith.constant 0 : i32
        %dma_wait3A_1062 = tpu.memref_slice %arg2[%dma_wait3A_1054, %dma_wait3A_1055, %dma_wait3A_1056, %dma_wait3A_1061] : memref<25x32x8x128xi32, #tpu.memory_space<hbm>> -> memref<1x1x1x128xi32, #tpu.memory_space<hbm>>
        %dma_wait3A_1063 = tpu.memref_squeeze %dma_wait3A_1062 : memref<1x1x1x128xi32, #tpu.memory_space<hbm>> -> memref<128xi32, #tpu.memory_space<hbm>>
        %dma_wait3A_1064 = arith.constant 0 : i32
        %dma_wait3A_1065 = tpu.memref_slice %arg6[%dma_wait3A_1057, %dma_wait3A_1064] : memref<4x128xi32, #tpu.memory_space<vmem>> -> memref<1x128xi32, #tpu.memory_space<vmem>>
        %dma_wait3A_1066 = tpu.memref_squeeze %dma_wait3A_1065 : memref<1x128xi32, #tpu.memory_space<vmem>> -> memref<128xi32, #tpu.memory_space<vmem>>
        %dma_wait3A_1067 = arith.constant 0 : i32
        %dma_wait3A_1068 = tpu.memref_slice %arg2[%dma_wait3A_1054, %dma_wait3A_1055, %dma_wait3A_1056, %dma_wait3A_1067] : memref<25x32x8x128xi32, #tpu.memory_space<hbm>> -> memref<1x1x1x128xi32, #tpu.memory_space<hbm>>
        %dma_wait3A_1069 = tpu.memref_squeeze %dma_wait3A_1068 : memref<1x1x1x128xi32, #tpu.memory_space<hbm>> -> memref<128xi32, #tpu.memory_space<hbm>>
        tpu.wait_dma2 semaphore(%arg21 : memref<!tpu.dma_semaphore, #tpu.memory_space<semaphore_mem>>) src(%dma_wait3A_1069 : memref<128xi32, #tpu.memory_space<hbm>>) dst(%dma_wait3A_1066 : memref<128xi32, #tpu.memory_space<vmem>>)
        %dma_start3A_1070 = arith.constant 3 : i32
        %dma_start3A_1071 = arith.constant 3 : i32
        %dma_start3A_1072 = arith.constant 0 : i32
        %dma_start3A_1073 = arith.constant 0 : i32
        %dma_start3A_1074 = tpu.memref_slice %arg7[%dma_start3A_1071, %dma_start3A_1072, %dma_start3A_1073] : memref<4x128x64xf32, #tpu.memory_space<vmem>> -> memref<1x128x64xf32, #tpu.memory_space<vmem>>
        %dma_start3A_1075 = tpu.memref_squeeze %dma_start3A_1074 : memref<1x128x64xf32, #tpu.memory_space<vmem>> -> memref<128x64xf32, #tpu.memory_space<vmem>>
        %dma_start3A_1076 = arith.constant 0 : i32
        %dma_start3A_1077 = tpu.memref_slice %arg6[%dma_start3A_1070, %dma_start3A_1076] : memref<4x128xi32, #tpu.memory_space<vmem>> -> memref<1x128xi32, #tpu.memory_space<vmem>>
        %dma_start3A_1078 = tpu.memref_squeeze %dma_start3A_1077 : memref<1x128xi32, #tpu.memory_space<vmem>> -> memref<128xi32, #tpu.memory_space<vmem>>
        %dma_start3A_1079 = arith.constant 0 : i32
        %dma_start3A_1080 = arith.constant 0 : i32
        %dma_start3A_1081 = tpu.memref_slice %arg3[%dma_start3A_1079, %dma_start3A_1080] : memref<100000x64xf32, #tpu.memory_space<hbm>> -> memref<100000x64xf32, #tpu.memory_space<hbm>>
        tpu.enqueue_indirect_dma source(%dma_start3A_1081 : memref<100000x64xf32, #tpu.memory_space<hbm>>) target(%dma_start3A_1075 : memref<128x64xf32, #tpu.memory_space<vmem>>) offsets(%dma_start3A_1078 : memref<128xi32, #tpu.memory_space<vmem>>) semaphore(%arg13 : memref<!tpu.dma_semaphore, #tpu.memory_space<semaphore_mem>>)
      } else {
      }
      %ge3A_610 = arith.constant 4 : i32
      %ge3A_611 = arith.cmpi sge, %add3A_602, %ge3A_610 : i32
      %convert_element_type3A_612 = arith.extui %ge3A_611 : i1 to i32
      %cond3A_613 = arith.constant 0 : i32
      %cond3A_614 = arith.cmpi ne, %convert_element_type3A_612, %cond3A_613 : i32
      scf.if %cond3A_614 {
        %dma_wait3A_1054 = arith.constant 1 : i32
        %dma_wait3A_1055 = arith.constant 0 : i32
        %dma_wait3A_1056 = arith.constant 0 : i32
        %dma_wait3A_1057 = arith.constant 0 : i32
        %dma_wait3A_1058 = arith.constant 0 : i32
        %dma_wait3A_1059 = arith.constant 0 : i32
        %dma_wait3A_1060 = tpu.memref_slice %arg8[%dma_wait3A_1054, %dma_wait3A_1057, %dma_wait3A_1058, %dma_wait3A_1059] : memref<4x8x8x136xf32, #tpu.memory_space<vmem>> -> memref<1x8x8x128xf32, #tpu.memory_space<vmem>>
        %dma_wait3A_1061 = tpu.memref_squeeze %dma_wait3A_1060 : memref<1x8x8x128xf32, #tpu.memory_space<vmem>> -> memref<8x8x128xf32, #tpu.memory_space<vmem>>
        %dma_wait3A_1062 = arith.constant 0 : i32
        %dma_wait3A_1063 = arith.constant 0 : i32
        %dma_wait3A_1064 = arith.constant 0 : i32
        %dma_wait3A_1065 = tpu.memref_slice %arg5[%dma_wait3A_1055, %dma_wait3A_1062, %dma_wait3A_1056, %dma_wait3A_1063, %dma_wait3A_1064] : memref<200x8x32x8x128xf32, #tpu.memory_space<hbm>> -> memref<1x8x1x8x128xf32, #tpu.memory_space<hbm>>
        %dma_wait3A_1066 = tpu.memref_squeeze %dma_wait3A_1065 : memref<1x8x1x8x128xf32, #tpu.memory_space<hbm>> -> memref<8x8x128xf32, #tpu.memory_space<hbm>>
        %dma_wait3A_1067 = arith.constant 0 : i32
        %dma_wait3A_1068 = arith.constant 0 : i32
        %dma_wait3A_1069 = arith.constant 0 : i32
        %dma_wait3A_1070 = tpu.memref_slice %arg5[%dma_wait3A_1055, %dma_wait3A_1067, %dma_wait3A_1056, %dma_wait3A_1068, %dma_wait3A_1069] : memref<200x8x32x8x128xf32, #tpu.memory_space<hbm>> -> memref<1x8x1x8x128xf32, #tpu.memory_space<hbm>>
        %dma_wait3A_1071 = tpu.memref_squeeze %dma_wait3A_1070 : memref<1x8x1x8x128xf32, #tpu.memory_space<hbm>> -> memref<8x8x128xf32, #tpu.memory_space<hbm>>
        %dma_wait3A_1072 = arith.constant 0 : i32
        %dma_wait3A_1073 = arith.constant 0 : i32
        %dma_wait3A_1074 = arith.constant 0 : i32
        %dma_wait3A_1075 = tpu.memref_slice %arg8[%dma_wait3A_1054, %dma_wait3A_1072, %dma_wait3A_1073, %dma_wait3A_1074] : memref<4x8x8x136xf32, #tpu.memory_space<vmem>> -> memref<1x8x8x128xf32, #tpu.memory_space<vmem>>
        %dma_wait3A_1076 = tpu.memref_squeeze %dma_wait3A_1075 : memref<1x8x8x128xf32, #tpu.memory_space<vmem>> -> memref<8x8x128xf32, #tpu.memory_space<vmem>>
        tpu.wait_dma2 semaphore(%arg15 : memref<!tpu.dma_semaphore, #tpu.memory_space<semaphore_mem>>) src(%dma_wait3A_1076 : memref<8x8x128xf32, #tpu.memory_space<vmem>>) dst(%dma_wait3A_1071 : memref<8x8x128xf32, #tpu.memory_space<hbm>>)
      } else {
      }
      %dma_wait3A_615 = arith.constant 1 : i32
      %dma_wait3A_616 = arith.constant 1 : i32
      %dma_wait3A_617 = arith.constant 0 : i32
      %dma_wait3A_618 = arith.constant 0 : i32
      %dma_wait3A_619 = tpu.memref_slice %arg7[%dma_wait3A_616, %dma_wait3A_617, %dma_wait3A_618] : memref<4x128x64xf32, #tpu.memory_space<vmem>> -> memref<1x128x64xf32, #tpu.memory_space<vmem>>
      %dma_wait3A_620 = tpu.memref_squeeze %dma_wait3A_619 : memref<1x128x64xf32, #tpu.memory_space<vmem>> -> memref<128x64xf32, #tpu.memory_space<vmem>>
      %dma_wait3A_621 = arith.constant 0 : i32
      %dma_wait3A_622 = tpu.memref_slice %arg6[%dma_wait3A_615, %dma_wait3A_621] : memref<4x128xi32, #tpu.memory_space<vmem>> -> memref<1x128xi32, #tpu.memory_space<vmem>>
      %dma_wait3A_623 = tpu.memref_squeeze %dma_wait3A_622 : memref<1x128xi32, #tpu.memory_space<vmem>> -> memref<128xi32, #tpu.memory_space<vmem>>
      %dma_wait3A_624 = arith.constant 0 : i32
      %dma_wait3A_625 = arith.constant 0 : i32
      %dma_wait3A_626 = tpu.memref_slice %arg3[%dma_wait3A_624, %dma_wait3A_625] : memref<100000x64xf32, #tpu.memory_space<hbm>> -> memref<100000x64xf32, #tpu.memory_space<hbm>>
      tpu.wait_indirect_dma semaphore(%arg11 : memref<!tpu.dma_semaphore, #tpu.memory_space<semaphore_mem>>) src(%dma_wait3A_626 : memref<100000x64xf32, #tpu.memory_space<hbm>>) dst(%dma_wait3A_620 : memref<128x64xf32, #tpu.memory_space<vmem>>)
      %add3A_627 = arith.constant 4 : i32
      %add3A_628 = arith.addi %add3A_602, %add3A_627 : i32
      %lt3A_629 = arith.constant 200 : i32
      %lt3A_630 = arith.cmpi slt, %add3A_628, %lt3A_629 : i32
      %convert_element_type3A_631 = arith.extui %lt3A_630 : i1 to i32
      %cond3A_632 = arith.constant 0 : i32
      %cond3A_633 = arith.cmpi ne, %convert_element_type3A_631, %cond3A_632 : i32
      scf.if %cond3A_633 {
        %add3A_1054 = arith.constant 4 : i32
        %add3A_1055 = arith.addi %add3A_602, %add3A_1054 : i32
        %add3A_1056 = arith.addi %mul3A_2, %add3A_1055 : i32
        %jit3A_1057 = arith.constant 32 : i32
        %div3A_1058 = arith.divsi %add3A_1056, %jit3A_1057 : i32
        %sign3A_1059 = arith.constant 0 : i32
        %sign3A_1060 = arith.cmpi sgt, %add3A_1056, %sign3A_1059 : i32
        %sign3A_1061 = arith.extui %sign3A_1060 : i1 to i32
        %sign3A_1062 = arith.constant 0 : i32
        %sign3A_1063 = arith.cmpi slt, %add3A_1056, %sign3A_1062 : i32
        %sign3A_1064 = arith.extui %sign3A_1063 : i1 to i32
        %sign3A_1065 = arith.subi %sign3A_1061, %sign3A_1064 : i32
        %sign3A_1066 = arith.constant 0 : i32
        %sign3A_1067 = arith.cmpi sgt, %jit3A_1057, %sign3A_1066 : i32
        %sign3A_1068 = arith.extui %sign3A_1067 : i1 to i32
        %sign3A_1069 = arith.constant 0 : i32
        %sign3A_1070 = arith.cmpi slt, %jit3A_1057, %sign3A_1069 : i32
        %sign3A_1071 = arith.extui %sign3A_1070 : i1 to i32
        %sign3A_1072 = arith.subi %sign3A_1068, %sign3A_1071 : i32
        %ne3A_1073 = arith.cmpi ne, %sign3A_1065, %sign3A_1072 : i32
        %rem3A_1074 = arith.remsi %add3A_1056, %jit3A_1057 : i32
        %ne3A_1075 = arith.constant 0 : i32
        %ne3A_1076 = arith.cmpi ne, %rem3A_1074, %ne3A_1075 : i32
        %and3A_1077 = arith.andi %ne3A_1073, %ne3A_1076 : i1
        %sub3A_1078 = arith.constant 1 : i32
        %sub3A_1079 = arith.subi %div3A_1058, %sub3A_1078 : i32
        %select_n3A_1080 = arith.select %and3A_1077, %sub3A_1079, %div3A_1058 : i32
        %jit3A_1081 = arith.constant 32 : i32
        %eq3A_1082 = arith.constant 0 : i32
        %eq3A_1083 = arith.cmpi eq, %jit3A_1081, %eq3A_1082 : i32
        %jit3A_1084 = arith.constant 1 : i32
        %select_n3A_1085 = arith.select %eq3A_1083, %jit3A_1084, %jit3A_1081 : i32
        %rem3A_1086 = arith.remsi %add3A_1056, %select_n3A_1085 : i32
        %ne3A_1087 = arith.constant 0 : i32
        %ne3A_1088 = arith.cmpi ne, %rem3A_1086, %ne3A_1087 : i32
        %lt3A_1089 = arith.constant 0 : i32
        %lt3A_1090 = arith.cmpi slt, %rem3A_1086, %lt3A_1089 : i32
        %lt3A_1091 = arith.constant 0 : i32
        %lt3A_1092 = arith.cmpi slt, %select_n3A_1085, %lt3A_1091 : i32
        %ne3A_1093 = arith.xori %lt3A_1090, %lt3A_1092 : i1
        %and3A_1094 = arith.andi %ne3A_1093, %ne3A_1088 : i1
        %add3A_1095 = arith.addi %rem3A_1086, %select_n3A_1085 : i32
        %select_n3A_1096 = arith.select %and3A_1094, %add3A_1095, %rem3A_1086 : i32
        %shift_right_arithmetic3A_1097 = arith.constant 3 : i32
        %shift_right_arithmetic3A_1098 = arith.shrsi %select_n3A_1080, %shift_right_arithmetic3A_1097 : i32
        %and3A_1099 = arith.constant 7 : i32
        %and3A_1100 = arith.andi %select_n3A_1080, %and3A_1099 : i32
        %dma_start3A_1101 = arith.constant 1 : i32
        %dma_start3A_1102 = arith.constant 0 : i32
        %dma_start3A_1103 = tpu.memref_slice %arg6[%dma_start3A_1101, %dma_start3A_1102] : memref<4x128xi32, #tpu.memory_space<vmem>> -> memref<1x128xi32, #tpu.memory_space<vmem>>
        %dma_start3A_1104 = tpu.memref_squeeze %dma_start3A_1103 : memref<1x128xi32, #tpu.memory_space<vmem>> -> memref<128xi32, #tpu.memory_space<vmem>>
        %dma_start3A_1105 = arith.constant 0 : i32
        %dma_start3A_1106 = tpu.memref_slice %arg2[%shift_right_arithmetic3A_1098, %select_n3A_1096, %and3A_1100, %dma_start3A_1105] : memref<25x32x8x128xi32, #tpu.memory_space<hbm>> -> memref<1x1x1x128xi32, #tpu.memory_space<hbm>>
        %dma_start3A_1107 = tpu.memref_squeeze %dma_start3A_1106 : memref<1x1x1x128xi32, #tpu.memory_space<hbm>> -> memref<128xi32, #tpu.memory_space<hbm>>
        %dma_start3A_1108 = arith.constant 0 : i32
        %dma_start3A_1109 = tpu.memref_slice %arg6[%dma_start3A_1101, %dma_start3A_1108] : memref<4x128xi32, #tpu.memory_space<vmem>> -> memref<1x128xi32, #tpu.memory_space<vmem>>
        %dma_start3A_1110 = tpu.memref_squeeze %dma_start3A_1109 : memref<1x128xi32, #tpu.memory_space<vmem>> -> memref<128xi32, #tpu.memory_space<vmem>>
        %dma_start3A_1111 = arith.constant 0 : i32
        %dma_start3A_1112 = tpu.memref_slice %arg2[%shift_right_arithmetic3A_1098, %select_n3A_1096, %and3A_1100, %dma_start3A_1111] : memref<25x32x8x128xi32, #tpu.memory_space<hbm>> -> memref<1x1x1x128xi32, #tpu.memory_space<hbm>>
        %dma_start3A_1113 = tpu.memref_squeeze %dma_start3A_1112 : memref<1x1x1x128xi32, #tpu.memory_space<hbm>> -> memref<128xi32, #tpu.memory_space<hbm>>
        tpu.enqueue_dma source(%dma_start3A_1113 : memref<128xi32, #tpu.memory_space<hbm>>) target(%dma_start3A_1110 : memref<128xi32, #tpu.memory_space<vmem>>) target_semaphore(%arg19 : memref<!tpu.dma_semaphore, #tpu.memory_space<semaphore_mem>>)
      } else {
      }
      %add3A_634 = arith.addi %mul3A_2, %add3A_602 : i32
      %jit3A_635 = arith.constant 32 : i32
      %div3A_636 = arith.divsi %add3A_634, %jit3A_635 : i32
      %sign3A_637 = arith.constant 0 : i32
      %sign3A_638 = arith.cmpi sgt, %add3A_634, %sign3A_637 : i32
      %sign3A_639 = arith.extui %sign3A_638 : i1 to i32
      %sign3A_640 = arith.constant 0 : i32
      %sign3A_641 = arith.cmpi slt, %add3A_634, %sign3A_640 : i32
      %sign3A_642 = arith.extui %sign3A_641 : i1 to i32
      %sign3A_643 = arith.subi %sign3A_639, %sign3A_642 : i32
      %sign3A_644 = arith.constant 0 : i32
      %sign3A_645 = arith.cmpi sgt, %jit3A_635, %sign3A_644 : i32
      %sign3A_646 = arith.extui %sign3A_645 : i1 to i32
      %sign3A_647 = arith.constant 0 : i32
      %sign3A_648 = arith.cmpi slt, %jit3A_635, %sign3A_647 : i32
      %sign3A_649 = arith.extui %sign3A_648 : i1 to i32
      %sign3A_650 = arith.subi %sign3A_646, %sign3A_649 : i32
      %ne3A_651 = arith.cmpi ne, %sign3A_643, %sign3A_650 : i32
      %rem3A_652 = arith.remsi %add3A_634, %jit3A_635 : i32
      %ne3A_653 = arith.constant 0 : i32
      %ne3A_654 = arith.cmpi ne, %rem3A_652, %ne3A_653 : i32
      %and3A_655 = arith.andi %ne3A_651, %ne3A_654 : i1
      %sub3A_656 = arith.constant 1 : i32
      %sub3A_657 = arith.subi %div3A_636, %sub3A_656 : i32
      %select_n3A_658 = arith.select %and3A_655, %sub3A_657, %div3A_636 : i32
      %jit3A_659 = arith.constant 32 : i32
      %eq3A_660 = arith.constant 0 : i32
      %eq3A_661 = arith.cmpi eq, %jit3A_659, %eq3A_660 : i32
      %jit3A_662 = arith.constant 1 : i32
      %select_n3A_663 = arith.select %eq3A_661, %jit3A_662, %jit3A_659 : i32
      %rem3A_664 = arith.remsi %add3A_634, %select_n3A_663 : i32
      %ne3A_665 = arith.constant 0 : i32
      %ne3A_666 = arith.cmpi ne, %rem3A_664, %ne3A_665 : i32
      %lt3A_667 = arith.constant 0 : i32
      %lt3A_668 = arith.cmpi slt, %rem3A_664, %lt3A_667 : i32
      %lt3A_669 = arith.constant 0 : i32
      %lt3A_670 = arith.cmpi slt, %select_n3A_663, %lt3A_669 : i32
      %ne3A_671 = arith.xori %lt3A_668, %lt3A_670 : i1
      %and3A_672 = arith.andi %ne3A_671, %ne3A_666 : i1
      %add3A_673 = arith.addi %rem3A_664, %select_n3A_663 : i32
      %select_n3A_674 = arith.select %and3A_672, %add3A_673, %rem3A_664 : i32
      %get3A_675 = arith.index_cast %select_n3A_658 : i32 to index
      %get3A_676 = arith.constant 0 : index
      %get3A_677 = tpu.vector_load %arg9[%get3A_675, %get3A_676] {strides = array<i32>} : memref<200x64xf32, #tpu.memory_space<vmem>>, vector<16xf32>,
      %get3A_678 = arith.index_cast %select_n3A_658 : i32 to index
      %get3A_679 = arith.constant 16 : index
      %get3A_680 = tpu.vector_load %arg9[%get3A_678, %get3A_679] {strides = array<i32>} : memref<200x64xf32, #tpu.memory_space<vmem>>, vector<16xf32>,
      %get3A_681 = arith.index_cast %select_n3A_658 : i32 to index
      %get3A_682 = arith.constant 32 : index
      %get3A_683 = tpu.vector_load %arg9[%get3A_681, %get3A_682] {strides = array<i32>} : memref<200x64xf32, #tpu.memory_space<vmem>>, vector<16xf32>,
      %get3A_684 = arith.index_cast %select_n3A_658 : i32 to index
      %get3A_685 = arith.constant 48 : index
      %get3A_686 = tpu.vector_load %arg9[%get3A_684, %get3A_685] {strides = array<i32>} : memref<200x64xf32, #tpu.memory_space<vmem>>, vector<16xf32>,
      %parallel_loop3A_687 = arith.constant 0 : i32
      %parallel_loop3A_688 = arith.constant 128 : i32
      %parallel_loop3A_689 = arith.constant 1 : i32
      scf.for %parallel_loop3A_1054 = %parallel_loop3A_687 to %parallel_loop3A_688 step %parallel_loop3A_689  : i32 {
        %parallel_loop3A_1055 = vector.broadcast %parallel_loop3A_1054 : i32 to vector<16xi32>
        %parallel_loop3A_1056 = arith.constant 1 : i32
        %parallel_loop3A_1057 = arith.index_cast %parallel_loop3A_1056 : i32 to index
        %parallel_loop3A_1058 = arith.index_cast %parallel_loop3A_1054 : i32 to index
        %parallel_loop3A_1059 = arith.constant 0 : index
        %parallel_loop3A_1060 = tpu.vector_load %arg7[%parallel_loop3A_1057, %parallel_loop3A_1058, %parallel_loop3A_1059] {strides = array<i32>} : memref<4x128x64xf32, #tpu.memory_space<vmem>>, vector<16xf32>,
        %parallel_loop3A_1061 = arith.addf %parallel_loop3A_1060, %get3A_677 : vector<16xf32>
        %parallel_loop3A_1062 = arith.constant 1 : i32
        %parallel_loop3A_1063 = arith.constant 0 : i32
        %parallel_loop3A_1064 = arith.constant 0 : i32
        %parallel_loop3A_1065 = arith.constant 0 : i32
        %parallel_loop3A_1066 = tpu.memref_slice %arg8[%parallel_loop3A_1062, %parallel_loop3A_1063, %parallel_loop3A_1064, %parallel_loop3A_1065] : memref<4x8x8x136xf32, #tpu.memory_space<vmem>> -> memref<1x8x8x136xf32, #tpu.memory_space<vmem>>
        %parallel_loop3A_1067 = tpu.memref_squeeze %parallel_loop3A_1066 : memref<1x8x8x136xf32, #tpu.memory_space<vmem>> -> memref<8x8x136xf32, #tpu.memory_space<vmem>>
        tpu.vector_store_idx %parallel_loop3A_1067[%shift_right_arithmetic3A_31, %and3A_54, %parallel_loop3A_1055], %parallel_loop3A_1061 : memref<8x8x136xf32, #tpu.memory_space<vmem>>[vector<16xi32>, vector<16xi32>, vector<16xi32>], vector<16xf32>,
        %parallel_loop3A_1068 = arith.constant 1 : i32
        %parallel_loop3A_1069 = arith.index_cast %parallel_loop3A_1068 : i32 to index
        %parallel_loop3A_1070 = arith.index_cast %parallel_loop3A_1054 : i32 to index
        %parallel_loop3A_1071 = arith.constant 16 : index
        %parallel_loop3A_1072 = tpu.vector_load %arg7[%parallel_loop3A_1069, %parallel_loop3A_1070, %parallel_loop3A_1071] {strides = array<i32>} : memref<4x128x64xf32, #tpu.memory_space<vmem>>, vector<16xf32>,
        %parallel_loop3A_1073 = arith.addf %parallel_loop3A_1072, %get3A_680 : vector<16xf32>
        %parallel_loop3A_1074 = arith.constant 1 : i32
        %parallel_loop3A_1075 = arith.constant 0 : i32
        %parallel_loop3A_1076 = arith.constant 0 : i32
        %parallel_loop3A_1077 = arith.constant 0 : i32
        %parallel_loop3A_1078 = tpu.memref_slice %arg8[%parallel_loop3A_1074, %parallel_loop3A_1075, %parallel_loop3A_1076, %parallel_loop3A_1077] : memref<4x8x8x136xf32, #tpu.memory_space<vmem>> -> memref<1x8x8x136xf32, #tpu.memory_space<vmem>>
        %parallel_loop3A_1079 = tpu.memref_squeeze %parallel_loop3A_1078 : memref<1x8x8x136xf32, #tpu.memory_space<vmem>> -> memref<8x8x136xf32, #tpu.memory_space<vmem>>
        tpu.vector_store_idx %parallel_loop3A_1079[%shift_right_arithmetic3A_37, %and3A_60, %parallel_loop3A_1055], %parallel_loop3A_1073 : memref<8x8x136xf32, #tpu.memory_space<vmem>>[vector<16xi32>, vector<16xi32>, vector<16xi32>], vector<16xf32>,
        %parallel_loop3A_1080 = arith.constant 1 : i32
        %parallel_loop3A_1081 = arith.index_cast %parallel_loop3A_1080 : i32 to index
        %parallel_loop3A_1082 = arith.index_cast %parallel_loop3A_1054 : i32 to index
        %parallel_loop3A_1083 = arith.constant 32 : index
        %parallel_loop3A_1084 = tpu.vector_load %arg7[%parallel_loop3A_1081, %parallel_loop3A_1082, %parallel_loop3A_1083] {strides = array<i32>} : memref<4x128x64xf32, #tpu.memory_space<vmem>>, vector<16xf32>,
        %parallel_loop3A_1085 = arith.addf %parallel_loop3A_1084, %get3A_683 : vector<16xf32>
        %parallel_loop3A_1086 = arith.constant 1 : i32
        %parallel_loop3A_1087 = arith.constant 0 : i32
        %parallel_loop3A_1088 = arith.constant 0 : i32
        %parallel_loop3A_1089 = arith.constant 0 : i32
        %parallel_loop3A_1090 = tpu.memref_slice %arg8[%parallel_loop3A_1086, %parallel_loop3A_1087, %parallel_loop3A_1088, %parallel_loop3A_1089] : memref<4x8x8x136xf32, #tpu.memory_space<vmem>> -> memref<1x8x8x136xf32, #tpu.memory_space<vmem>>
        %parallel_loop3A_1091 = tpu.memref_squeeze %parallel_loop3A_1090 : memref<1x8x8x136xf32, #tpu.memory_space<vmem>> -> memref<8x8x136xf32, #tpu.memory_space<vmem>>
        tpu.vector_store_idx %parallel_loop3A_1091[%shift_right_arithmetic3A_43, %and3A_66, %parallel_loop3A_1055], %parallel_loop3A_1085 : memref<8x8x136xf32, #tpu.memory_space<vmem>>[vector<16xi32>, vector<16xi32>, vector<16xi32>], vector<16xf32>,
        %parallel_loop3A_1092 = arith.constant 1 : i32
        %parallel_loop3A_1093 = arith.index_cast %parallel_loop3A_1092 : i32 to index
        %parallel_loop3A_1094 = arith.index_cast %parallel_loop3A_1054 : i32 to index
        %parallel_loop3A_1095 = arith.constant 48 : index
        %parallel_loop3A_1096 = tpu.vector_load %arg7[%parallel_loop3A_1093, %parallel_loop3A_1094, %parallel_loop3A_1095] {strides = array<i32>} : memref<4x128x64xf32, #tpu.memory_space<vmem>>, vector<16xf32>,
        %parallel_loop3A_1097 = arith.addf %parallel_loop3A_1096, %get3A_686 : vector<16xf32>
        %parallel_loop3A_1098 = arith.constant 1 : i32
        %parallel_loop3A_1099 = arith.constant 0 : i32
        %parallel_loop3A_1100 = arith.constant 0 : i32
        %parallel_loop3A_1101 = arith.constant 0 : i32
        %parallel_loop3A_1102 = tpu.memref_slice %arg8[%parallel_loop3A_1098, %parallel_loop3A_1099, %parallel_loop3A_1100, %parallel_loop3A_1101] : memref<4x8x8x136xf32, #tpu.memory_space<vmem>> -> memref<1x8x8x136xf32, #tpu.memory_space<vmem>>
        %parallel_loop3A_1103 = tpu.memref_squeeze %parallel_loop3A_1102 : memref<1x8x8x136xf32, #tpu.memory_space<vmem>> -> memref<8x8x136xf32, #tpu.memory_space<vmem>>
        tpu.vector_store_idx %parallel_loop3A_1103[%shift_right_arithmetic3A_49, %and3A_72, %parallel_loop3A_1055], %parallel_loop3A_1097 : memref<8x8x136xf32, #tpu.memory_space<vmem>>[vector<16xi32>, vector<16xi32>, vector<16xi32>], vector<16xf32>,
      } {sc.loop_unroll_factor = 2 : i64, sc.parallel_access}
      %add3A_690 = arith.addi %mul3A_2, %add3A_602 : i32
      %jit3A_691 = arith.constant 32 : i32
      %div3A_692 = arith.divsi %add3A_690, %jit3A_691 : i32
      %sign3A_693 = arith.constant 0 : i32
      %sign3A_694 = arith.cmpi sgt, %add3A_690, %sign3A_693 : i32
      %sign3A_695 = arith.extui %sign3A_694 : i1 to i32
      %sign3A_696 = arith.constant 0 : i32
      %sign3A_697 = arith.cmpi slt, %add3A_690, %sign3A_696 : i32
      %sign3A_698 = arith.extui %sign3A_697 : i1 to i32
      %sign3A_699 = arith.subi %sign3A_695, %sign3A_698 : i32
      %sign3A_700 = arith.constant 0 : i32
      %sign3A_701 = arith.cmpi sgt, %jit3A_691, %sign3A_700 : i32
      %sign3A_702 = arith.extui %sign3A_701 : i1 to i32
      %sign3A_703 = arith.constant 0 : i32
      %sign3A_704 = arith.cmpi slt, %jit3A_691, %sign3A_703 : i32
      %sign3A_705 = arith.extui %sign3A_704 : i1 to i32
      %sign3A_706 = arith.subi %sign3A_702, %sign3A_705 : i32
      %ne3A_707 = arith.cmpi ne, %sign3A_699, %sign3A_706 : i32
      %rem3A_708 = arith.remsi %add3A_690, %jit3A_691 : i32
      %ne3A_709 = arith.constant 0 : i32
      %ne3A_710 = arith.cmpi ne, %rem3A_708, %ne3A_709 : i32
      %and3A_711 = arith.andi %ne3A_707, %ne3A_710 : i1
      %sub3A_712 = arith.constant 1 : i32
      %sub3A_713 = arith.subi %div3A_692, %sub3A_712 : i32
      %select_n3A_714 = arith.select %and3A_711, %sub3A_713, %div3A_692 : i32
      %jit3A_715 = arith.constant 32 : i32
      %eq3A_716 = arith.constant 0 : i32
      %eq3A_717 = arith.cmpi eq, %jit3A_715, %eq3A_716 : i32
      %jit3A_718 = arith.constant 1 : i32
      %select_n3A_719 = arith.select %eq3A_717, %jit3A_718, %jit3A_715 : i32
      %rem3A_720 = arith.remsi %add3A_690, %select_n3A_719 : i32
      %ne3A_721 = arith.constant 0 : i32
      %ne3A_722 = arith.cmpi ne, %rem3A_720, %ne3A_721 : i32
      %lt3A_723 = arith.constant 0 : i32
      %lt3A_724 = arith.cmpi slt, %rem3A_720, %lt3A_723 : i32
      %lt3A_725 = arith.constant 0 : i32
      %lt3A_726 = arith.cmpi slt, %select_n3A_719, %lt3A_725 : i32
      %ne3A_727 = arith.xori %lt3A_724, %lt3A_726 : i1
      %and3A_728 = arith.andi %ne3A_727, %ne3A_722 : i1
      %add3A_729 = arith.addi %rem3A_720, %select_n3A_719 : i32
      %select_n3A_730 = arith.select %and3A_728, %add3A_729, %rem3A_720 : i32
      %dma_start3A_731 = arith.constant 1 : i32
      %dma_start3A_732 = arith.constant 0 : i32
      %dma_start3A_733 = arith.constant 0 : i32
      %dma_start3A_734 = arith.constant 0 : i32
      %dma_start3A_735 = tpu.memref_slice %arg8[%dma_start3A_731, %dma_start3A_732, %dma_start3A_733, %dma_start3A_734] : memref<4x8x8x136xf32, #tpu.memory_space<vmem>> -> memref<1x8x8x128xf32, #tpu.memory_space<vmem>>
      %dma_start3A_736 = tpu.memref_squeeze %dma_start3A_735 : memref<1x8x8x128xf32, #tpu.memory_space<vmem>> -> memref<8x8x128xf32, #tpu.memory_space<vmem>>
      %dma_start3A_737 = arith.constant 0 : i32
      %dma_start3A_738 = arith.constant 0 : i32
      %dma_start3A_739 = arith.constant 0 : i32
      %dma_start3A_740 = tpu.memref_slice %arg5[%select_n3A_714, %dma_start3A_737, %select_n3A_730, %dma_start3A_738, %dma_start3A_739] : memref<200x8x32x8x128xf32, #tpu.memory_space<hbm>> -> memref<1x8x1x8x128xf32, #tpu.memory_space<hbm>>
      %dma_start3A_741 = tpu.memref_squeeze %dma_start3A_740 : memref<1x8x1x8x128xf32, #tpu.memory_space<hbm>> -> memref<8x8x128xf32, #tpu.memory_space<hbm>>
      %dma_start3A_742 = arith.constant 0 : i32
      %dma_start3A_743 = arith.constant 0 : i32
      %dma_start3A_744 = arith.constant 0 : i32
      %dma_start3A_745 = tpu.memref_slice %arg5[%select_n3A_714, %dma_start3A_742, %select_n3A_730, %dma_start3A_743, %dma_start3A_744] : memref<200x8x32x8x128xf32, #tpu.memory_space<hbm>> -> memref<1x8x1x8x128xf32, #tpu.memory_space<hbm>>
      %dma_start3A_746 = tpu.memref_squeeze %dma_start3A_745 : memref<1x8x1x8x128xf32, #tpu.memory_space<hbm>> -> memref<8x8x128xf32, #tpu.memory_space<hbm>>
      %dma_start3A_747 = arith.constant 0 : i32
      %dma_start3A_748 = arith.constant 0 : i32
      %dma_start3A_749 = arith.constant 0 : i32
      %dma_start3A_750 = tpu.memref_slice %arg8[%dma_start3A_731, %dma_start3A_747, %dma_start3A_748, %dma_start3A_749] : memref<4x8x8x136xf32, #tpu.memory_space<vmem>> -> memref<1x8x8x128xf32, #tpu.memory_space<vmem>>
      %dma_start3A_751 = tpu.memref_squeeze %dma_start3A_750 : memref<1x8x8x128xf32, #tpu.memory_space<vmem>> -> memref<8x8x128xf32, #tpu.memory_space<vmem>>
      tpu.enqueue_dma source(%dma_start3A_751 : memref<8x8x128xf32, #tpu.memory_space<vmem>>) target(%dma_start3A_746 : memref<8x8x128xf32, #tpu.memory_space<hbm>>) target_semaphore(%arg15 : memref<!tpu.dma_semaphore, #tpu.memory_space<semaphore_mem>>)
      %add3A_752 = arith.constant 2 : i32
      %add3A_753 = arith.addi %add3A_454, %add3A_752 : i32
      %add3A_754 = arith.constant 2 : i32
      %add3A_755 = arith.addi %add3A_753, %add3A_754 : i32
      %lt3A_756 = arith.constant 200 : i32
      %lt3A_757 = arith.cmpi slt, %add3A_755, %lt3A_756 : i32
      %convert_element_type3A_758 = arith.extui %lt3A_757 : i1 to i32
      %cond3A_759 = arith.constant 0 : i32
      %cond3A_760 = arith.cmpi ne, %convert_element_type3A_758, %cond3A_759 : i32
      scf.if %cond3A_760 {
        %dma_wait3A_1054 = arith.constant 0 : i32
        %dma_wait3A_1055 = arith.constant 0 : i32
        %dma_wait3A_1056 = arith.constant 0 : i32
        %dma_wait3A_1057 = arith.constant 0 : i32
        %dma_wait3A_1058 = arith.constant 0 : i32
        %dma_wait3A_1059 = tpu.memref_slice %arg6[%dma_wait3A_1057, %dma_wait3A_1058] : memref<4x128xi32, #tpu.memory_space<vmem>> -> memref<1x128xi32, #tpu.memory_space<vmem>>
        %dma_wait3A_1060 = tpu.memref_squeeze %dma_wait3A_1059 : memref<1x128xi32, #tpu.memory_space<vmem>> -> memref<128xi32, #tpu.memory_space<vmem>>
        %dma_wait3A_1061 = arith.constant 0 : i32
        %dma_wait3A_1062 = tpu.memref_slice %arg2[%dma_wait3A_1054, %dma_wait3A_1055, %dma_wait3A_1056, %dma_wait3A_1061] : memref<25x32x8x128xi32, #tpu.memory_space<hbm>> -> memref<1x1x1x128xi32, #tpu.memory_space<hbm>>
        %dma_wait3A_1063 = tpu.memref_squeeze %dma_wait3A_1062 : memref<1x1x1x128xi32, #tpu.memory_space<hbm>> -> memref<128xi32, #tpu.memory_space<hbm>>
        %dma_wait3A_1064 = arith.constant 0 : i32
        %dma_wait3A_1065 = tpu.memref_slice %arg6[%dma_wait3A_1057, %dma_wait3A_1064] : memref<4x128xi32, #tpu.memory_space<vmem>> -> memref<1x128xi32, #tpu.memory_space<vmem>>
        %dma_wait3A_1066 = tpu.memref_squeeze %dma_wait3A_1065 : memref<1x128xi32, #tpu.memory_space<vmem>> -> memref<128xi32, #tpu.memory_space<vmem>>
        %dma_wait3A_1067 = arith.constant 0 : i32
        %dma_wait3A_1068 = tpu.memref_slice %arg2[%dma_wait3A_1054, %dma_wait3A_1055, %dma_wait3A_1056, %dma_wait3A_1067] : memref<25x32x8x128xi32, #tpu.memory_space<hbm>> -> memref<1x1x1x128xi32, #tpu.memory_space<hbm>>
        %dma_wait3A_1069 = tpu.memref_squeeze %dma_wait3A_1068 : memref<1x1x1x128xi32, #tpu.memory_space<hbm>> -> memref<128xi32, #tpu.memory_space<hbm>>
        tpu.wait_dma2 semaphore(%arg18 : memref<!tpu.dma_semaphore, #tpu.memory_space<semaphore_mem>>) src(%dma_wait3A_1069 : memref<128xi32, #tpu.memory_space<hbm>>) dst(%dma_wait3A_1066 : memref<128xi32, #tpu.memory_space<vmem>>)
        %dma_start3A_1070 = arith.constant 0 : i32
        %dma_start3A_1071 = arith.constant 0 : i32
        %dma_start3A_1072 = arith.constant 0 : i32
        %dma_start3A_1073 = arith.constant 0 : i32
        %dma_start3A_1074 = tpu.memref_slice %arg7[%dma_start3A_1071, %dma_start3A_1072, %dma_start3A_1073] : memref<4x128x64xf32, #tpu.memory_space<vmem>> -> memref<1x128x64xf32, #tpu.memory_space<vmem>>
        %dma_start3A_1075 = tpu.memref_squeeze %dma_start3A_1074 : memref<1x128x64xf32, #tpu.memory_space<vmem>> -> memref<128x64xf32, #tpu.memory_space<vmem>>
        %dma_start3A_1076 = arith.constant 0 : i32
        %dma_start3A_1077 = tpu.memref_slice %arg6[%dma_start3A_1070, %dma_start3A_1076] : memref<4x128xi32, #tpu.memory_space<vmem>> -> memref<1x128xi32, #tpu.memory_space<vmem>>
        %dma_start3A_1078 = tpu.memref_squeeze %dma_start3A_1077 : memref<1x128xi32, #tpu.memory_space<vmem>> -> memref<128xi32, #tpu.memory_space<vmem>>
        %dma_start3A_1079 = arith.constant 0 : i32
        %dma_start3A_1080 = arith.constant 0 : i32
        %dma_start3A_1081 = tpu.memref_slice %arg3[%dma_start3A_1079, %dma_start3A_1080] : memref<100000x64xf32, #tpu.memory_space<hbm>> -> memref<100000x64xf32, #tpu.memory_space<hbm>>
        tpu.enqueue_indirect_dma source(%dma_start3A_1081 : memref<100000x64xf32, #tpu.memory_space<hbm>>) target(%dma_start3A_1075 : memref<128x64xf32, #tpu.memory_space<vmem>>) offsets(%dma_start3A_1078 : memref<128xi32, #tpu.memory_space<vmem>>) semaphore(%arg10 : memref<!tpu.dma_semaphore, #tpu.memory_space<semaphore_mem>>)
      } else {
      }
      %ge3A_761 = arith.constant 4 : i32
      %ge3A_762 = arith.cmpi sge, %add3A_753, %ge3A_761 : i32
      %convert_element_type3A_763 = arith.extui %ge3A_762 : i1 to i32
      %cond3A_764 = arith.constant 0 : i32
      %cond3A_765 = arith.cmpi ne, %convert_element_type3A_763, %cond3A_764 : i32
      scf.if %cond3A_765 {
        %dma_wait3A_1054 = arith.constant 2 : i32
        %dma_wait3A_1055 = arith.constant 0 : i32
        %dma_wait3A_1056 = arith.constant 0 : i32
        %dma_wait3A_1057 = arith.constant 0 : i32
        %dma_wait3A_1058 = arith.constant 0 : i32
        %dma_wait3A_1059 = arith.constant 0 : i32
        %dma_wait3A_1060 = tpu.memref_slice %arg8[%dma_wait3A_1054, %dma_wait3A_1057, %dma_wait3A_1058, %dma_wait3A_1059] : memref<4x8x8x136xf32, #tpu.memory_space<vmem>> -> memref<1x8x8x128xf32, #tpu.memory_space<vmem>>
        %dma_wait3A_1061 = tpu.memref_squeeze %dma_wait3A_1060 : memref<1x8x8x128xf32, #tpu.memory_space<vmem>> -> memref<8x8x128xf32, #tpu.memory_space<vmem>>
        %dma_wait3A_1062 = arith.constant 0 : i32
        %dma_wait3A_1063 = arith.constant 0 : i32
        %dma_wait3A_1064 = arith.constant 0 : i32
        %dma_wait3A_1065 = tpu.memref_slice %arg5[%dma_wait3A_1055, %dma_wait3A_1062, %dma_wait3A_1056, %dma_wait3A_1063, %dma_wait3A_1064] : memref<200x8x32x8x128xf32, #tpu.memory_space<hbm>> -> memref<1x8x1x8x128xf32, #tpu.memory_space<hbm>>
        %dma_wait3A_1066 = tpu.memref_squeeze %dma_wait3A_1065 : memref<1x8x1x8x128xf32, #tpu.memory_space<hbm>> -> memref<8x8x128xf32, #tpu.memory_space<hbm>>
        %dma_wait3A_1067 = arith.constant 0 : i32
        %dma_wait3A_1068 = arith.constant 0 : i32
        %dma_wait3A_1069 = arith.constant 0 : i32
        %dma_wait3A_1070 = tpu.memref_slice %arg5[%dma_wait3A_1055, %dma_wait3A_1067, %dma_wait3A_1056, %dma_wait3A_1068, %dma_wait3A_1069] : memref<200x8x32x8x128xf32, #tpu.memory_space<hbm>> -> memref<1x8x1x8x128xf32, #tpu.memory_space<hbm>>
        %dma_wait3A_1071 = tpu.memref_squeeze %dma_wait3A_1070 : memref<1x8x1x8x128xf32, #tpu.memory_space<hbm>> -> memref<8x8x128xf32, #tpu.memory_space<hbm>>
        %dma_wait3A_1072 = arith.constant 0 : i32
        %dma_wait3A_1073 = arith.constant 0 : i32
        %dma_wait3A_1074 = arith.constant 0 : i32
        %dma_wait3A_1075 = tpu.memref_slice %arg8[%dma_wait3A_1054, %dma_wait3A_1072, %dma_wait3A_1073, %dma_wait3A_1074] : memref<4x8x8x136xf32, #tpu.memory_space<vmem>> -> memref<1x8x8x128xf32, #tpu.memory_space<vmem>>
        %dma_wait3A_1076 = tpu.memref_squeeze %dma_wait3A_1075 : memref<1x8x8x128xf32, #tpu.memory_space<vmem>> -> memref<8x8x128xf32, #tpu.memory_space<vmem>>
        tpu.wait_dma2 semaphore(%arg16 : memref<!tpu.dma_semaphore, #tpu.memory_space<semaphore_mem>>) src(%dma_wait3A_1076 : memref<8x8x128xf32, #tpu.memory_space<vmem>>) dst(%dma_wait3A_1071 : memref<8x8x128xf32, #tpu.memory_space<hbm>>)
      } else {
      }
      %dma_wait3A_766 = arith.constant 2 : i32
      %dma_wait3A_767 = arith.constant 2 : i32
      %dma_wait3A_768 = arith.constant 0 : i32
      %dma_wait3A_769 = arith.constant 0 : i32
      %dma_wait3A_770 = tpu.memref_slice %arg7[%dma_wait3A_767, %dma_wait3A_768, %dma_wait3A_769] : memref<4x128x64xf32, #tpu.memory_space<vmem>> -> memref<1x128x64xf32, #tpu.memory_space<vmem>>
      %dma_wait3A_771 = tpu.memref_squeeze %dma_wait3A_770 : memref<1x128x64xf32, #tpu.memory_space<vmem>> -> memref<128x64xf32, #tpu.memory_space<vmem>>
      %dma_wait3A_772 = arith.constant 0 : i32
      %dma_wait3A_773 = tpu.memref_slice %arg6[%dma_wait3A_766, %dma_wait3A_772] : memref<4x128xi32, #tpu.memory_space<vmem>> -> memref<1x128xi32, #tpu.memory_space<vmem>>
      %dma_wait3A_774 = tpu.memref_squeeze %dma_wait3A_773 : memref<1x128xi32, #tpu.memory_space<vmem>> -> memref<128xi32, #tpu.memory_space<vmem>>
      %dma_wait3A_775 = arith.constant 0 : i32
      %dma_wait3A_776 = arith.constant 0 : i32
      %dma_wait3A_777 = tpu.memref_slice %arg3[%dma_wait3A_775, %dma_wait3A_776] : memref<100000x64xf32, #tpu.memory_space<hbm>> -> memref<100000x64xf32, #tpu.memory_space<hbm>>
      tpu.wait_indirect_dma semaphore(%arg12 : memref<!tpu.dma_semaphore, #tpu.memory_space<semaphore_mem>>) src(%dma_wait3A_777 : memref<100000x64xf32, #tpu.memory_space<hbm>>) dst(%dma_wait3A_771 : memref<128x64xf32, #tpu.memory_space<vmem>>)
      %add3A_778 = arith.constant 4 : i32
      %add3A_779 = arith.addi %add3A_753, %add3A_778 : i32
      %lt3A_780 = arith.constant 200 : i32
      %lt3A_781 = arith.cmpi slt, %add3A_779, %lt3A_780 : i32
      %convert_element_type3A_782 = arith.extui %lt3A_781 : i1 to i32
      %cond3A_783 = arith.constant 0 : i32
      %cond3A_784 = arith.cmpi ne, %convert_element_type3A_782, %cond3A_783 : i32
      scf.if %cond3A_784 {
        %add3A_1054 = arith.constant 4 : i32
        %add3A_1055 = arith.addi %add3A_753, %add3A_1054 : i32
        %add3A_1056 = arith.addi %mul3A_2, %add3A_1055 : i32
        %jit3A_1057 = arith.constant 32 : i32
        %div3A_1058 = arith.divsi %add3A_1056, %jit3A_1057 : i32
        %sign3A_1059 = arith.constant 0 : i32
        %sign3A_1060 = arith.cmpi sgt, %add3A_1056, %sign3A_1059 : i32
        %sign3A_1061 = arith.extui %sign3A_1060 : i1 to i32
        %sign3A_1062 = arith.constant 0 : i32
        %sign3A_1063 = arith.cmpi slt, %add3A_1056, %sign3A_1062 : i32
        %sign3A_1064 = arith.extui %sign3A_1063 : i1 to i32
        %sign3A_1065 = arith.subi %sign3A_1061, %sign3A_1064 : i32
        %sign3A_1066 = arith.constant 0 : i32
        %sign3A_1067 = arith.cmpi sgt, %jit3A_1057, %sign3A_1066 : i32
        %sign3A_1068 = arith.extui %sign3A_1067 : i1 to i32
        %sign3A_1069 = arith.constant 0 : i32
        %sign3A_1070 = arith.cmpi slt, %jit3A_1057, %sign3A_1069 : i32
        %sign3A_1071 = arith.extui %sign3A_1070 : i1 to i32
        %sign3A_1072 = arith.subi %sign3A_1068, %sign3A_1071 : i32
        %ne3A_1073 = arith.cmpi ne, %sign3A_1065, %sign3A_1072 : i32
        %rem3A_1074 = arith.remsi %add3A_1056, %jit3A_1057 : i32
        %ne3A_1075 = arith.constant 0 : i32
        %ne3A_1076 = arith.cmpi ne, %rem3A_1074, %ne3A_1075 : i32
        %and3A_1077 = arith.andi %ne3A_1073, %ne3A_1076 : i1
        %sub3A_1078 = arith.constant 1 : i32
        %sub3A_1079 = arith.subi %div3A_1058, %sub3A_1078 : i32
        %select_n3A_1080 = arith.select %and3A_1077, %sub3A_1079, %div3A_1058 : i32
        %jit3A_1081 = arith.constant 32 : i32
        %eq3A_1082 = arith.constant 0 : i32
        %eq3A_1083 = arith.cmpi eq, %jit3A_1081, %eq3A_1082 : i32
        %jit3A_1084 = arith.constant 1 : i32
        %select_n3A_1085 = arith.select %eq3A_1083, %jit3A_1084, %jit3A_1081 : i32
        %rem3A_1086 = arith.remsi %add3A_1056, %select_n3A_1085 : i32
        %ne3A_1087 = arith.constant 0 : i32
        %ne3A_1088 = arith.cmpi ne, %rem3A_1086, %ne3A_1087 : i32
        %lt3A_1089 = arith.constant 0 : i32
        %lt3A_1090 = arith.cmpi slt, %rem3A_1086, %lt3A_1089 : i32
        %lt3A_1091 = arith.constant 0 : i32
        %lt3A_1092 = arith.cmpi slt, %select_n3A_1085, %lt3A_1091 : i32
        %ne3A_1093 = arith.xori %lt3A_1090, %lt3A_1092 : i1
        %and3A_1094 = arith.andi %ne3A_1093, %ne3A_1088 : i1
        %add3A_1095 = arith.addi %rem3A_1086, %select_n3A_1085 : i32
        %select_n3A_1096 = arith.select %and3A_1094, %add3A_1095, %rem3A_1086 : i32
        %shift_right_arithmetic3A_1097 = arith.constant 3 : i32
        %shift_right_arithmetic3A_1098 = arith.shrsi %select_n3A_1080, %shift_right_arithmetic3A_1097 : i32
        %and3A_1099 = arith.constant 7 : i32
        %and3A_1100 = arith.andi %select_n3A_1080, %and3A_1099 : i32
        %dma_start3A_1101 = arith.constant 2 : i32
        %dma_start3A_1102 = arith.constant 0 : i32
        %dma_start3A_1103 = tpu.memref_slice %arg6[%dma_start3A_1101, %dma_start3A_1102] : memref<4x128xi32, #tpu.memory_space<vmem>> -> memref<1x128xi32, #tpu.memory_space<vmem>>
        %dma_start3A_1104 = tpu.memref_squeeze %dma_start3A_1103 : memref<1x128xi32, #tpu.memory_space<vmem>> -> memref<128xi32, #tpu.memory_space<vmem>>
        %dma_start3A_1105 = arith.constant 0 : i32
        %dma_start3A_1106 = tpu.memref_slice %arg2[%shift_right_arithmetic3A_1098, %select_n3A_1096, %and3A_1100, %dma_start3A_1105] : memref<25x32x8x128xi32, #tpu.memory_space<hbm>> -> memref<1x1x1x128xi32, #tpu.memory_space<hbm>>
        %dma_start3A_1107 = tpu.memref_squeeze %dma_start3A_1106 : memref<1x1x1x128xi32, #tpu.memory_space<hbm>> -> memref<128xi32, #tpu.memory_space<hbm>>
        %dma_start3A_1108 = arith.constant 0 : i32
        %dma_start3A_1109 = tpu.memref_slice %arg6[%dma_start3A_1101, %dma_start3A_1108] : memref<4x128xi32, #tpu.memory_space<vmem>> -> memref<1x128xi32, #tpu.memory_space<vmem>>
        %dma_start3A_1110 = tpu.memref_squeeze %dma_start3A_1109 : memref<1x128xi32, #tpu.memory_space<vmem>> -> memref<128xi32, #tpu.memory_space<vmem>>
        %dma_start3A_1111 = arith.constant 0 : i32
        %dma_start3A_1112 = tpu.memref_slice %arg2[%shift_right_arithmetic3A_1098, %select_n3A_1096, %and3A_1100, %dma_start3A_1111] : memref<25x32x8x128xi32, #tpu.memory_space<hbm>> -> memref<1x1x1x128xi32, #tpu.memory_space<hbm>>
        %dma_start3A_1113 = tpu.memref_squeeze %dma_start3A_1112 : memref<1x1x1x128xi32, #tpu.memory_space<hbm>> -> memref<128xi32, #tpu.memory_space<hbm>>
        tpu.enqueue_dma source(%dma_start3A_1113 : memref<128xi32, #tpu.memory_space<hbm>>) target(%dma_start3A_1110 : memref<128xi32, #tpu.memory_space<vmem>>) target_semaphore(%arg20 : memref<!tpu.dma_semaphore, #tpu.memory_space<semaphore_mem>>)
      } else {
      }
      %add3A_785 = arith.addi %mul3A_2, %add3A_753 : i32
      %jit3A_786 = arith.constant 32 : i32
      %div3A_787 = arith.divsi %add3A_785, %jit3A_786 : i32
      %sign3A_788 = arith.constant 0 : i32
      %sign3A_789 = arith.cmpi sgt, %add3A_785, %sign3A_788 : i32
      %sign3A_790 = arith.extui %sign3A_789 : i1 to i32
      %sign3A_791 = arith.constant 0 : i32
      %sign3A_792 = arith.cmpi slt, %add3A_785, %sign3A_791 : i32
      %sign3A_793 = arith.extui %sign3A_792 : i1 to i32
      %sign3A_794 = arith.subi %sign3A_790, %sign3A_793 : i32
      %sign3A_795 = arith.constant 0 : i32
      %sign3A_796 = arith.cmpi sgt, %jit3A_786, %sign3A_795 : i32
      %sign3A_797 = arith.extui %sign3A_796 : i1 to i32
      %sign3A_798 = arith.constant 0 : i32
      %sign3A_799 = arith.cmpi slt, %jit3A_786, %sign3A_798 : i32
      %sign3A_800 = arith.extui %sign3A_799 : i1 to i32
      %sign3A_801 = arith.subi %sign3A_797, %sign3A_800 : i32
      %ne3A_802 = arith.cmpi ne, %sign3A_794, %sign3A_801 : i32
      %rem3A_803 = arith.remsi %add3A_785, %jit3A_786 : i32
      %ne3A_804 = arith.constant 0 : i32
      %ne3A_805 = arith.cmpi ne, %rem3A_803, %ne3A_804 : i32
      %and3A_806 = arith.andi %ne3A_802, %ne3A_805 : i1
      %sub3A_807 = arith.constant 1 : i32
      %sub3A_808 = arith.subi %div3A_787, %sub3A_807 : i32
      %select_n3A_809 = arith.select %and3A_806, %sub3A_808, %div3A_787 : i32
      %jit3A_810 = arith.constant 32 : i32
      %eq3A_811 = arith.constant 0 : i32
      %eq3A_812 = arith.cmpi eq, %jit3A_810, %eq3A_811 : i32
      %jit3A_813 = arith.constant 1 : i32
      %select_n3A_814 = arith.select %eq3A_812, %jit3A_813, %jit3A_810 : i32
      %rem3A_815 = arith.remsi %add3A_785, %select_n3A_814 : i32
      %ne3A_816 = arith.constant 0 : i32
      %ne3A_817 = arith.cmpi ne, %rem3A_815, %ne3A_816 : i32
      %lt3A_818 = arith.constant 0 : i32
      %lt3A_819 = arith.cmpi slt, %rem3A_815, %lt3A_818 : i32
      %lt3A_820 = arith.constant 0 : i32
      %lt3A_821 = arith.cmpi slt, %select_n3A_814, %lt3A_820 : i32
      %ne3A_822 = arith.xori %lt3A_819, %lt3A_821 : i1
      %and3A_823 = arith.andi %ne3A_822, %ne3A_817 : i1
      %add3A_824 = arith.addi %rem3A_815, %select_n3A_814 : i32
      %select_n3A_825 = arith.select %and3A_823, %add3A_824, %rem3A_815 : i32
      %get3A_826 = arith.index_cast %select_n3A_809 : i32 to index
      %get3A_827 = arith.constant 0 : index
      %get3A_828 = tpu.vector_load %arg9[%get3A_826, %get3A_827] {strides = array<i32>} : memref<200x64xf32, #tpu.memory_space<vmem>>, vector<16xf32>,
      %get3A_829 = arith.index_cast %select_n3A_809 : i32 to index
      %get3A_830 = arith.constant 16 : index
      %get3A_831 = tpu.vector_load %arg9[%get3A_829, %get3A_830] {strides = array<i32>} : memref<200x64xf32, #tpu.memory_space<vmem>>, vector<16xf32>,
      %get3A_832 = arith.index_cast %select_n3A_809 : i32 to index
      %get3A_833 = arith.constant 32 : index
      %get3A_834 = tpu.vector_load %arg9[%get3A_832, %get3A_833] {strides = array<i32>} : memref<200x64xf32, #tpu.memory_space<vmem>>, vector<16xf32>,
      %get3A_835 = arith.index_cast %select_n3A_809 : i32 to index
      %get3A_836 = arith.constant 48 : index
      %get3A_837 = tpu.vector_load %arg9[%get3A_835, %get3A_836] {strides = array<i32>} : memref<200x64xf32, #tpu.memory_space<vmem>>, vector<16xf32>,
      %parallel_loop3A_838 = arith.constant 0 : i32
      %parallel_loop3A_839 = arith.constant 128 : i32
      %parallel_loop3A_840 = arith.constant 1 : i32
      scf.for %parallel_loop3A_1054 = %parallel_loop3A_838 to %parallel_loop3A_839 step %parallel_loop3A_840  : i32 {
        %parallel_loop3A_1055 = vector.broadcast %parallel_loop3A_1054 : i32 to vector<16xi32>
        %parallel_loop3A_1056 = arith.constant 2 : i32
        %parallel_loop3A_1057 = arith.index_cast %parallel_loop3A_1056 : i32 to index
        %parallel_loop3A_1058 = arith.index_cast %parallel_loop3A_1054 : i32 to index
        %parallel_loop3A_1059 = arith.constant 0 : index
        %parallel_loop3A_1060 = tpu.vector_load %arg7[%parallel_loop3A_1057, %parallel_loop3A_1058, %parallel_loop3A_1059] {strides = array<i32>} : memref<4x128x64xf32, #tpu.memory_space<vmem>>, vector<16xf32>,
        %parallel_loop3A_1061 = arith.addf %parallel_loop3A_1060, %get3A_828 : vector<16xf32>
        %parallel_loop3A_1062 = arith.constant 2 : i32
        %parallel_loop3A_1063 = arith.constant 0 : i32
        %parallel_loop3A_1064 = arith.constant 0 : i32
        %parallel_loop3A_1065 = arith.constant 0 : i32
        %parallel_loop3A_1066 = tpu.memref_slice %arg8[%parallel_loop3A_1062, %parallel_loop3A_1063, %parallel_loop3A_1064, %parallel_loop3A_1065] : memref<4x8x8x136xf32, #tpu.memory_space<vmem>> -> memref<1x8x8x136xf32, #tpu.memory_space<vmem>>
        %parallel_loop3A_1067 = tpu.memref_squeeze %parallel_loop3A_1066 : memref<1x8x8x136xf32, #tpu.memory_space<vmem>> -> memref<8x8x136xf32, #tpu.memory_space<vmem>>
        tpu.vector_store_idx %parallel_loop3A_1067[%shift_right_arithmetic3A_31, %and3A_54, %parallel_loop3A_1055], %parallel_loop3A_1061 : memref<8x8x136xf32, #tpu.memory_space<vmem>>[vector<16xi32>, vector<16xi32>, vector<16xi32>], vector<16xf32>,
        %parallel_loop3A_1068 = arith.constant 2 : i32
        %parallel_loop3A_1069 = arith.index_cast %parallel_loop3A_1068 : i32 to index
        %parallel_loop3A_1070 = arith.index_cast %parallel_loop3A_1054 : i32 to index
        %parallel_loop3A_1071 = arith.constant 16 : index
        %parallel_loop3A_1072 = tpu.vector_load %arg7[%parallel_loop3A_1069, %parallel_loop3A_1070, %parallel_loop3A_1071] {strides = array<i32>} : memref<4x128x64xf32, #tpu.memory_space<vmem>>, vector<16xf32>,
        %parallel_loop3A_1073 = arith.addf %parallel_loop3A_1072, %get3A_831 : vector<16xf32>
        %parallel_loop3A_1074 = arith.constant 2 : i32
        %parallel_loop3A_1075 = arith.constant 0 : i32
        %parallel_loop3A_1076 = arith.constant 0 : i32
        %parallel_loop3A_1077 = arith.constant 0 : i32
        %parallel_loop3A_1078 = tpu.memref_slice %arg8[%parallel_loop3A_1074, %parallel_loop3A_1075, %parallel_loop3A_1076, %parallel_loop3A_1077] : memref<4x8x8x136xf32, #tpu.memory_space<vmem>> -> memref<1x8x8x136xf32, #tpu.memory_space<vmem>>
        %parallel_loop3A_1079 = tpu.memref_squeeze %parallel_loop3A_1078 : memref<1x8x8x136xf32, #tpu.memory_space<vmem>> -> memref<8x8x136xf32, #tpu.memory_space<vmem>>
        tpu.vector_store_idx %parallel_loop3A_1079[%shift_right_arithmetic3A_37, %and3A_60, %parallel_loop3A_1055], %parallel_loop3A_1073 : memref<8x8x136xf32, #tpu.memory_space<vmem>>[vector<16xi32>, vector<16xi32>, vector<16xi32>], vector<16xf32>,
        %parallel_loop3A_1080 = arith.constant 2 : i32
        %parallel_loop3A_1081 = arith.index_cast %parallel_loop3A_1080 : i32 to index
        %parallel_loop3A_1082 = arith.index_cast %parallel_loop3A_1054 : i32 to index
        %parallel_loop3A_1083 = arith.constant 32 : index
        %parallel_loop3A_1084 = tpu.vector_load %arg7[%parallel_loop3A_1081, %parallel_loop3A_1082, %parallel_loop3A_1083] {strides = array<i32>} : memref<4x128x64xf32, #tpu.memory_space<vmem>>, vector<16xf32>,
        %parallel_loop3A_1085 = arith.addf %parallel_loop3A_1084, %get3A_834 : vector<16xf32>
        %parallel_loop3A_1086 = arith.constant 2 : i32
        %parallel_loop3A_1087 = arith.constant 0 : i32
        %parallel_loop3A_1088 = arith.constant 0 : i32
        %parallel_loop3A_1089 = arith.constant 0 : i32
        %parallel_loop3A_1090 = tpu.memref_slice %arg8[%parallel_loop3A_1086, %parallel_loop3A_1087, %parallel_loop3A_1088, %parallel_loop3A_1089] : memref<4x8x8x136xf32, #tpu.memory_space<vmem>> -> memref<1x8x8x136xf32, #tpu.memory_space<vmem>>
        %parallel_loop3A_1091 = tpu.memref_squeeze %parallel_loop3A_1090 : memref<1x8x8x136xf32, #tpu.memory_space<vmem>> -> memref<8x8x136xf32, #tpu.memory_space<vmem>>
        tpu.vector_store_idx %parallel_loop3A_1091[%shift_right_arithmetic3A_43, %and3A_66, %parallel_loop3A_1055], %parallel_loop3A_1085 : memref<8x8x136xf32, #tpu.memory_space<vmem>>[vector<16xi32>, vector<16xi32>, vector<16xi32>], vector<16xf32>,
        %parallel_loop3A_1092 = arith.constant 2 : i32
        %parallel_loop3A_1093 = arith.index_cast %parallel_loop3A_1092 : i32 to index
        %parallel_loop3A_1094 = arith.index_cast %parallel_loop3A_1054 : i32 to index
        %parallel_loop3A_1095 = arith.constant 48 : index
        %parallel_loop3A_1096 = tpu.vector_load %arg7[%parallel_loop3A_1093, %parallel_loop3A_1094, %parallel_loop3A_1095] {strides = array<i32>} : memref<4x128x64xf32, #tpu.memory_space<vmem>>, vector<16xf32>,
        %parallel_loop3A_1097 = arith.addf %parallel_loop3A_1096, %get3A_837 : vector<16xf32>
        %parallel_loop3A_1098 = arith.constant 2 : i32
        %parallel_loop3A_1099 = arith.constant 0 : i32
        %parallel_loop3A_1100 = arith.constant 0 : i32
        %parallel_loop3A_1101 = arith.constant 0 : i32
        %parallel_loop3A_1102 = tpu.memref_slice %arg8[%parallel_loop3A_1098, %parallel_loop3A_1099, %parallel_loop3A_1100, %parallel_loop3A_1101] : memref<4x8x8x136xf32, #tpu.memory_space<vmem>> -> memref<1x8x8x136xf32, #tpu.memory_space<vmem>>
        %parallel_loop3A_1103 = tpu.memref_squeeze %parallel_loop3A_1102 : memref<1x8x8x136xf32, #tpu.memory_space<vmem>> -> memref<8x8x136xf32, #tpu.memory_space<vmem>>
        tpu.vector_store_idx %parallel_loop3A_1103[%shift_right_arithmetic3A_49, %and3A_72, %parallel_loop3A_1055], %parallel_loop3A_1097 : memref<8x8x136xf32, #tpu.memory_space<vmem>>[vector<16xi32>, vector<16xi32>, vector<16xi32>], vector<16xf32>,
      } {sc.loop_unroll_factor = 2 : i64, sc.parallel_access}
      %add3A_841 = arith.addi %mul3A_2, %add3A_753 : i32
      %jit3A_842 = arith.constant 32 : i32
      %div3A_843 = arith.divsi %add3A_841, %jit3A_842 : i32
      %sign3A_844 = arith.constant 0 : i32
      %sign3A_845 = arith.cmpi sgt, %add3A_841, %sign3A_844 : i32
      %sign3A_846 = arith.extui %sign3A_845 : i1 to i32
      %sign3A_847 = arith.constant 0 : i32
      %sign3A_848 = arith.cmpi slt, %add3A_841, %sign3A_847 : i32
      %sign3A_849 = arith.extui %sign3A_848 : i1 to i32
      %sign3A_850 = arith.subi %sign3A_846, %sign3A_849 : i32
      %sign3A_851 = arith.constant 0 : i32
      %sign3A_852 = arith.cmpi sgt, %jit3A_842, %sign3A_851 : i32
      %sign3A_853 = arith.extui %sign3A_852 : i1 to i32
      %sign3A_854 = arith.constant 0 : i32
      %sign3A_855 = arith.cmpi slt, %jit3A_842, %sign3A_854 : i32
      %sign3A_856 = arith.extui %sign3A_855 : i1 to i32
      %sign3A_857 = arith.subi %sign3A_853, %sign3A_856 : i32
      %ne3A_858 = arith.cmpi ne, %sign3A_850, %sign3A_857 : i32
      %rem3A_859 = arith.remsi %add3A_841, %jit3A_842 : i32
      %ne3A_860 = arith.constant 0 : i32
      %ne3A_861 = arith.cmpi ne, %rem3A_859, %ne3A_860 : i32
      %and3A_862 = arith.andi %ne3A_858, %ne3A_861 : i1
      %sub3A_863 = arith.constant 1 : i32
      %sub3A_864 = arith.subi %div3A_843, %sub3A_863 : i32
      %select_n3A_865 = arith.select %and3A_862, %sub3A_864, %div3A_843 : i32
      %jit3A_866 = arith.constant 32 : i32
      %eq3A_867 = arith.constant 0 : i32
      %eq3A_868 = arith.cmpi eq, %jit3A_866, %eq3A_867 : i32
      %jit3A_869 = arith.constant 1 : i32
      %select_n3A_870 = arith.select %eq3A_868, %jit3A_869, %jit3A_866 : i32
      %rem3A_871 = arith.remsi %add3A_841, %select_n3A_870 : i32
      %ne3A_872 = arith.constant 0 : i32
      %ne3A_873 = arith.cmpi ne, %rem3A_871, %ne3A_872 : i32
      %lt3A_874 = arith.constant 0 : i32
      %lt3A_875 = arith.cmpi slt, %rem3A_871, %lt3A_874 : i32
      %lt3A_876 = arith.constant 0 : i32
      %lt3A_877 = arith.cmpi slt, %select_n3A_870, %lt3A_876 : i32
      %ne3A_878 = arith.xori %lt3A_875, %lt3A_877 : i1
      %and3A_879 = arith.andi %ne3A_878, %ne3A_873 : i1
      %add3A_880 = arith.addi %rem3A_871, %select_n3A_870 : i32
      %select_n3A_881 = arith.select %and3A_879, %add3A_880, %rem3A_871 : i32
      %dma_start3A_882 = arith.constant 2 : i32
      %dma_start3A_883 = arith.constant 0 : i32
      %dma_start3A_884 = arith.constant 0 : i32
      %dma_start3A_885 = arith.constant 0 : i32
      %dma_start3A_886 = tpu.memref_slice %arg8[%dma_start3A_882, %dma_start3A_883, %dma_start3A_884, %dma_start3A_885] : memref<4x8x8x136xf32, #tpu.memory_space<vmem>> -> memref<1x8x8x128xf32, #tpu.memory_space<vmem>>
      %dma_start3A_887 = tpu.memref_squeeze %dma_start3A_886 : memref<1x8x8x128xf32, #tpu.memory_space<vmem>> -> memref<8x8x128xf32, #tpu.memory_space<vmem>>
      %dma_start3A_888 = arith.constant 0 : i32
      %dma_start3A_889 = arith.constant 0 : i32
      %dma_start3A_890 = arith.constant 0 : i32
      %dma_start3A_891 = tpu.memref_slice %arg5[%select_n3A_865, %dma_start3A_888, %select_n3A_881, %dma_start3A_889, %dma_start3A_890] : memref<200x8x32x8x128xf32, #tpu.memory_space<hbm>> -> memref<1x8x1x8x128xf32, #tpu.memory_space<hbm>>
      %dma_start3A_892 = tpu.memref_squeeze %dma_start3A_891 : memref<1x8x1x8x128xf32, #tpu.memory_space<hbm>> -> memref<8x8x128xf32, #tpu.memory_space<hbm>>
      %dma_start3A_893 = arith.constant 0 : i32
      %dma_start3A_894 = arith.constant 0 : i32
      %dma_start3A_895 = arith.constant 0 : i32
      %dma_start3A_896 = tpu.memref_slice %arg5[%select_n3A_865, %dma_start3A_893, %select_n3A_881, %dma_start3A_894, %dma_start3A_895] : memref<200x8x32x8x128xf32, #tpu.memory_space<hbm>> -> memref<1x8x1x8x128xf32, #tpu.memory_space<hbm>>
      %dma_start3A_897 = tpu.memref_squeeze %dma_start3A_896 : memref<1x8x1x8x128xf32, #tpu.memory_space<hbm>> -> memref<8x8x128xf32, #tpu.memory_space<hbm>>
      %dma_start3A_898 = arith.constant 0 : i32
      %dma_start3A_899 = arith.constant 0 : i32
      %dma_start3A_900 = arith.constant 0 : i32
      %dma_start3A_901 = tpu.memref_slice %arg8[%dma_start3A_882, %dma_start3A_898, %dma_start3A_899, %dma_start3A_900] : memref<4x8x8x136xf32, #tpu.memory_space<vmem>> -> memref<1x8x8x128xf32, #tpu.memory_space<vmem>>
      %dma_start3A_902 = tpu.memref_squeeze %dma_start3A_901 : memref<1x8x8x128xf32, #tpu.memory_space<vmem>> -> memref<8x8x128xf32, #tpu.memory_space<vmem>>
      tpu.enqueue_dma source(%dma_start3A_902 : memref<8x8x128xf32, #tpu.memory_space<vmem>>) target(%dma_start3A_897 : memref<8x8x128xf32, #tpu.memory_space<hbm>>) target_semaphore(%arg16 : memref<!tpu.dma_semaphore, #tpu.memory_space<semaphore_mem>>)
      %add3A_903 = arith.constant 3 : i32
      %add3A_904 = arith.addi %add3A_454, %add3A_903 : i32
      %add3A_905 = arith.constant 2 : i32
      %add3A_906 = arith.addi %add3A_904, %add3A_905 : i32
      %lt3A_907 = arith.constant 200 : i32
      %lt3A_908 = arith.cmpi slt, %add3A_906, %lt3A_907 : i32
      %convert_element_type3A_909 = arith.extui %lt3A_908 : i1 to i32
      %cond3A_910 = arith.constant 0 : i32
      %cond3A_911 = arith.cmpi ne, %convert_element_type3A_909, %cond3A_910 : i32
      scf.if %cond3A_911 {
        %dma_wait3A_1054 = arith.constant 0 : i32
        %dma_wait3A_1055 = arith.constant 0 : i32
        %dma_wait3A_1056 = arith.constant 0 : i32
        %dma_wait3A_1057 = arith.constant 1 : i32
        %dma_wait3A_1058 = arith.constant 0 : i32
        %dma_wait3A_1059 = tpu.memref_slice %arg6[%dma_wait3A_1057, %dma_wait3A_1058] : memref<4x128xi32, #tpu.memory_space<vmem>> -> memref<1x128xi32, #tpu.memory_space<vmem>>
        %dma_wait3A_1060 = tpu.memref_squeeze %dma_wait3A_1059 : memref<1x128xi32, #tpu.memory_space<vmem>> -> memref<128xi32, #tpu.memory_space<vmem>>
        %dma_wait3A_1061 = arith.constant 0 : i32
        %dma_wait3A_1062 = tpu.memref_slice %arg2[%dma_wait3A_1054, %dma_wait3A_1055, %dma_wait3A_1056, %dma_wait3A_1061] : memref<25x32x8x128xi32, #tpu.memory_space<hbm>> -> memref<1x1x1x128xi32, #tpu.memory_space<hbm>>
        %dma_wait3A_1063 = tpu.memref_squeeze %dma_wait3A_1062 : memref<1x1x1x128xi32, #tpu.memory_space<hbm>> -> memref<128xi32, #tpu.memory_space<hbm>>
        %dma_wait3A_1064 = arith.constant 0 : i32
        %dma_wait3A_1065 = tpu.memref_slice %arg6[%dma_wait3A_1057, %dma_wait3A_1064] : memref<4x128xi32, #tpu.memory_space<vmem>> -> memref<1x128xi32, #tpu.memory_space<vmem>>
        %dma_wait3A_1066 = tpu.memref_squeeze %dma_wait3A_1065 : memref<1x128xi32, #tpu.memory_space<vmem>> -> memref<128xi32, #tpu.memory_space<vmem>>
        %dma_wait3A_1067 = arith.constant 0 : i32
        %dma_wait3A_1068 = tpu.memref_slice %arg2[%dma_wait3A_1054, %dma_wait3A_1055, %dma_wait3A_1056, %dma_wait3A_1067] : memref<25x32x8x128xi32, #tpu.memory_space<hbm>> -> memref<1x1x1x128xi32, #tpu.memory_space<hbm>>
        %dma_wait3A_1069 = tpu.memref_squeeze %dma_wait3A_1068 : memref<1x1x1x128xi32, #tpu.memory_space<hbm>> -> memref<128xi32, #tpu.memory_space<hbm>>
        tpu.wait_dma2 semaphore(%arg19 : memref<!tpu.dma_semaphore, #tpu.memory_space<semaphore_mem>>) src(%dma_wait3A_1069 : memref<128xi32, #tpu.memory_space<hbm>>) dst(%dma_wait3A_1066 : memref<128xi32, #tpu.memory_space<vmem>>)
        %dma_start3A_1070 = arith.constant 1 : i32
        %dma_start3A_1071 = arith.constant 1 : i32
        %dma_start3A_1072 = arith.constant 0 : i32
        %dma_start3A_1073 = arith.constant 0 : i32
        %dma_start3A_1074 = tpu.memref_slice %arg7[%dma_start3A_1071, %dma_start3A_1072, %dma_start3A_1073] : memref<4x128x64xf32, #tpu.memory_space<vmem>> -> memref<1x128x64xf32, #tpu.memory_space<vmem>>
        %dma_start3A_1075 = tpu.memref_squeeze %dma_start3A_1074 : memref<1x128x64xf32, #tpu.memory_space<vmem>> -> memref<128x64xf32, #tpu.memory_space<vmem>>
        %dma_start3A_1076 = arith.constant 0 : i32
        %dma_start3A_1077 = tpu.memref_slice %arg6[%dma_start3A_1070, %dma_start3A_1076] : memref<4x128xi32, #tpu.memory_space<vmem>> -> memref<1x128xi32, #tpu.memory_space<vmem>>
        %dma_start3A_1078 = tpu.memref_squeeze %dma_start3A_1077 : memref<1x128xi32, #tpu.memory_space<vmem>> -> memref<128xi32, #tpu.memory_space<vmem>>
        %dma_start3A_1079 = arith.constant 0 : i32
        %dma_start3A_1080 = arith.constant 0 : i32
        %dma_start3A_1081 = tpu.memref_slice %arg3[%dma_start3A_1079, %dma_start3A_1080] : memref<100000x64xf32, #tpu.memory_space<hbm>> -> memref<100000x64xf32, #tpu.memory_space<hbm>>
        tpu.enqueue_indirect_dma source(%dma_start3A_1081 : memref<100000x64xf32, #tpu.memory_space<hbm>>) target(%dma_start3A_1075 : memref<128x64xf32, #tpu.memory_space<vmem>>) offsets(%dma_start3A_1078 : memref<128xi32, #tpu.memory_space<vmem>>) semaphore(%arg11 : memref<!tpu.dma_semaphore, #tpu.memory_space<semaphore_mem>>)
      } else {
      }
      %ge3A_912 = arith.constant 4 : i32
      %ge3A_913 = arith.cmpi sge, %add3A_904, %ge3A_912 : i32
      %convert_element_type3A_914 = arith.extui %ge3A_913 : i1 to i32
      %cond3A_915 = arith.constant 0 : i32
      %cond3A_916 = arith.cmpi ne, %convert_element_type3A_914, %cond3A_915 : i32
      scf.if %cond3A_916 {
        %dma_wait3A_1054 = arith.constant 3 : i32
        %dma_wait3A_1055 = arith.constant 0 : i32
        %dma_wait3A_1056 = arith.constant 0 : i32
        %dma_wait3A_1057 = arith.constant 0 : i32
        %dma_wait3A_1058 = arith.constant 0 : i32
        %dma_wait3A_1059 = arith.constant 0 : i32
        %dma_wait3A_1060 = tpu.memref_slice %arg8[%dma_wait3A_1054, %dma_wait3A_1057, %dma_wait3A_1058, %dma_wait3A_1059] : memref<4x8x8x136xf32, #tpu.memory_space<vmem>> -> memref<1x8x8x128xf32, #tpu.memory_space<vmem>>
        %dma_wait3A_1061 = tpu.memref_squeeze %dma_wait3A_1060 : memref<1x8x8x128xf32, #tpu.memory_space<vmem>> -> memref<8x8x128xf32, #tpu.memory_space<vmem>>
        %dma_wait3A_1062 = arith.constant 0 : i32
        %dma_wait3A_1063 = arith.constant 0 : i32
        %dma_wait3A_1064 = arith.constant 0 : i32
        %dma_wait3A_1065 = tpu.memref_slice %arg5[%dma_wait3A_1055, %dma_wait3A_1062, %dma_wait3A_1056, %dma_wait3A_1063, %dma_wait3A_1064] : memref<200x8x32x8x128xf32, #tpu.memory_space<hbm>> -> memref<1x8x1x8x128xf32, #tpu.memory_space<hbm>>
        %dma_wait3A_1066 = tpu.memref_squeeze %dma_wait3A_1065 : memref<1x8x1x8x128xf32, #tpu.memory_space<hbm>> -> memref<8x8x128xf32, #tpu.memory_space<hbm>>
        %dma_wait3A_1067 = arith.constant 0 : i32
        %dma_wait3A_1068 = arith.constant 0 : i32
        %dma_wait3A_1069 = arith.constant 0 : i32
        %dma_wait3A_1070 = tpu.memref_slice %arg5[%dma_wait3A_1055, %dma_wait3A_1067, %dma_wait3A_1056, %dma_wait3A_1068, %dma_wait3A_1069] : memref<200x8x32x8x128xf32, #tpu.memory_space<hbm>> -> memref<1x8x1x8x128xf32, #tpu.memory_space<hbm>>
        %dma_wait3A_1071 = tpu.memref_squeeze %dma_wait3A_1070 : memref<1x8x1x8x128xf32, #tpu.memory_space<hbm>> -> memref<8x8x128xf32, #tpu.memory_space<hbm>>
        %dma_wait3A_1072 = arith.constant 0 : i32
        %dma_wait3A_1073 = arith.constant 0 : i32
        %dma_wait3A_1074 = arith.constant 0 : i32
        %dma_wait3A_1075 = tpu.memref_slice %arg8[%dma_wait3A_1054, %dma_wait3A_1072, %dma_wait3A_1073, %dma_wait3A_1074] : memref<4x8x8x136xf32, #tpu.memory_space<vmem>> -> memref<1x8x8x128xf32, #tpu.memory_space<vmem>>
        %dma_wait3A_1076 = tpu.memref_squeeze %dma_wait3A_1075 : memref<1x8x8x128xf32, #tpu.memory_space<vmem>> -> memref<8x8x128xf32, #tpu.memory_space<vmem>>
        tpu.wait_dma2 semaphore(%arg17 : memref<!tpu.dma_semaphore, #tpu.memory_space<semaphore_mem>>) src(%dma_wait3A_1076 : memref<8x8x128xf32, #tpu.memory_space<vmem>>) dst(%dma_wait3A_1071 : memref<8x8x128xf32, #tpu.memory_space<hbm>>)
      } else {
      }
      %dma_wait3A_917 = arith.constant 3 : i32
      %dma_wait3A_918 = arith.constant 3 : i32
      %dma_wait3A_919 = arith.constant 0 : i32
      %dma_wait3A_920 = arith.constant 0 : i32
      %dma_wait3A_921 = tpu.memref_slice %arg7[%dma_wait3A_918, %dma_wait3A_919, %dma_wait3A_920] : memref<4x128x64xf32, #tpu.memory_space<vmem>> -> memref<1x128x64xf32, #tpu.memory_space<vmem>>
      %dma_wait3A_922 = tpu.memref_squeeze %dma_wait3A_921 : memref<1x128x64xf32, #tpu.memory_space<vmem>> -> memref<128x64xf32, #tpu.memory_space<vmem>>
      %dma_wait3A_923 = arith.constant 0 : i32
      %dma_wait3A_924 = tpu.memref_slice %arg6[%dma_wait3A_917, %dma_wait3A_923] : memref<4x128xi32, #tpu.memory_space<vmem>> -> memref<1x128xi32, #tpu.memory_space<vmem>>
      %dma_wait3A_925 = tpu.memref_squeeze %dma_wait3A_924 : memref<1x128xi32, #tpu.memory_space<vmem>> -> memref<128xi32, #tpu.memory_space<vmem>>
      %dma_wait3A_926 = arith.constant 0 : i32
      %dma_wait3A_927 = arith.constant 0 : i32
      %dma_wait3A_928 = tpu.memref_slice %arg3[%dma_wait3A_926, %dma_wait3A_927] : memref<100000x64xf32, #tpu.memory_space<hbm>> -> memref<100000x64xf32, #tpu.memory_space<hbm>>
      tpu.wait_indirect_dma semaphore(%arg13 : memref<!tpu.dma_semaphore, #tpu.memory_space<semaphore_mem>>) src(%dma_wait3A_928 : memref<100000x64xf32, #tpu.memory_space<hbm>>) dst(%dma_wait3A_922 : memref<128x64xf32, #tpu.memory_space<vmem>>)
      %add3A_929 = arith.constant 4 : i32
      %add3A_930 = arith.addi %add3A_904, %add3A_929 : i32
      %lt3A_931 = arith.constant 200 : i32
      %lt3A_932 = arith.cmpi slt, %add3A_930, %lt3A_931 : i32
      %convert_element_type3A_933 = arith.extui %lt3A_932 : i1 to i32
      %cond3A_934 = arith.constant 0 : i32
      %cond3A_935 = arith.cmpi ne, %convert_element_type3A_933, %cond3A_934 : i32
      scf.if %cond3A_935 {
        %add3A_1054 = arith.constant 4 : i32
        %add3A_1055 = arith.addi %add3A_904, %add3A_1054 : i32
        %add3A_1056 = arith.addi %mul3A_2, %add3A_1055 : i32
        %jit3A_1057 = arith.constant 32 : i32
        %div3A_1058 = arith.divsi %add3A_1056, %jit3A_1057 : i32
        %sign3A_1059 = arith.constant 0 : i32
        %sign3A_1060 = arith.cmpi sgt, %add3A_1056, %sign3A_1059 : i32
        %sign3A_1061 = arith.extui %sign3A_1060 : i1 to i32
        %sign3A_1062 = arith.constant 0 : i32
        %sign3A_1063 = arith.cmpi slt, %add3A_1056, %sign3A_1062 : i32
        %sign3A_1064 = arith.extui %sign3A_1063 : i1 to i32
        %sign3A_1065 = arith.subi %sign3A_1061, %sign3A_1064 : i32
        %sign3A_1066 = arith.constant 0 : i32
        %sign3A_1067 = arith.cmpi sgt, %jit3A_1057, %sign3A_1066 : i32
        %sign3A_1068 = arith.extui %sign3A_1067 : i1 to i32
        %sign3A_1069 = arith.constant 0 : i32
        %sign3A_1070 = arith.cmpi slt, %jit3A_1057, %sign3A_1069 : i32
        %sign3A_1071 = arith.extui %sign3A_1070 : i1 to i32
        %sign3A_1072 = arith.subi %sign3A_1068, %sign3A_1071 : i32
        %ne3A_1073 = arith.cmpi ne, %sign3A_1065, %sign3A_1072 : i32
        %rem3A_1074 = arith.remsi %add3A_1056, %jit3A_1057 : i32
        %ne3A_1075 = arith.constant 0 : i32
        %ne3A_1076 = arith.cmpi ne, %rem3A_1074, %ne3A_1075 : i32
        %and3A_1077 = arith.andi %ne3A_1073, %ne3A_1076 : i1
        %sub3A_1078 = arith.constant 1 : i32
        %sub3A_1079 = arith.subi %div3A_1058, %sub3A_1078 : i32
        %select_n3A_1080 = arith.select %and3A_1077, %sub3A_1079, %div3A_1058 : i32
        %jit3A_1081 = arith.constant 32 : i32
        %eq3A_1082 = arith.constant 0 : i32
        %eq3A_1083 = arith.cmpi eq, %jit3A_1081, %eq3A_1082 : i32
        %jit3A_1084 = arith.constant 1 : i32
        %select_n3A_1085 = arith.select %eq3A_1083, %jit3A_1084, %jit3A_1081 : i32
        %rem3A_1086 = arith.remsi %add3A_1056, %select_n3A_1085 : i32
        %ne3A_1087 = arith.constant 0 : i32
        %ne3A_1088 = arith.cmpi ne, %rem3A_1086, %ne3A_1087 : i32
        %lt3A_1089 = arith.constant 0 : i32
        %lt3A_1090 = arith.cmpi slt, %rem3A_1086, %lt3A_1089 : i32
        %lt3A_1091 = arith.constant 0 : i32
        %lt3A_1092 = arith.cmpi slt, %select_n3A_1085, %lt3A_1091 : i32
        %ne3A_1093 = arith.xori %lt3A_1090, %lt3A_1092 : i1
        %and3A_1094 = arith.andi %ne3A_1093, %ne3A_1088 : i1
        %add3A_1095 = arith.addi %rem3A_1086, %select_n3A_1085 : i32
        %select_n3A_1096 = arith.select %and3A_1094, %add3A_1095, %rem3A_1086 : i32
        %shift_right_arithmetic3A_1097 = arith.constant 3 : i32
        %shift_right_arithmetic3A_1098 = arith.shrsi %select_n3A_1080, %shift_right_arithmetic3A_1097 : i32
        %and3A_1099 = arith.constant 7 : i32
        %and3A_1100 = arith.andi %select_n3A_1080, %and3A_1099 : i32
        %dma_start3A_1101 = arith.constant 3 : i32
        %dma_start3A_1102 = arith.constant 0 : i32
        %dma_start3A_1103 = tpu.memref_slice %arg6[%dma_start3A_1101, %dma_start3A_1102] : memref<4x128xi32, #tpu.memory_space<vmem>> -> memref<1x128xi32, #tpu.memory_space<vmem>>
        %dma_start3A_1104 = tpu.memref_squeeze %dma_start3A_1103 : memref<1x128xi32, #tpu.memory_space<vmem>> -> memref<128xi32, #tpu.memory_space<vmem>>
        %dma_start3A_1105 = arith.constant 0 : i32
        %dma_start3A_1106 = tpu.memref_slice %arg2[%shift_right_arithmetic3A_1098, %select_n3A_1096, %and3A_1100, %dma_start3A_1105] : memref<25x32x8x128xi32, #tpu.memory_space<hbm>> -> memref<1x1x1x128xi32, #tpu.memory_space<hbm>>
        %dma_start3A_1107 = tpu.memref_squeeze %dma_start3A_1106 : memref<1x1x1x128xi32, #tpu.memory_space<hbm>> -> memref<128xi32, #tpu.memory_space<hbm>>
        %dma_start3A_1108 = arith.constant 0 : i32
        %dma_start3A_1109 = tpu.memref_slice %arg6[%dma_start3A_1101, %dma_start3A_1108] : memref<4x128xi32, #tpu.memory_space<vmem>> -> memref<1x128xi32, #tpu.memory_space<vmem>>
        %dma_start3A_1110 = tpu.memref_squeeze %dma_start3A_1109 : memref<1x128xi32, #tpu.memory_space<vmem>> -> memref<128xi32, #tpu.memory_space<vmem>>
        %dma_start3A_1111 = arith.constant 0 : i32
        %dma_start3A_1112 = tpu.memref_slice %arg2[%shift_right_arithmetic3A_1098, %select_n3A_1096, %and3A_1100, %dma_start3A_1111] : memref<25x32x8x128xi32, #tpu.memory_space<hbm>> -> memref<1x1x1x128xi32, #tpu.memory_space<hbm>>
        %dma_start3A_1113 = tpu.memref_squeeze %dma_start3A_1112 : memref<1x1x1x128xi32, #tpu.memory_space<hbm>> -> memref<128xi32, #tpu.memory_space<hbm>>
        tpu.enqueue_dma source(%dma_start3A_1113 : memref<128xi32, #tpu.memory_space<hbm>>) target(%dma_start3A_1110 : memref<128xi32, #tpu.memory_space<vmem>>) target_semaphore(%arg21 : memref<!tpu.dma_semaphore, #tpu.memory_space<semaphore_mem>>)
      } else {
      }
      %add3A_936 = arith.addi %mul3A_2, %add3A_904 : i32
      %jit3A_937 = arith.constant 32 : i32
      %div3A_938 = arith.divsi %add3A_936, %jit3A_937 : i32
      %sign3A_939 = arith.constant 0 : i32
      %sign3A_940 = arith.cmpi sgt, %add3A_936, %sign3A_939 : i32
      %sign3A_941 = arith.extui %sign3A_940 : i1 to i32
      %sign3A_942 = arith.constant 0 : i32
      %sign3A_943 = arith.cmpi slt, %add3A_936, %sign3A_942 : i32
      %sign3A_944 = arith.extui %sign3A_943 : i1 to i32
      %sign3A_945 = arith.subi %sign3A_941, %sign3A_944 : i32
      %sign3A_946 = arith.constant 0 : i32
      %sign3A_947 = arith.cmpi sgt, %jit3A_937, %sign3A_946 : i32
      %sign3A_948 = arith.extui %sign3A_947 : i1 to i32
      %sign3A_949 = arith.constant 0 : i32
      %sign3A_950 = arith.cmpi slt, %jit3A_937, %sign3A_949 : i32
      %sign3A_951 = arith.extui %sign3A_950 : i1 to i32
      %sign3A_952 = arith.subi %sign3A_948, %sign3A_951 : i32
      %ne3A_953 = arith.cmpi ne, %sign3A_945, %sign3A_952 : i32
      %rem3A_954 = arith.remsi %add3A_936, %jit3A_937 : i32
      %ne3A_955 = arith.constant 0 : i32
      %ne3A_956 = arith.cmpi ne, %rem3A_954, %ne3A_955 : i32
      %and3A_957 = arith.andi %ne3A_953, %ne3A_956 : i1
      %sub3A_958 = arith.constant 1 : i32
      %sub3A_959 = arith.subi %div3A_938, %sub3A_958 : i32
      %select_n3A_960 = arith.select %and3A_957, %sub3A_959, %div3A_938 : i32
      %jit3A_961 = arith.constant 32 : i32
      %eq3A_962 = arith.constant 0 : i32
      %eq3A_963 = arith.cmpi eq, %jit3A_961, %eq3A_962 : i32
      %jit3A_964 = arith.constant 1 : i32
      %select_n3A_965 = arith.select %eq3A_963, %jit3A_964, %jit3A_961 : i32
      %rem3A_966 = arith.remsi %add3A_936, %select_n3A_965 : i32
      %ne3A_967 = arith.constant 0 : i32
      %ne3A_968 = arith.cmpi ne, %rem3A_966, %ne3A_967 : i32
      %lt3A_969 = arith.constant 0 : i32
      %lt3A_970 = arith.cmpi slt, %rem3A_966, %lt3A_969 : i32
      %lt3A_971 = arith.constant 0 : i32
      %lt3A_972 = arith.cmpi slt, %select_n3A_965, %lt3A_971 : i32
      %ne3A_973 = arith.xori %lt3A_970, %lt3A_972 : i1
      %and3A_974 = arith.andi %ne3A_973, %ne3A_968 : i1
      %add3A_975 = arith.addi %rem3A_966, %select_n3A_965 : i32
      %select_n3A_976 = arith.select %and3A_974, %add3A_975, %rem3A_966 : i32
      %get3A_977 = arith.index_cast %select_n3A_960 : i32 to index
      %get3A_978 = arith.constant 0 : index
      %get3A_979 = tpu.vector_load %arg9[%get3A_977, %get3A_978] {strides = array<i32>} : memref<200x64xf32, #tpu.memory_space<vmem>>, vector<16xf32>,
      %get3A_980 = arith.index_cast %select_n3A_960 : i32 to index
      %get3A_981 = arith.constant 16 : index
      %get3A_982 = tpu.vector_load %arg9[%get3A_980, %get3A_981] {strides = array<i32>} : memref<200x64xf32, #tpu.memory_space<vmem>>, vector<16xf32>,
      %get3A_983 = arith.index_cast %select_n3A_960 : i32 to index
      %get3A_984 = arith.constant 32 : index
      %get3A_985 = tpu.vector_load %arg9[%get3A_983, %get3A_984] {strides = array<i32>} : memref<200x64xf32, #tpu.memory_space<vmem>>, vector<16xf32>,
      %get3A_986 = arith.index_cast %select_n3A_960 : i32 to index
      %get3A_987 = arith.constant 48 : index
      %get3A_988 = tpu.vector_load %arg9[%get3A_986, %get3A_987] {strides = array<i32>} : memref<200x64xf32, #tpu.memory_space<vmem>>, vector<16xf32>,
      %parallel_loop3A_989 = arith.constant 0 : i32
      %parallel_loop3A_990 = arith.constant 128 : i32
      %parallel_loop3A_991 = arith.constant 1 : i32
      scf.for %parallel_loop3A_1054 = %parallel_loop3A_989 to %parallel_loop3A_990 step %parallel_loop3A_991  : i32 {
        %parallel_loop3A_1055 = vector.broadcast %parallel_loop3A_1054 : i32 to vector<16xi32>
        %parallel_loop3A_1056 = arith.constant 3 : i32
        %parallel_loop3A_1057 = arith.index_cast %parallel_loop3A_1056 : i32 to index
        %parallel_loop3A_1058 = arith.index_cast %parallel_loop3A_1054 : i32 to index
        %parallel_loop3A_1059 = arith.constant 0 : index
        %parallel_loop3A_1060 = tpu.vector_load %arg7[%parallel_loop3A_1057, %parallel_loop3A_1058, %parallel_loop3A_1059] {strides = array<i32>} : memref<4x128x64xf32, #tpu.memory_space<vmem>>, vector<16xf32>,
        %parallel_loop3A_1061 = arith.addf %parallel_loop3A_1060, %get3A_979 : vector<16xf32>
        %parallel_loop3A_1062 = arith.constant 3 : i32
        %parallel_loop3A_1063 = arith.constant 0 : i32
        %parallel_loop3A_1064 = arith.constant 0 : i32
        %parallel_loop3A_1065 = arith.constant 0 : i32
        %parallel_loop3A_1066 = tpu.memref_slice %arg8[%parallel_loop3A_1062, %parallel_loop3A_1063, %parallel_loop3A_1064, %parallel_loop3A_1065] : memref<4x8x8x136xf32, #tpu.memory_space<vmem>> -> memref<1x8x8x136xf32, #tpu.memory_space<vmem>>
        %parallel_loop3A_1067 = tpu.memref_squeeze %parallel_loop3A_1066 : memref<1x8x8x136xf32, #tpu.memory_space<vmem>> -> memref<8x8x136xf32, #tpu.memory_space<vmem>>
        tpu.vector_store_idx %parallel_loop3A_1067[%shift_right_arithmetic3A_31, %and3A_54, %parallel_loop3A_1055], %parallel_loop3A_1061 : memref<8x8x136xf32, #tpu.memory_space<vmem>>[vector<16xi32>, vector<16xi32>, vector<16xi32>], vector<16xf32>,
        %parallel_loop3A_1068 = arith.constant 3 : i32
        %parallel_loop3A_1069 = arith.index_cast %parallel_loop3A_1068 : i32 to index
        %parallel_loop3A_1070 = arith.index_cast %parallel_loop3A_1054 : i32 to index
        %parallel_loop3A_1071 = arith.constant 16 : index
        %parallel_loop3A_1072 = tpu.vector_load %arg7[%parallel_loop3A_1069, %parallel_loop3A_1070, %parallel_loop3A_1071] {strides = array<i32>} : memref<4x128x64xf32, #tpu.memory_space<vmem>>, vector<16xf32>,
        %parallel_loop3A_1073 = arith.addf %parallel_loop3A_1072, %get3A_982 : vector<16xf32>
        %parallel_loop3A_1074 = arith.constant 3 : i32
        %parallel_loop3A_1075 = arith.constant 0 : i32
        %parallel_loop3A_1076 = arith.constant 0 : i32
        %parallel_loop3A_1077 = arith.constant 0 : i32
        %parallel_loop3A_1078 = tpu.memref_slice %arg8[%parallel_loop3A_1074, %parallel_loop3A_1075, %parallel_loop3A_1076, %parallel_loop3A_1077] : memref<4x8x8x136xf32, #tpu.memory_space<vmem>> -> memref<1x8x8x136xf32, #tpu.memory_space<vmem>>
        %parallel_loop3A_1079 = tpu.memref_squeeze %parallel_loop3A_1078 : memref<1x8x8x136xf32, #tpu.memory_space<vmem>> -> memref<8x8x136xf32, #tpu.memory_space<vmem>>
        tpu.vector_store_idx %parallel_loop3A_1079[%shift_right_arithmetic3A_37, %and3A_60, %parallel_loop3A_1055], %parallel_loop3A_1073 : memref<8x8x136xf32, #tpu.memory_space<vmem>>[vector<16xi32>, vector<16xi32>, vector<16xi32>], vector<16xf32>,
        %parallel_loop3A_1080 = arith.constant 3 : i32
        %parallel_loop3A_1081 = arith.index_cast %parallel_loop3A_1080 : i32 to index
        %parallel_loop3A_1082 = arith.index_cast %parallel_loop3A_1054 : i32 to index
        %parallel_loop3A_1083 = arith.constant 32 : index
        %parallel_loop3A_1084 = tpu.vector_load %arg7[%parallel_loop3A_1081, %parallel_loop3A_1082, %parallel_loop3A_1083] {strides = array<i32>} : memref<4x128x64xf32, #tpu.memory_space<vmem>>, vector<16xf32>,
        %parallel_loop3A_1085 = arith.addf %parallel_loop3A_1084, %get3A_985 : vector<16xf32>
        %parallel_loop3A_1086 = arith.constant 3 : i32
        %parallel_loop3A_1087 = arith.constant 0 : i32
        %parallel_loop3A_1088 = arith.constant 0 : i32
        %parallel_loop3A_1089 = arith.constant 0 : i32
        %parallel_loop3A_1090 = tpu.memref_slice %arg8[%parallel_loop3A_1086, %parallel_loop3A_1087, %parallel_loop3A_1088, %parallel_loop3A_1089] : memref<4x8x8x136xf32, #tpu.memory_space<vmem>> -> memref<1x8x8x136xf32, #tpu.memory_space<vmem>>
        %parallel_loop3A_1091 = tpu.memref_squeeze %parallel_loop3A_1090 : memref<1x8x8x136xf32, #tpu.memory_space<vmem>> -> memref<8x8x136xf32, #tpu.memory_space<vmem>>
        tpu.vector_store_idx %parallel_loop3A_1091[%shift_right_arithmetic3A_43, %and3A_66, %parallel_loop3A_1055], %parallel_loop3A_1085 : memref<8x8x136xf32, #tpu.memory_space<vmem>>[vector<16xi32>, vector<16xi32>, vector<16xi32>], vector<16xf32>,
        %parallel_loop3A_1092 = arith.constant 3 : i32
        %parallel_loop3A_1093 = arith.index_cast %parallel_loop3A_1092 : i32 to index
        %parallel_loop3A_1094 = arith.index_cast %parallel_loop3A_1054 : i32 to index
        %parallel_loop3A_1095 = arith.constant 48 : index
        %parallel_loop3A_1096 = tpu.vector_load %arg7[%parallel_loop3A_1093, %parallel_loop3A_1094, %parallel_loop3A_1095] {strides = array<i32>} : memref<4x128x64xf32, #tpu.memory_space<vmem>>, vector<16xf32>,
        %parallel_loop3A_1097 = arith.addf %parallel_loop3A_1096, %get3A_988 : vector<16xf32>
        %parallel_loop3A_1098 = arith.constant 3 : i32
        %parallel_loop3A_1099 = arith.constant 0 : i32
        %parallel_loop3A_1100 = arith.constant 0 : i32
        %parallel_loop3A_1101 = arith.constant 0 : i32
        %parallel_loop3A_1102 = tpu.memref_slice %arg8[%parallel_loop3A_1098, %parallel_loop3A_1099, %parallel_loop3A_1100, %parallel_loop3A_1101] : memref<4x8x8x136xf32, #tpu.memory_space<vmem>> -> memref<1x8x8x136xf32, #tpu.memory_space<vmem>>
        %parallel_loop3A_1103 = tpu.memref_squeeze %parallel_loop3A_1102 : memref<1x8x8x136xf32, #tpu.memory_space<vmem>> -> memref<8x8x136xf32, #tpu.memory_space<vmem>>
        tpu.vector_store_idx %parallel_loop3A_1103[%shift_right_arithmetic3A_49, %and3A_72, %parallel_loop3A_1055], %parallel_loop3A_1097 : memref<8x8x136xf32, #tpu.memory_space<vmem>>[vector<16xi32>, vector<16xi32>, vector<16xi32>], vector<16xf32>,
      } {sc.loop_unroll_factor = 2 : i64, sc.parallel_access}
      %add3A_992 = arith.addi %mul3A_2, %add3A_904 : i32
      %jit3A_993 = arith.constant 32 : i32
      %div3A_994 = arith.divsi %add3A_992, %jit3A_993 : i32
      %sign3A_995 = arith.constant 0 : i32
      %sign3A_996 = arith.cmpi sgt, %add3A_992, %sign3A_995 : i32
      %sign3A_997 = arith.extui %sign3A_996 : i1 to i32
      %sign3A_998 = arith.constant 0 : i32
      %sign3A_999 = arith.cmpi slt, %add3A_992, %sign3A_998 : i32
      %sign3A_1000 = arith.extui %sign3A_999 : i1 to i32
      %sign3A_1001 = arith.subi %sign3A_997, %sign3A_1000 : i32
      %sign3A_1002 = arith.constant 0 : i32
      %sign3A_1003 = arith.cmpi sgt, %jit3A_993, %sign3A_1002 : i32
      %sign3A_1004 = arith.extui %sign3A_1003 : i1 to i32
      %sign3A_1005 = arith.constant 0 : i32
      %sign3A_1006 = arith.cmpi slt, %jit3A_993, %sign3A_1005 : i32
      %sign3A_1007 = arith.extui %sign3A_1006 : i1 to i32
      %sign3A_1008 = arith.subi %sign3A_1004, %sign3A_1007 : i32
      %ne3A_1009 = arith.cmpi ne, %sign3A_1001, %sign3A_1008 : i32
      %rem3A_1010 = arith.remsi %add3A_992, %jit3A_993 : i32
      %ne3A_1011 = arith.constant 0 : i32
      %ne3A_1012 = arith.cmpi ne, %rem3A_1010, %ne3A_1011 : i32
      %and3A_1013 = arith.andi %ne3A_1009, %ne3A_1012 : i1
      %sub3A_1014 = arith.constant 1 : i32
      %sub3A_1015 = arith.subi %div3A_994, %sub3A_1014 : i32
      %select_n3A_1016 = arith.select %and3A_1013, %sub3A_1015, %div3A_994 : i32
      %jit3A_1017 = arith.constant 32 : i32
      %eq3A_1018 = arith.constant 0 : i32
      %eq3A_1019 = arith.cmpi eq, %jit3A_1017, %eq3A_1018 : i32
      %jit3A_1020 = arith.constant 1 : i32
      %select_n3A_1021 = arith.select %eq3A_1019, %jit3A_1020, %jit3A_1017 : i32
      %rem3A_1022 = arith.remsi %add3A_992, %select_n3A_1021 : i32
      %ne3A_1023 = arith.constant 0 : i32
      %ne3A_1024 = arith.cmpi ne, %rem3A_1022, %ne3A_1023 : i32
      %lt3A_1025 = arith.constant 0 : i32
      %lt3A_1026 = arith.cmpi slt, %rem3A_1022, %lt3A_1025 : i32
      %lt3A_1027 = arith.constant 0 : i32
      %lt3A_1028 = arith.cmpi slt, %select_n3A_1021, %lt3A_1027 : i32
      %ne3A_1029 = arith.xori %lt3A_1026, %lt3A_1028 : i1
      %and3A_1030 = arith.andi %ne3A_1029, %ne3A_1024 : i1
      %add3A_1031 = arith.addi %rem3A_1022, %select_n3A_1021 : i32
      %select_n3A_1032 = arith.select %and3A_1030, %add3A_1031, %rem3A_1022 : i32
      %dma_start3A_1033 = arith.constant 3 : i32
      %dma_start3A_1034 = arith.constant 0 : i32
      %dma_start3A_1035 = arith.constant 0 : i32
      %dma_start3A_1036 = arith.constant 0 : i32
      %dma_start3A_1037 = tpu.memref_slice %arg8[%dma_start3A_1033, %dma_start3A_1034, %dma_start3A_1035, %dma_start3A_1036] : memref<4x8x8x136xf32, #tpu.memory_space<vmem>> -> memref<1x8x8x128xf32, #tpu.memory_space<vmem>>
      %dma_start3A_1038 = tpu.memref_squeeze %dma_start3A_1037 : memref<1x8x8x128xf32, #tpu.memory_space<vmem>> -> memref<8x8x128xf32, #tpu.memory_space<vmem>>
      %dma_start3A_1039 = arith.constant 0 : i32
      %dma_start3A_1040 = arith.constant 0 : i32
      %dma_start3A_1041 = arith.constant 0 : i32
      %dma_start3A_1042 = tpu.memref_slice %arg5[%select_n3A_1016, %dma_start3A_1039, %select_n3A_1032, %dma_start3A_1040, %dma_start3A_1041] : memref<200x8x32x8x128xf32, #tpu.memory_space<hbm>> -> memref<1x8x1x8x128xf32, #tpu.memory_space<hbm>>
      %dma_start3A_1043 = tpu.memref_squeeze %dma_start3A_1042 : memref<1x8x1x8x128xf32, #tpu.memory_space<hbm>> -> memref<8x8x128xf32, #tpu.memory_space<hbm>>
      %dma_start3A_1044 = arith.constant 0 : i32
      %dma_start3A_1045 = arith.constant 0 : i32
      %dma_start3A_1046 = arith.constant 0 : i32
      %dma_start3A_1047 = tpu.memref_slice %arg5[%select_n3A_1016, %dma_start3A_1044, %select_n3A_1032, %dma_start3A_1045, %dma_start3A_1046] : memref<200x8x32x8x128xf32, #tpu.memory_space<hbm>> -> memref<1x8x1x8x128xf32, #tpu.memory_space<hbm>>
      %dma_start3A_1048 = tpu.memref_squeeze %dma_start3A_1047 : memref<1x8x1x8x128xf32, #tpu.memory_space<hbm>> -> memref<8x8x128xf32, #tpu.memory_space<hbm>>
      %dma_start3A_1049 = arith.constant 0 : i32
      %dma_start3A_1050 = arith.constant 0 : i32
      %dma_start3A_1051 = arith.constant 0 : i32
      %dma_start3A_1052 = tpu.memref_slice %arg8[%dma_start3A_1033, %dma_start3A_1049, %dma_start3A_1050, %dma_start3A_1051] : memref<4x8x8x136xf32, #tpu.memory_space<vmem>> -> memref<1x8x8x128xf32, #tpu.memory_space<vmem>>
      %dma_start3A_1053 = tpu.memref_squeeze %dma_start3A_1052 : memref<1x8x8x128xf32, #tpu.memory_space<vmem>> -> memref<8x8x128xf32, #tpu.memory_space<vmem>>
      tpu.enqueue_dma source(%dma_start3A_1053 : memref<8x8x128xf32, #tpu.memory_space<vmem>>) target(%dma_start3A_1048 : memref<8x8x128xf32, #tpu.memory_space<hbm>>) target_semaphore(%arg17 : memref<!tpu.dma_semaphore, #tpu.memory_space<semaphore_mem>>)
    }
    %scan3A_357 = arith.constant 50 : i32
    %dma_wait3A_358 = arith.constant 0 : i32
    %dma_wait3A_359 = arith.constant 0 : i32
    %dma_wait3A_360 = arith.constant 0 : i32
    %dma_wait3A_361 = arith.constant 0 : i32
    %dma_wait3A_362 = arith.constant 0 : i32
    %dma_wait3A_363 = arith.constant 0 : i32
    %dma_wait3A_364 = tpu.memref_slice %arg8[%dma_wait3A_358, %dma_wait3A_361, %dma_wait3A_362, %dma_wait3A_363] : memref<4x8x8x136xf32, #tpu.memory_space<vmem>> -> memref<1x8x8x128xf32, #tpu.memory_space<vmem>>
    %dma_wait3A_365 = tpu.memref_squeeze %dma_wait3A_364 : memref<1x8x8x128xf32, #tpu.memory_space<vmem>> -> memref<8x8x128xf32, #tpu.memory_space<vmem>>
    %dma_wait3A_366 = arith.constant 0 : i32
    %dma_wait3A_367 = arith.constant 0 : i32
    %dma_wait3A_368 = arith.constant 0 : i32
    %dma_wait3A_369 = tpu.memref_slice %arg5[%dma_wait3A_359, %dma_wait3A_366, %dma_wait3A_360, %dma_wait3A_367, %dma_wait3A_368] : memref<200x8x32x8x128xf32, #tpu.memory_space<hbm>> -> memref<1x8x1x8x128xf32, #tpu.memory_space<hbm>>
    %dma_wait3A_370 = tpu.memref_squeeze %dma_wait3A_369 : memref<1x8x1x8x128xf32, #tpu.memory_space<hbm>> -> memref<8x8x128xf32, #tpu.memory_space<hbm>>
    %dma_wait3A_371 = arith.constant 0 : i32
    %dma_wait3A_372 = arith.constant 0 : i32
    %dma_wait3A_373 = arith.constant 0 : i32
    %dma_wait3A_374 = tpu.memref_slice %arg5[%dma_wait3A_359, %dma_wait3A_371, %dma_wait3A_360, %dma_wait3A_372, %dma_wait3A_373] : memref<200x8x32x8x128xf32, #tpu.memory_space<hbm>> -> memref<1x8x1x8x128xf32, #tpu.memory_space<hbm>>
    %dma_wait3A_375 = tpu.memref_squeeze %dma_wait3A_374 : memref<1x8x1x8x128xf32, #tpu.memory_space<hbm>> -> memref<8x8x128xf32, #tpu.memory_space<hbm>>
    %dma_wait3A_376 = arith.constant 0 : i32
    %dma_wait3A_377 = arith.constant 0 : i32
    %dma_wait3A_378 = arith.constant 0 : i32
    %dma_wait3A_379 = tpu.memref_slice %arg8[%dma_wait3A_358, %dma_wait3A_376, %dma_wait3A_377, %dma_wait3A_378] : memref<4x8x8x136xf32, #tpu.memory_space<vmem>> -> memref<1x8x8x128xf32, #tpu.memory_space<vmem>>
    %dma_wait3A_380 = tpu.memref_squeeze %dma_wait3A_379 : memref<1x8x8x128xf32, #tpu.memory_space<vmem>> -> memref<8x8x128xf32, #tpu.memory_space<vmem>>
    tpu.wait_dma2 semaphore(%arg14 : memref<!tpu.dma_semaphore, #tpu.memory_space<semaphore_mem>>) src(%dma_wait3A_380 : memref<8x8x128xf32, #tpu.memory_space<vmem>>) dst(%dma_wait3A_375 : memref<8x8x128xf32, #tpu.memory_space<hbm>>)
    %dma_wait3A_381 = arith.constant 1 : i32
    %dma_wait3A_382 = arith.constant 0 : i32
    %dma_wait3A_383 = arith.constant 0 : i32
    %dma_wait3A_384 = arith.constant 0 : i32
    %dma_wait3A_385 = arith.constant 0 : i32
    %dma_wait3A_386 = arith.constant 0 : i32
    %dma_wait3A_387 = tpu.memref_slice %arg8[%dma_wait3A_381, %dma_wait3A_384, %dma_wait3A_385, %dma_wait3A_386] : memref<4x8x8x136xf32, #tpu.memory_space<vmem>> -> memref<1x8x8x128xf32, #tpu.memory_space<vmem>>
    %dma_wait3A_388 = tpu.memref_squeeze %dma_wait3A_387 : memref<1x8x8x128xf32, #tpu.memory_space<vmem>> -> memref<8x8x128xf32, #tpu.memory_space<vmem>>
    %dma_wait3A_389 = arith.constant 0 : i32
    %dma_wait3A_390 = arith.constant 0 : i32
    %dma_wait3A_391 = arith.constant 0 : i32
    %dma_wait3A_392 = tpu.memref_slice %arg5[%dma_wait3A_382, %dma_wait3A_389, %dma_wait3A_383, %dma_wait3A_390, %dma_wait3A_391] : memref<200x8x32x8x128xf32, #tpu.memory_space<hbm>> -> memref<1x8x1x8x128xf32, #tpu.memory_space<hbm>>
    %dma_wait3A_393 = tpu.memref_squeeze %dma_wait3A_392 : memref<1x8x1x8x128xf32, #tpu.memory_space<hbm>> -> memref<8x8x128xf32, #tpu.memory_space<hbm>>
    %dma_wait3A_394 = arith.constant 0 : i32
    %dma_wait3A_395 = arith.constant 0 : i32
    %dma_wait3A_396 = arith.constant 0 : i32
    %dma_wait3A_397 = tpu.memref_slice %arg5[%dma_wait3A_382, %dma_wait3A_394, %dma_wait3A_383, %dma_wait3A_395, %dma_wait3A_396] : memref<200x8x32x8x128xf32, #tpu.memory_space<hbm>> -> memref<1x8x1x8x128xf32, #tpu.memory_space<hbm>>
    %dma_wait3A_398 = tpu.memref_squeeze %dma_wait3A_397 : memref<1x8x1x8x128xf32, #tpu.memory_space<hbm>> -> memref<8x8x128xf32, #tpu.memory_space<hbm>>
    %dma_wait3A_399 = arith.constant 0 : i32
    %dma_wait3A_400 = arith.constant 0 : i32
    %dma_wait3A_401 = arith.constant 0 : i32
    %dma_wait3A_402 = tpu.memref_slice %arg8[%dma_wait3A_381, %dma_wait3A_399, %dma_wait3A_400, %dma_wait3A_401] : memref<4x8x8x136xf32, #tpu.memory_space<vmem>> -> memref<1x8x8x128xf32, #tpu.memory_space<vmem>>
    %dma_wait3A_403 = tpu.memref_squeeze %dma_wait3A_402 : memref<1x8x8x128xf32, #tpu.memory_space<vmem>> -> memref<8x8x128xf32, #tpu.memory_space<vmem>>
    tpu.wait_dma2 semaphore(%arg15 : memref<!tpu.dma_semaphore, #tpu.memory_space<semaphore_mem>>) src(%dma_wait3A_403 : memref<8x8x128xf32, #tpu.memory_space<vmem>>) dst(%dma_wait3A_398 : memref<8x8x128xf32, #tpu.memory_space<hbm>>)
    %dma_wait3A_404 = arith.constant 2 : i32
    %dma_wait3A_405 = arith.constant 0 : i32
    %dma_wait3A_406 = arith.constant 0 : i32
    %dma_wait3A_407 = arith.constant 0 : i32
    %dma_wait3A_408 = arith.constant 0 : i32
    %dma_wait3A_409 = arith.constant 0 : i32
    %dma_wait3A_410 = tpu.memref_slice %arg8[%dma_wait3A_404, %dma_wait3A_407, %dma_wait3A_408, %dma_wait3A_409] : memref<4x8x8x136xf32, #tpu.memory_space<vmem>> -> memref<1x8x8x128xf32, #tpu.memory_space<vmem>>
    %dma_wait3A_411 = tpu.memref_squeeze %dma_wait3A_410 : memref<1x8x8x128xf32, #tpu.memory_space<vmem>> -> memref<8x8x128xf32, #tpu.memory_space<vmem>>
    %dma_wait3A_412 = arith.constant 0 : i32
    %dma_wait3A_413 = arith.constant 0 : i32
    %dma_wait3A_414 = arith.constant 0 : i32
    %dma_wait3A_415 = tpu.memref_slice %arg5[%dma_wait3A_405, %dma_wait3A_412, %dma_wait3A_406, %dma_wait3A_413, %dma_wait3A_414] : memref<200x8x32x8x128xf32, #tpu.memory_space<hbm>> -> memref<1x8x1x8x128xf32, #tpu.memory_space<hbm>>
    %dma_wait3A_416 = tpu.memref_squeeze %dma_wait3A_415 : memref<1x8x1x8x128xf32, #tpu.memory_space<hbm>> -> memref<8x8x128xf32, #tpu.memory_space<hbm>>
    %dma_wait3A_417 = arith.constant 0 : i32
    %dma_wait3A_418 = arith.constant 0 : i32
    %dma_wait3A_419 = arith.constant 0 : i32
    %dma_wait3A_420 = tpu.memref_slice %arg5[%dma_wait3A_405, %dma_wait3A_417, %dma_wait3A_406, %dma_wait3A_418, %dma_wait3A_419] : memref<200x8x32x8x128xf32, #tpu.memory_space<hbm>> -> memref<1x8x1x8x128xf32, #tpu.memory_space<hbm>>
    %dma_wait3A_421 = tpu.memref_squeeze %dma_wait3A_420 : memref<1x8x1x8x128xf32, #tpu.memory_space<hbm>> -> memref<8x8x128xf32, #tpu.memory_space<hbm>>
    %dma_wait3A_422 = arith.constant 0 : i32
    %dma_wait3A_423 = arith.constant 0 : i32
    %dma_wait3A_424 = arith.constant 0 : i32
    %dma_wait3A_425 = tpu.memref_slice %arg8[%dma_wait3A_404, %dma_wait3A_422, %dma_wait3A_423, %dma_wait3A_424] : memref<4x8x8x136xf32, #tpu.memory_space<vmem>> -> memref<1x8x8x128xf32, #tpu.memory_space<vmem>>
    %dma_wait3A_426 = tpu.memref_squeeze %dma_wait3A_425 : memref<1x8x8x128xf32, #tpu.memory_space<vmem>> -> memref<8x8x128xf32, #tpu.memory_space<vmem>>
    tpu.wait_dma2 semaphore(%arg16 : memref<!tpu.dma_semaphore, #tpu.memory_space<semaphore_mem>>) src(%dma_wait3A_426 : memref<8x8x128xf32, #tpu.memory_space<vmem>>) dst(%dma_wait3A_421 : memref<8x8x128xf32, #tpu.memory_space<hbm>>)
    %dma_wait3A_427 = arith.constant 3 : i32
    %dma_wait3A_428 = arith.constant 0 : i32
    %dma_wait3A_429 = arith.constant 0 : i32
    %dma_wait3A_430 = arith.constant 0 : i32
    %dma_wait3A_431 = arith.constant 0 : i32
    %dma_wait3A_432 = arith.constant 0 : i32
    %dma_wait3A_433 = tpu.memref_slice %arg8[%dma_wait3A_427, %dma_wait3A_430, %dma_wait3A_431, %dma_wait3A_432] : memref<4x8x8x136xf32, #tpu.memory_space<vmem>> -> memref<1x8x8x128xf32, #tpu.memory_space<vmem>>
    %dma_wait3A_434 = tpu.memref_squeeze %dma_wait3A_433 : memref<1x8x8x128xf32, #tpu.memory_space<vmem>> -> memref<8x8x128xf32, #tpu.memory_space<vmem>>
    %dma_wait3A_435 = arith.constant 0 : i32
    %dma_wait3A_436 = arith.constant 0 : i32
    %dma_wait3A_437 = arith.constant 0 : i32
    %dma_wait3A_438 = tpu.memref_slice %arg5[%dma_wait3A_428, %dma_wait3A_435, %dma_wait3A_429, %dma_wait3A_436, %dma_wait3A_437] : memref<200x8x32x8x128xf32, #tpu.memory_space<hbm>> -> memref<1x8x1x8x128xf32, #tpu.memory_space<hbm>>
    %dma_wait3A_439 = tpu.memref_squeeze %dma_wait3A_438 : memref<1x8x1x8x128xf32, #tpu.memory_space<hbm>> -> memref<8x8x128xf32, #tpu.memory_space<hbm>>
    %dma_wait3A_440 = arith.constant 0 : i32
    %dma_wait3A_441 = arith.constant 0 : i32
    %dma_wait3A_442 = arith.constant 0 : i32
    %dma_wait3A_443 = tpu.memref_slice %arg5[%dma_wait3A_428, %dma_wait3A_440, %dma_wait3A_429, %dma_wait3A_441, %dma_wait3A_442] : memref<200x8x32x8x128xf32, #tpu.memory_space<hbm>> -> memref<1x8x1x8x128xf32, #tpu.memory_space<hbm>>
    %dma_wait3A_444 = tpu.memref_squeeze %dma_wait3A_443 : memref<1x8x1x8x128xf32, #tpu.memory_space<hbm>> -> memref<8x8x128xf32, #tpu.memory_space<hbm>>
    %dma_wait3A_445 = arith.constant 0 : i32
    %dma_wait3A_446 = arith.constant 0 : i32
    %dma_wait3A_447 = arith.constant 0 : i32
    %dma_wait3A_448 = tpu.memref_slice %arg8[%dma_wait3A_427, %dma_wait3A_445, %dma_wait3A_446, %dma_wait3A_447] : memref<4x8x8x136xf32, #tpu.memory_space<vmem>> -> memref<1x8x8x128xf32, #tpu.memory_space<vmem>>
    %dma_wait3A_449 = tpu.memref_squeeze %dma_wait3A_448 : memref<1x8x8x128xf32, #tpu.memory_space<vmem>> -> memref<8x8x128xf32, #tpu.memory_space<vmem>>
    tpu.wait_dma2 semaphore(%arg17 : memref<!tpu.dma_semaphore, #tpu.memory_space<semaphore_mem>>) src(%dma_wait3A_449 : memref<8x8x128xf32, #tpu.memory_space<vmem>>) dst(%dma_wait3A_444 : memref<8x8x128xf32, #tpu.memory_space<hbm>>)
    return
  }
}

</mosaic_0001>

<sc_bundles>
// kernel: kernel.3.cloned.1.call-start
scs
__scs_entry_jumppad:
0x0: {  	(pc) =	sbr.rel $0x88, $3  }
0x1: {  	(tag) =	ssettag $0x0;
	lr =	simm.s32 $0x1  }
0x2: {  	[smem:$0x3F9E] =	sst lr;
	_ =	strace $0xD0000000  }
0x3: {  	_ = 	snop  }
0x4: {  	_ = 	snop  }
0x5: {  	_ = 	snop  }
0x6: {  	_ = 	snop  }
0x7: {  	_ = 	snop  }
__scs_overlays_trampoline_lowered:
0x8: {  	[smem:$0x3FAD] =	sst s0  }
0x9: {  	[smem:$0x3FAE] =	sst s1  }
0xa: {  	[smem:$0x3FAF] =	sst s2  }
0xb: {  	[smem:$0x3FB0] =	sst s3  }
0xc: {  	[smem:$0x3FB1] =	sst s4  }
0xd: {  	[smem:$0x3FB2] =	sst s5  }
0xe: {  	[smem:$0x3FB3] =	sst s6  }
0xf: {  	[smem:$0x3FB4] =	sst s7  }
0x10: {  	[smem:$0x3FB5] =	sst s8  }
0x11: {  	[smem:$0x3FB6] =	sst s9;
	s0 =	simm.s32 @!p0 $0x0  }
0x12: {  	s1 =	sld [smem:$0x3F9C];
	s0 =	simm.s32 @p0 $0x1  }
0x13: {  	[smem:$0x3FB7] =	sst s0;
	s0 =	simm.s32 @!p1 $0x0  }
0x14: {  	s2 =	sld [smem:$0x3F9B];
	s0 =	simm.s32 @p1 $0x1  }
0x15: {  	[smem:$0x3FB8] =	sst s0;
	s0 =	simm.s32 @!p2 $0x0  }
0x16: {  	s3 =	sld [smem:$0x3FDB];
	s0 =	simm.s32 @p2 $0x1  }
0x17: {  	s4 =	simm.s32 $0x1BF5;
	[smem:$0x3FBA] =	sst s0  }
0x18: {  	s0 =	sld [smem:$0x3F9D];
	_ =	swait.ge [sflag:s4], $0x0  }
0x19: {  	s7 =	sld [smem:$0x3F9E]  }
0x1a: {  	s8 =	sadd.s32 $0xFFFFE003, lr  }
0x1b: {  	s9 =	sadd.s32 $0xFFFFFEF7, lr;
	s5 =	simm.s32 $0xFFFFFFFF;
	p2 =	slt.u32 s8, $0xFFFFF086  }
0x1c: {  	p1 =	slt.u32 s9, $0xF7A;
	s5 =	simm.s32 @!p2 $0x0  }
0x1d: {  	s5 =	simm.s32 @p1 $0x1;
	p0 =	seq.s32 s7, s2  }
0x1e: {  	s7 =	smul.u32 @!p0 $0xF7A, s2;
	p2 =	seq.s32 @!p0 s5, $0x0  }
0x1f: {  	s9 =	smul.u32 $0xF7A, s1;
	s8 =	simm.s32 @!p0 $0x1BF5;
	p2 =	por !p2, p0  }
0x20: {  	[sflag:s8] =	ssyncset.s32 @!p0 $0xFFFFF086;
	s6 =	sadd.s32 @!p0 s3, s7;
	s7 =	simm.s32 @!p0 $0x108  }
0x21: {  	s3 =	sadd.s32 s3, s9;
	s6 =	sadd.s32 @!p0 $0x88, s6;
	s7 =	simm.s32 @p2 $0x1082  }
0x22: {  	[simem:s7], [sflag:s8] =	dma.local @!p0 [hbm:s6], $0xF7A  }
0x23: {  	s9 =	sor.u32 $0xD0000000, s2;
	s6 =	simm.s32 $0x108;
	_ =	swait.ge @!p0 [sflag:s8], $0x0  }
0x24: {  	s3 =	sadd.s32 $0x88, s3;
	s6 =	simm.s32 @!p1 $0x1082;
	[sflag:s4] =	ssyncset.s32 $0xFFFFF086  }
0x25: {  	[simem:s6], [sflag:s4] =	dma.local [hbm:s3], $0xF7A  }
0x26: {  	[smem:$0x3F9E] =	sst s1;
	(tag) =	ssettag s2;
	_ =	strace s9  }
0x27: {  	s1 =	sld [smem:$0x3FAE]  }
0x28: {  	s2 =	sld [smem:$0x3FAF]  }
0x29: {  	s4 =	sld [smem:$0x3FB1]  }
0x2a: {  	p0 =	seq.s32 s5, $0x0;
	s5 =	sld [smem:$0x3FB2]  }
0x2b: {  	s6 =	sld [smem:$0x3FB3]  }
0x2c: {  	s7 =	sld [smem:$0x3FB4]  }
0x2d: {  	s3 =	simm.s32 $0x108;
	s8 =	sld [smem:$0x3FB5]  }
0x2e: {  	s3 =	simm.s32 @!p0 $0x1082;
	s9 =	sld [smem:$0x3FB6]  }
0x2f: {  	lr =	sadd.s32 s0, s3;
	s0 =	sld [smem:$0x3FAD]  }
0x30: {  	s3 =	sld [smem:$0x3FB0]  }
0x31: {  	[smem:$0x3FB9] =	sst s10  }
0x32: {  	s10 =	sld [smem:$0x3FB7];
	_ =	sdelay $0x3  }
0x33: {  	p0 =	seq.s32 s10, $0x1;
	s10 =	sld [smem:$0x3FB9];
	_ =	sdelay $0x3  }
0x34: {  	[smem:$0x3FB9] =	sst s10  }
0x35: {  	s10 =	sld [smem:$0x3FB8];
	_ =	sdelay $0x3  }
0x36: {  	p1 =	seq.s32 s10, $0x1;
	s10 =	sld [smem:$0x3FB9];
	_ =	sdelay $0x3  }
0x37: {  	[smem:$0x3FB9] =	sst s10  }
0x38: {  	s10 =	sld [smem:$0x3FBA]  }
0x39: {  	_ = 	snop;
	(pc) =	sbr.ind lr, $3  }
0x3a: {  	_ = 	snop  }
0x3b: {  	_ = 	snop  }
0x3c: {  	p2 =	seq.s32 s10, $0x1;
	s10 =	sld [smem:$0x3FB9]  }
0x3d: {  	_ =	shalt  }
0x3e: {  	_ =	shalt  }
0x3f: {  	_ =	shalt  }
0x40: {  	_ =	shalt  }
0x41: {  	_ =	shalt  }
0x42: {  	_ =	shalt  }
0x43: {  	_ =	shalt  }
0x44: {  	_ =	shalt  }
0x45: {  	_ =	shalt  }
0x46: {  	_ =	shalt  }
0x47: {  	_ =	shalt  }
0x48: {  	_ =	shalt  }
0x49: {  	_ =	shalt  }
0x4a: {  	_ =	shalt  }
0x4b: {  	_ =	shalt  }
0x4c: {  	_ =	shalt  }
0x4d: {  	_ =	shalt  }
0x4e: {  	_ =	shalt  }
0x4f: {  	_ =	shalt  }
0x50: {  	_ =	shalt  }
0x51: {  	_ =	shalt  }
0x52: {  	_ =	shalt  }
0x53: {  	_ =	shalt  }
0x54: {  	_ =	shalt  }
0x55: {  	_ =	shalt  }
0x56: {  	_ =	shalt  }
0x57: {  	_ =	shalt  }
0x58: {  	_ =	shalt  }
0x59: {  	_ =	shalt  }
0x5a: {  	_ =	shalt  }
0x5b: {  	_ =	shalt  }
0x5c: {  	_ =	shalt  }
0x5d: {  	_ =	shalt  }
0x5e: {  	_ =	shalt  }
0x5f: {  	_ =	shalt  }
0x60: {  	_ =	shalt  }
0x61: {  	_ =	shalt  }
0x62: {  	_ =	shalt  }
0x63: {  	_ =	shalt  }
0x64: {  	_ =	shalt  }
0x65: {  	_ =	shalt  }
0x66: {  	_ =	shalt  }
0x67: {  	_ =	shalt  }
0x68: {  	_ =	shalt  }
0x69: {  	_ =	shalt  }
0x6a: {  	_ =	shalt  }
0x6b: {  	_ =	shalt  }
0x6c: {  	_ =	shalt  }
0x6d: {  	_ =	shalt  }
0x6e: {  	_ =	shalt  }
0x6f: {  	_ =	shalt  }
0x70: {  	_ =	shalt  }
0x71: {  	_ =	shalt  }
0x72: {  	_ =	shalt  }
0x73: {  	_ =	shalt  }
0x74: {  	_ =	shalt  }
0x75: {  	_ =	shalt  }
0x76: {  	_ =	shalt  }
0x77: {  	_ =	shalt  }
0x78: {  	_ =	shalt  }
0x79: {  	_ =	shalt  }
0x7a: {  	_ =	shalt  }
0x7b: {  	_ =	shalt  }
0x7c: {  	_ =	shalt  }
0x7d: {  	_ =	shalt  }
0x7e: {  	_ =	shalt  }
0x7f: {  	_ =	shalt  }
0x80: {  	_ =	shalt  }
0x81: {  	_ =	shalt  }
0x82: {  	_ =	shalt  }
0x83: {  	_ =	shalt  }
0x84: {  	_ =	shalt  }
0x85: {  	_ =	shalt  }
0x86: {  	_ =	shalt  }
0x87: {  	_ =	shalt  }
.Lfunc_end0:
.L_simem_size_0:
called_computation_lowered:
.L_overlay_start_0:
0x88: {  	s2 =	sld [smem:$0x3FD9]  }
0x89: {  	s3 =	sld [smem:$0x3FFE];
	_ =	sdelay $0x1  }
0x8a: {  	s1 =	srdreg.scid  }
0x8b: {  	s0 =	sand.u32 $0x1, s1  }
0x8c: {  	s17 =	sshll.u32 s0, $0xA;
	s2 =	sadd.s32 s3, s2  }
0x8d: {  	s2 =	sadd.s32 s2, s17  }
0x8e: {  	[smem:$0x3FC5] =	sst s2  }
0x8f: {  	_ = 	snop  }
0x90: {  	s2 =	sld [smem:$0x3FC9]  }
0x91: {  	s18 =	sld [smem:$0x3FD0];
	(tm) =	ssettm $0x1  }
0x92: {  	s4 =	sld [smem:$0x3FFB];
	_ =	sdelay $0x3  }
0x93: {  	_ =	strace s4  }
0x94: {  	s4 =	sld [smem:$0x3FFC];
	_ =	sdelay $0x3  }
0x95: {  	_ =	strace s4  }
0x96: {  	s4 =	sld [smem:$0x3FFD];
	_ =	sdelay $0x3  }
0x97: {  	_ =	strace s4  }
0x98: {  	_ =	strace $0x8FFFFFFF  }
0x99: {  	s19 =	sld [smem:$0x3FDB];
	_ =	sdelay $0x1  }
0x9a: {  	s5 =	simm.s32 $_scs_section_size  }
0x9b: {  	s6 =	simm.s32 $_size__tile_overlayer_lowered;
	s7 =	simm.s32 $_tile_overlayer_lowered  }
0x9c: {  	s22 =	simm.s32 $0x1BFF;
	s21 =	sshll.u32 s7, $0x1;
	s4 =	sadd.s32 s5, s19  }
0x9d: {  	s8 =	simm.s32 $0x0;
	s20 =	sshll.u32 s6, $0x1;
	s6 =	sadd.s32 s21, s4  }
0x9e: {  	[timem:s8], [sflag:s22] =	dma.local [hbm:s6], s20  }
0x9f: {  	_ =	swait.ge [sflag:s22], s20  }
0xa0: {  	s5 =	ssub.s32 $0x0, s20;
	[sflag:s22] =	ssyncset.done $0x0  }
0xa1: {  	[sflag:s22] =	ssyncadd.s32 s5;
	_ =	sdelay $0x1  }
0xa2: {  	s23 =	simm.s32 $0x1B8B  }
0xa3: {  	_ =	swait.ge [sflag:s23], $0x1  }
0xa4: {  	[sflag:s23] =	ssyncset.done $0x0  }
0xa5: {  	s25 =	simm.s32 $0x1B8E;
	s24 =	sld [smem:$0x3FFE];
	[sflag:s23] =	ssyncadd.s32 $0xFFFFFFFF  }
0xa6: {  	s26 =	simm.s32 $execute0_lowered;
	[smem:$0x3FD2] =	sst s25  }
0xa7: {  	s6 =	sshll.u32 s26, $0x1;
	_ =	strace $0x80000046;
	[dreg:$0x1] =	wrdreg $0xFFFFFFFF  }
0xa8: {  	s28 =	simm.s32 $_size_execute0_lowered;
	s4 =	sadd.s32 s4, s6;
	[dreg:$0x0] =	wrdreg $0x0  }
0xa9: {  	s6 =	sshll.u32 s28, $0x1;
	[dreg:$0x2] =	wrdreg s4  }
0xaa: {  	[dreg:$0x3] =	wrdreg s6  }
0xab: {  	[dreg:$0x4] =	wrdreg $0xC0  }
0xac: {  	_ =	task [dreg:s8], $0x5FFFF  }
0xad: {  	[dreg:$0x1] =	wrdreg $0xFFFFFFFF  }
0xae: {  	[dreg:$0x0] =	wrdreg $0x60  }
0xaf: {  	[dreg:$0x2] =	wrdreg s2  }
0xb0: {  	[dreg:$0x3] =	wrdreg s24  }
0xb1: {  	[dreg:$0x4] =	wrdreg s18  }
0xb2: {  	[dreg:$0x5] =	wrdreg $0x9  }
0xb3: {  	_ =	task.clear_ibuf [dreg:s8], $0x6FFFF;
	_ =	strace $0x90000046  }
0xb4: {  	s29 =	simm.s32 $0x9;
	_ =	strace $0x80000048  }
0xb5: {  	_ =	swait.ge [sflag:s29], $0x1  }
0xb6: {  	[sflag:s29] =	ssyncadd.s32 $0xFFFFFFFF  }
0xb7: {  	_ =	strace $0x90000048  }
0xb8: {  	_ =	sfence  }
0xb9: {  	s30 =	sld [smem:$0x0];
	_ =	sdelay $0x2  }
0xba: {  	s31 =	sshll.u32 s1, $0xD;
	s1 =	sshrl.u32 s1, $0x2  }
0xbb: {  	s3 =	sand.u32 $0x4000, s31;
	s1 =	sadd.s32 s1, s30  }
0xbc: {  	s0 =	sor.u32 s3, s0;
	s1 =	sshll.u32 s1, $0x11  }
0xbd: {  	s0 =	sor.u32 s1, s0  }
0xbe: {  	s0 =	sadd.s32 $0x8F2B, s0  }
0xbf: {  	[sflag:s0] =	ssyncadd.remote.s32 $0x1  }
0xc0: {  	_ =	sfence.sel $0xFFFF  }
0xc1: {  	[dreg:$0x0] =	wrdreg $0xFFFFFFFF;
	(pc) =	sbr.abs _section_cstart, $3  }
0xc2: {  	[dreg:$0x1] =	wrdreg $0xFFFFFFFF  }
0xc3: {  	_ =	task.clear_ibuf [dreg:s8], $0x2FFFF;
	_ =	strace $0x9FFFFFFF  }
0xc4: {  	(tm) =	ssettm $0x7FFFFFFF  }
0xc5: {  	_ =	shalt  }
tec
execute0_lowered:
.L_overlay_start_1:
0x0: {  	(tag) =	ssettag $0x1  }
0x1: {  	s1 =	rddreg [dreg:$0x0]  }
0x2: {  	s0 =	srdreg.scid;
	s7 =	rddreg [dreg:$0x1]  }
0x3: {  	s2 =	stileid.u32;
	s3 =	rddreg [dreg:$0x2];
	s5 =	simm.s32 $0x0  }
0x4: {  	s19 =	simm.s32 $0x80;
	s29 =	simm.s32 $0x1;
	s30 =	simm.s32 $0x8200  }
0x5: {  	s31 =	simm.s32 $0xC;
	s0 =	sand.u32 $0x1, s0;
	s2 =	sshll.u32 s2, $0x1  }
0x6: {  	s17 =	simm.s32 $0xA400;
	s23 =	simm.s32 $0xC600;
	s2 =	sor.u32 s0, s2  }
0x7: {  	[smem:$0x7FF] =	sst s5;
	s0 =	ssub.s32 $0x2, s0;
	s4 =	smul.u32 $0xC8, s2  }
0x8: {  	_ =	strace $0x80000047;
	s2 =	sshll.u32 s2, $0xA;
	s24 =	sshrl.u32 s0, $0x1  }
0x9: {  	s2 =	sand.u32 $0xC00, s2;
	s0 =	ssub.s32 s0, s24;
	s6 =	sshll.u32 s4, $0x4  }
0xa: {  	s8 =	sshrl.u32 s4, $0x1;
	s12 =	sor.u32 $0x4, s4;
	s28 =	sor.u32 $0x5, s4  }
0xb: {  	s0 =	smax.u32 s0, $0x1;
	s6 =	sand.u32 $0x1F000, s6;
	[dreg:$0x9] =	wrdreg s28  }
0xc: {  	s8 =	sand.u32 $0x70, s8;
	[dreg:$0xa] =	wrdreg s0;
	s2 =	sor.u32 s2, s6  }
0xd: {  	s6 =	sadd.s32 $0xC00, s7;
	s7 =	sadd.s32 $0x400, s7;
	s2 =	sor.u32 s8, s2  }
0xe: {  	s14 =	sor.u32 $0x6, s4;
	[dreg:$0x4] =	wrdreg s7;
	s2 =	sadd.s32 s1, s2  }
0xf: {  	v0 =	vlaneseq.u32;
	s15 =	sor.u32 $0x7, s4;
	s25 =	sadd.s32 $0x80, s2;
	[dreg:$0x5] =	wrdreg s2  }
0x10: {  	v0 =	vmul.u32 $0x88, v0;
	s0 =	simm.s32 $0x2;
	s26 =	sadd.s32 $0x100, s2;
	[dreg:$0x6] =	wrdreg s25  }
0x11: {  	s8 =	simm.s32 $0x0;
	s2 =	sadd.s32 $0x180, s2;
	[dreg:$0x7] =	wrdreg s26  }
0x12: {  	v1 =	vadd.s32 $0x880, v0;
	v2 =	vadd.s32 $0x1100, v0;
	v3 =	vadd.s32 $0x1980, v0;
	[dreg:$0x8] =	wrdreg s2;
	s26 =	simm.s32 $0xB;
	s25 =	simm.s32 $0xE800  }
.LBB2_1:
0x13: {  	[dreg:$0xb] =	wrdreg s8  }
0x14: {  	s2 =	rddreg [dreg:$0x4];
	s7 =	simm.s32 $0x10A00;
	s9 =	simm.s32 $0xD  }
0x15: {  	[tilespmem:s7], [sflag:$0xD] =	stream.linear.gather [hbm4b:s2+s5], $0x3200, $0x38;
	[tilespmem:$0x13C00] =	vst v63  }
0x16: {  	_ =	swait.ge [sflag:s9], $0x3200  }
0x17: {  	[sflag:s9] =	ssyncset.done $0x0  }
0x18: {  	s10 =	rddreg [dreg:$0x5];
	[sflag:s9] =	ssyncadd.s32 $0xFFFFCE00  }
0x19: {  	[tilespmem:s5], [sflag:$0x9] =	stream.linear.gather [hbm4b:s10+s5], $0x80, $0x38;
	[tilespmem:$0x13C00] =	vst v63  }
0x1a: {  	s11 =	rddreg [dreg:$0x6]  }
0x1b: {  	[tilespmem:s19], [sflag:$0xA] =	stream.linear.gather [hbm4b:s11+s5], $0x80, $0x38;
	[tilespmem:$0x13C00] =	vst v63  }
0x1c: {  	s16 =	simm.s32 $0x100;
	s13 =	rddreg [dreg:$0x7]  }
0x1d: {  	[tilespmem:s16], [sflag:$0xB] =	stream.linear.gather [hbm4b:s13+s5], $0x80, $0x38;
	[tilespmem:$0x13C00] =	vst v63  }
0x1e: {  	s20 =	simm.s32 $0x180;
	s21 =	simm.s32 $0x9;
	s18 =	rddreg [dreg:$0x8]  }
0x1f: {  	[tilespmem:s20], [sflag:$0xC] =	stream.linear.gather [hbm4b:s18+s5], $0x80, $0x38;
	[tilespmem:$0x13C00] =	vst v63  }
0x20: {  	_ =	swait.ge [sflag:s21], $0x80  }
0x21: {  	[sflag:s21] =	ssyncset.done $0x0  }
0x22: {  	s22 =	simm.s32 $0x200;
	s24 =	simm.s32 $0xA;
	[sflag:s21] =	ssyncadd.s32 $0xFFFFFF80  }
0x23: {  	[tilespmem:s22], [sflag:$0x1] =	stream.indirect.gather [hbm4b:s6+s19], $0x40, s5, s19, $0xb8;
	[tilespmem:$0x13C00] =	vst v63  }
0x24: {  	_ =	swait.ge [sflag:s24], $0x80  }
0x25: {  	[sflag:s24] =	ssyncset.done $0x0  }
0x26: {  	s28 =	simm.s32 $0x2200;
	s8 =	simm.s32 $0x0;
	[sflag:s24] =	ssyncadd.s32 $0xFFFFFF80  }
0x27: {  	[tilespmem:s28], [sflag:$0x2] =	stream.indirect.gather [hbm4b:s6+s19], $0x40, s19, s19, $0xb8;
	[tilespmem:$0x13C00] =	vst v63  }
.LBB2_2:
0x28: {  	_ =	swait.ge [sflag:s26], $0x80  }
0x29: {  	s2 =	simm.s32 $0x100;
	[sflag:s26] =	ssyncset.done $0x0  }
0x2a: {  	s7 =	simm.s32 $0x4200;
	p0 =	seq.s32 s8, $0x0;
	[sflag:s26] =	ssyncadd.s32 $0xFFFFFF80  }
0x2b: {  	[tilespmem:s7], [sflag:$0x3] =	stream.indirect.gather [hbm4b:s6+s19], $0x40, s2, s19, $0xb8;
	[tilespmem:$0x13C00] =	vst v63  }
0x2c: {  	s2 =	simm.s32 @!p0 $0x5  }
0x2d: {  	s18 =	sshll.u32 s8, $0x2;
	_ =	swait.ge @!p0 [sflag:s2], $0x2000  }
0x2e: {  	s24 =	sadd.s32 s4, s18;
	[sflag:s2] =	ssyncset.done @!p0 $0x0  }
0x2f: {  	s21 =	sshll.u32 s24, $0x1;
	[sflag:s2] =	ssyncadd.s32 @!p0 $0xFFFFE000;
	p0 =	seq.s32 s8, $0x31  }
0x30: {  	s22 =	sand.u32 $0x3FFFFFC0, s21;
	_ =	swait.ge [sflag:s29], $0x2000;
	s2 =	sadd.s32 @!p0 s18, s12  }
0x31: {  	s7 =	sshll.u32 @!p0 s2, $0x4;
	s10 =	sshll.u32 @!p0 s2, $0x7;
	s2 =	sshrl.u32 @!p0 s2, $0x1  }
0x32: {  	s7 =	sand.u32 @!p0 $0xFFFF000, s7;
	s10 =	sand.u32 @!p0 $0xE00, s10;
	s2 =	sand.u32 @!p0 $0x70, s2  }
0x33: {  	[sflag:s29] =	ssyncset.done $0x0;
	s7 =	sor.u32 @!p0 s7, s10;
	s2 =	sadd.s32 @!p0 s1, s2  }
0x34: {  	[sflag:s29] =	ssyncadd.s32 $0xFFFFE000;
	s2 =	sadd.s32 @!p0 s7, s2;
	s7 =	simm.s32 @!p0 $0x0  }
0x35: {  	[tilespmem:s7], [sflag:$0x9] =	stream.linear.gather @!p0 [hbm4b:s2+s7], $0x80, $0x38;
	[tilespmem:$0x13C00] =	vst v63  }
0x36: {  	s9 =	simm.s32 $0x1;
	s2 =	simm.s32 $0x240;
	v9 =	vld [tilespmem:s22+$0x10A00]  }
0x37: {  	v4 =	vmov s9;
	v6 =	vld [tilespmem:s2+$0x0]  }
0x38: {  	v14 =	vand.u32 $0x7F, v4  }
0x39: {  	v8 =	vadd.s32 v0, v14  }
0x3a: {  	s11 =	simm.s32 $0x0;
	v7 =	vld [tilespmem:s22+$0x10A10]  }
0x3b: {  	v4 =	vmov s11;
	v10 =	vld [tilespmem:s2+$0xFFFFFFC0]  }
0x3c: {  	v18 =	vand.u32 $0x7E, v4;
	v5 =	vld [tilespmem:s22+$0x10A20];
	v6 =	vadd.f32 v6, v9  }
0x3d: {  	s13 =	simm.s32 $0x3;
	v11 =	vadd.s32 v0, v18;
	s7 =	simm.s32 $0x2C0;
	v4 =	vld [tilespmem:s22+$0x10A30]  }
0x3e: {  	v12 =	vld [tilespmem:s7+$0x0];
	[tilespmem:v8+s30+$0x0] =	vst.idx.msk $0xffff, v6;
	v6 =	vmov s13  }
0x3f: {  	v6 =	vand.u32 $0x7F, v6;
	v13 =	vld [tilespmem:s2+$0x10]  }
0x40: {  	v8 =	vadd.f32 v10, v9;
	v10 =	vadd.s32 v0, v6  }
0x41: {  	s16 =	simm.s32 $0x2;
	v15 =	vadd.s32 v1, v14  }
0x42: {  	[tilespmem:v11+s30+$0x0] =	vst.idx.msk $0xffff, v8;
	v8 =	vmov s16;
	v11 =	vld [tilespmem:s7+$0xFFFFFFC0]  }
0x43: {  	v12 =	vadd.f32 v12, v9;
	v8 =	vand.u32 $0x7E, v8;
	v16 =	vld [tilespmem:s2+$0xFFFFFFD0]  }
0x44: {  	s11 =	simm.s32 $0x5;
	s10 =	simm.s32 $0x340;
	v17 =	vadd.s32 v0, v8;
	v13 =	vadd.f32 v13, v7  }
0x45: {  	v19 =	vld [tilespmem:s10+$0x0];
	[tilespmem:v10+s30+$0x0] =	vst.idx.msk $0xffff, v12;
	v12 =	vadd.s32 v1, v18;
	v10 =	vmov s11  }
0x46: {  	[tilespmem:v15+s30+$0x0] =	vst.idx.msk $0xffff, v13;
	v10 =	vand.u32 $0x7F, v10;
	v13 =	vld [tilespmem:s7+$0x10]  }
0x47: {  	v11 =	vadd.f32 v11, v9;
	v15 =	vadd.s32 v0, v10;
	v20 =	vld [tilespmem:s2+$0x20]  }
0x48: {  	s20 =	simm.s32 $0x4;
	v21 =	vadd.s32 v1, v6;
	v16 =	vadd.f32 v16, v7  }
0x49: {  	v22 =	vadd.s32 v2, v14;
	[tilespmem:v17+s30+$0x0] =	vst.idx.msk $0xffff, v11;
	v11 =	vmov s20;
	v17 =	vld [tilespmem:s10+$0xFFFFFFC0]  }
0x4a: {  	v11 =	vand.u32 $0x7E, v11;
	[tilespmem:v12+s30+$0x0] =	vst.idx.msk $0xffff, v16;
	v12 =	vadd.f32 v19, v9;
	v16 =	vld [tilespmem:s7+$0xFFFFFFD0]  }
0x4b: {  	s13 =	simm.s32 $0x7;
	s11 =	simm.s32 $0x3C0;
	v19 =	vadd.s32 v0, v11;
	v13 =	vadd.f32 v13, v7;
	v23 =	vld [tilespmem:s2+$0xFFFFFFE0]  }
0x4c: {  	v24 =	vld [tilespmem:s11+$0x0];
	[tilespmem:v15+s30+$0x0] =	vst.idx.msk $0xffff, v12;
	v15 =	vadd.s32 v1, v8;
	v20 =	vadd.f32 v20, v5;
	v12 =	vmov s13  }
0x4d: {  	[tilespmem:v21+s30+$0x0] =	vst.idx.msk $0xffff, v13;
	v21 =	vadd.s32 v2, v18;
	v12 =	vand.u32 $0x7F, v12;
	v25 =	vld [tilespmem:s10+$0x10]  }
0x4e: {  	v13 =	vadd.f32 v17, v9;
	[tilespmem:v22+s30+$0x0] =	vst.idx.msk $0xffff, v20;
	v17 =	vadd.s32 v0, v12;
	v20 =	vld [tilespmem:s7+$0x20]  }
0x4f: {  	s21 =	simm.s32 $0x6;
	v26 =	vadd.s32 v1, v10;
	v16 =	vadd.f32 v16, v7;
	v27 =	vld [tilespmem:s2+$0x30]  }
0x50: {  	v28 =	vadd.s32 v2, v6;
	[tilespmem:v19+s30+$0x0] =	vst.idx.msk $0xffff, v13;
	v13 =	vmov s21;
	v19 =	vadd.f32 v23, v5;
	v23 =	vld [tilespmem:s11+$0xFFFFFFC0]  }
0x51: {  	v30 =	vadd.s32 v3, v14;
	v13 =	vand.u32 $0x7E, v13;
	v29 =	vld [tilespmem:s10+$0xFFFFFFD0];
	[tilespmem:v15+s30+$0x0] =	vst.idx.msk $0xffff, v16;
	v16 =	vadd.f32 v24, v9  }
0x52: {  	[tilespmem:v21+s30+$0x0] =	vst.idx.msk $0xffff, v19;
	v21 =	vadd.s32 v0, v13;
	v14 =	vadd.f32 v25, v7;
	v15 =	vld [tilespmem:s7+$0xFFFFFFE0]  }
0x53: {  	s22 =	simm.s32 $0x9;
	s20 =	simm.s32 $0x440;
	v19 =	vadd.s32 v1, v11;
	[tilespmem:v17+s30+$0x0] =	vst.idx.msk $0xffff, v16;
	v20 =	vadd.f32 v20, v5;
	v16 =	vld [tilespmem:s2+$0xFFFFFFF0]  }
0x54: {  	v22 =	vld [tilespmem:s20+$0x0];
	v24 =	vmov s22;
	v17 =	vadd.s32 v2, v8;
	[tilespmem:v26+s30+$0x0] =	vst.idx.msk $0xffff, v14;
	v27 =	vadd.f32 v27, v4  }
0x55: {  	s28 =	simm.s32 $0x440;
	s16 =	sshrl.u32 s24, $0x5;
	v18 =	vadd.s32 v3, v18;
	v14 =	vand.u32 $0x7F, v24;
	v26 =	vadd.f32 v23, v9;
	v23 =	vld [tilespmem:s11+$0x10];
	[tilespmem:v28+s30+$0x0] =	vst.idx.msk $0xffff, v20  }
0x56: {  	s21 =	simm.s32 $0x8;
	s22 =	sor.u32 $0x2, s18;
	s2 =	simm.s32 $0xA;
	v24 =	vadd.s32 v0, v14;
	v25 =	vadd.f32 v29, v7;
	v20 =	vld [tilespmem:s10+$0x20];
	[tilespmem:v30+s30+$0x0] =	vst.idx.msk $0xffff, v27  }
.LBB2_3:
0x57: {  	p1 =	slt.u32 s2, $0x7E;
	[tilespmem:v21+s30+$0x0] =	vst.idx.msk $0xffff, v26;
	v26 =	vadd.s32 v1, v12;
	v15 =	vadd.f32 v15, v5;
	v27 =	vld [tilespmem:s7+$0x30];
	v28 =	vmov v11  }
0x58: {  	v21 =	vmov s21;
	v11 =	vmovc v13;
	s21 =	smov.u32 s2;
	v29 =	vld [tilespmem:s20+$0xFFFFFFC0];
	[tilespmem:v19+s30+$0x0] =	vst.idx.msk $0xffff, v25;
	v25 =	vadd.s32 v2, v10;
	v16 =	vadd.f32 v16, v4  }
0x59: {  	v31 =	vadd.s32 v3, v6;
	v13 =	vand.u32 $0x7E, v21;
	v19 =	vadd.f32 v22, v9;
	v30 =	vld [tilespmem:s11+$0xFFFFFFD0];
	[tilespmem:v17+s30+$0x0] =	vst.idx.msk $0xffff, v15  }
.Ltmp0:
0x5a: {  	v6 =	vmov v10;
	v21 =	vadd.s32 v0, v13;
	v17 =	vadd.f32 v23, v7;
	v15 =	vld [tilespmem:s10+$0xFFFFFFE0];
	[tilespmem:v18+s30+$0x0] =	vst.idx.msk $0xffff, v16;
	(pc) =	sbr.rel @p1 .LBB2_3-.Ltmp0, $4  }
0x5b: {  	s13 =	sadd.s32 $0x1, s2;
	s20 =	sadd.s32 $0x80, s20;
	v10 =	vmov v12;
	[tilespmem:v24+s30+$0x0] =	vst.idx.msk $0xffff, v19;
	v19 =	vadd.s32 v1, v11;
	v18 =	vadd.f32 v20, v5;
	v16 =	vld [tilespmem:s7+$0xFFFFFFF0];
	s7 =	smov.u32 s10  }
0x5c: {  	v12 =	vmovc v14;
	v20 =	vmov s13;
	s10 =	smov.u32 s11;
	s11 =	smov.u32 s28;
	s28 =	smov.u32 s20;
	v22 =	vld [tilespmem:s20+$0x0];
	[tilespmem:v26+s30+$0x0] =	vst.idx.msk $0xffff, v17;
	v17 =	vadd.s32 v2, v28;
	v27 =	vadd.f32 v27, v4  }
0x5d: {  	v14 =	vand.u32 $0x7F, v20;
	v26 =	vadd.f32 v29, v9;
	v23 =	vld [tilespmem:s11+$0x10];
	[tilespmem:v25+s30+$0x0] =	vst.idx.msk $0xffff, v18;
	v18 =	vadd.s32 v3, v8  }
0x5e: {  	s2 =	sadd.s32 $0x2, s2;
	v24 =	vadd.s32 v0, v14;
	v8 =	vmov v28;
	v25 =	vadd.f32 v30, v7;
	v20 =	vld [tilespmem:s10+$0x20];
	[tilespmem:v31+s30+$0x0] =	vst.idx.msk $0xffff, v27  }
0x5f: {  	v27 =	vmov s21;
	v28 =	vld [tilespmem:s20+$0xFFFFFFC0]  }
0x60: {  	v27 =	vand.u32 $0x7E, v27  }
0x61: {  	v29 =	vadd.s32 v0, v27;
	_ =	sdelay $0x1  }
0x62: {  	v22 =	vadd.f32 v22, v9  }
0x63: {  	[tilespmem:v21+s30+$0x0] =	vst.idx.msk $0xffff, v26;
	v57 =	vadd.f32 v28, v9  }
0x64: {  	v21 =	vld [tilespmem:s11+$0xFFFFFFD0];
	[tilespmem:v24+s30+$0x0] =	vst.idx.msk $0xffff, v22  }
0x65: {  	v58 =	vadd.s32 v1, v12;
	v24 =	vld [tilespmem:s28+$0x10];
	[tilespmem:v29+s30+$0x0] =	vst.idx.msk $0xffff, v57  }
0x66: {  	v59 =	vadd.s32 v1, v13;
	v60 =	vld [tilespmem:s28+$0xFFFFFFD0]  }
0x67: {  	v61 =	vadd.s32 v1, v14  }
0x68: {  	v62 =	vadd.s32 v1, v27;
	v23 =	vadd.f32 v23, v7  }
0x69: {  	[tilespmem:v19+s30+$0x0] =	vst.idx.msk $0xffff, v25;
	v63 =	vadd.f32 v21, v7  }
0x6a: {  	v30 =	vld [tilespmem:s10+$0xFFFFFFE0];
	[tilespmem:v58+s30+$0x0] =	vst.idx.msk $0xffff, v23;
	v31 =	vadd.f32 v24, v7  }
0x6b: {  	v32 =	vadd.s32 v2, v10;
	v33 =	vld [tilespmem:s11+$0x20];
	[tilespmem:v59+s30+$0x0] =	vst.idx.msk $0xffff, v63;
	v34 =	vadd.f32 v60, v7  }
0x6c: {  	v35 =	vadd.f32 v15, v5;
	v36 =	vadd.s32 v2, v11;
	v19 =	vld [tilespmem:s11+$0xFFFFFFE0];
	[tilespmem:v61+s30+$0x0] =	vst.idx.msk $0xffff, v31  }
0x6d: {  	v37 =	vadd.s32 v2, v12;
	v16 =	vadd.f32 v16, v4;
	v38 =	vld [tilespmem:s28+$0x20];
	[tilespmem:v62+s30+$0x0] =	vst.idx.msk $0xffff, v34  }
0x6e: {  	v40 =	vadd.s32 v2, v13;
	[tilespmem:v17+s30+$0x0] =	vst.idx.msk $0xffff, v35;
	v39 =	vadd.f32 v20, v5;
	v41 =	vld [tilespmem:s28+$0xFFFFFFE0]  }
0x6f: {  	v42 =	vld [tilespmem:s7+$0x30];
	v44 =	vadd.s32 v2, v14;
	[tilespmem:v18+s30+$0x0] =	vst.idx.msk $0xffff, v16;
	v43 =	vadd.f32 v30, v5  }
0x70: {  	v47 =	vadd.s32 v2, v27;
	v45 =	vld [tilespmem:s7+$0xFFFFFFF0];
	[tilespmem:v32+s30+$0x0] =	vst.idx.msk $0xffff, v39;
	v46 =	vadd.f32 v33, v5  }
0x71: {  	v6 =	vadd.s32 v3, v6;
	v48 =	vld [tilespmem:s10+$0x30];
	[tilespmem:v36+s30+$0x0] =	vst.idx.msk $0xffff, v43;
	v49 =	vadd.f32 v19, v5  }
0x72: {  	v8 =	vadd.s32 v3, v8;
	v16 =	vld [tilespmem:s10+$0xFFFFFFF0];
	[tilespmem:v37+s30+$0x0] =	vst.idx.msk $0xffff, v46;
	v50 =	vadd.f32 v38, v5  }
0x73: {  	v51 =	vadd.s32 v3, v10;
	v52 =	vld [tilespmem:s11+$0x30];
	[tilespmem:v40+s30+$0x0] =	vst.idx.msk $0xffff, v49;
	v5 =	vadd.f32 v41, v5  }
0x74: {  	v54 =	vadd.s32 v3, v11;
	v53 =	vadd.f32 v42, v4;
	v15 =	vld [tilespmem:s11+$0xFFFFFFF0];
	[tilespmem:v44+s30+$0x0] =	vst.idx.msk $0xffff, v50  }
0x75: {  	v56 =	vadd.s32 v3, v12;
	v55 =	vadd.f32 v45, v4;
	v57 =	vld [tilespmem:s28+$0x30];
	[tilespmem:v47+s30+$0x0] =	vst.idx.msk $0xffff, v5  }
0x76: {  	v58 =	vadd.s32 v3, v13;
	[tilespmem:v6+s30+$0x0] =	vst.idx.msk $0xffff, v53;
	v5 =	vadd.f32 v48, v4;
	v59 =	vld [tilespmem:s28+$0xFFFFFFF0]  }
0x77: {  	[tilespmem:v8+s30+$0x0] =	vst.idx.msk $0xffff, v55;
	v61 =	vadd.s32 v3, v14;
	v60 =	vadd.f32 v16, v4  }
0x78: {  	v62 =	vadd.s32 v3, v27;
	[tilespmem:v51+s30+$0x0] =	vst.idx.msk $0xffff, v5;
	v5 =	vadd.f32 v52, v4  }
0x79: {  	[tilespmem:v54+s30+$0x0] =	vst.idx.msk $0xffff, v60;
	v63 =	vadd.f32 v15, v4  }
0x7a: {  	s2 =	sshll.u32 s24, $0x7;
	[tilespmem:v56+s30+$0x0] =	vst.idx.msk $0xffff, v5;
	v5 =	vadd.f32 v57, v4  }
0x7b: {  	s2 =	sand.u32 $0xE00, s2;
	[tilespmem:v58+s30+$0x0] =	vst.idx.msk $0xffff, v63;
	v4 =	vadd.f32 v59, v4  }
0x7c: {  	s16 =	sshll.u32 s16, $0xF;
	s2 =	sadd.s32 s3, s2;
	[tilespmem:v61+s30+$0x0] =	vst.idx.msk $0xffff, v5  }
0x7d: {  	s20 =	simm.s32 $0x8200;
	s7 =	sadd.s32 s16, s2;
	[tilespmem:v62+s30+$0x0] =	vst.idx.msk $0xffff, v4  }
0x7e: {  	[hbm4b:s7+s5] =	stream.linear.scatter [tilespmem:s20], [sflag:$0x5], $0x80, $0x38;
	[tilespmem:$0x13C00] =	vst v63  }
0x7f: {  	s21 =	simm.s32 $0x8288;
	s24 =	sadd.s32 $0x10, s7  }
0x80: {  	[hbm4b:s24+s5] =	stream.linear.scatter [tilespmem:s21], [sflag:$0x5], $0x80, $0x38;
	[tilespmem:$0x13C00] =	vst v63  }
0x81: {  	s13 =	simm.s32 $0x8420;
	s9 =	sadd.s32 $0x20, s7;
	s28 =	simm.s32 $0x8310  }
0x82: {  	[hbm4b:s9+s5] =	stream.linear.scatter [tilespmem:s28], [sflag:$0x5], $0x80, $0x38;
	[tilespmem:$0x13C00] =	vst v63  }
0x83: {  	s2 =	simm.s32 $0x440;
	s10 =	simm.s32 $0x8398;
	s11 =	sadd.s32 $0x30, s7  }
0x84: {  	[hbm4b:s11+s5] =	stream.linear.scatter [tilespmem:s10], [sflag:$0x5], $0x80, $0x38;
	[tilespmem:$0x13C00] =	vst v63  }
0x85: {  	s16 =	sadd.s32 $0x40, s7;
	s20 =	simm.s32 $0x84A8;
	s21 =	sadd.s32 $0x50, s7  }
0x86: {  	[hbm4b:s16+s5] =	stream.linear.scatter [tilespmem:s13], [sflag:$0x5], $0x80, $0x38;
	[tilespmem:$0x13C00] =	vst v63  }
0x87: {  	s24 =	simm.s32 $0x8530;
	s28 =	sadd.s32 $0x60, s7;
	s10 =	simm.s32 $0x2200  }
0x88: {  	[hbm4b:s21+s5] =	stream.linear.scatter [tilespmem:s20], [sflag:$0x5], $0x80, $0x38;
	[tilespmem:$0x13C00] =	vst v63  }
0x89: {  	s11 =	simm.s32 $0x85B8;
	s13 =	sadd.s32 $0x70, s7;
	s7 =	sadd.s32 $0x1000, s7  }
0x8a: {  	[hbm4b:s28+s5] =	stream.linear.scatter [tilespmem:s24], [sflag:$0x5], $0x80, $0x38;
	[tilespmem:$0x13C00] =	vst v63  }
.LBB2_5:
0x8b: {  	[hbm4b:s13+s5] =	stream.linear.scatter [tilespmem:s11], [sflag:$0x5], $0x80, $0x38;
	[tilespmem:$0x13C00] =	vst v63  }
0x8c: {  	s11 =	smov.u32 s2;
	s2 =	smov.u32 s10  }
0x8d: {  	s16 =	sadd.s32 $0x1100, s10;
	s2 =	sshra.s32 s2, $0x2;
	s13 =	sadd.s32 $0x8200, s11  }
0x8e: {  	[hbm4b:s7+s5] =	stream.linear.scatter [tilespmem:s13], [sflag:$0x5], $0x80, $0x38;
	[tilespmem:$0x13C00] =	vst v63  }
0x8f: {  	p1 =	sne.s32 s10, $0x7700;
	s10 =	sadd.s32 $0x8288, s11;
	s13 =	sadd.s32 $0x10, s7  }
0x90: {  	[hbm4b:s13+s5] =	stream.linear.scatter [tilespmem:s10], [sflag:$0x5], $0x80, $0x38;
	[tilespmem:$0x13C00] =	vst v63  }
0x91: {  	s10 =	sadd.s32 $0x8310, s11;
	s13 =	sadd.s32 $0x20, s7  }
0x92: {  	[hbm4b:s13+s5] =	stream.linear.scatter [tilespmem:s10], [sflag:$0x5], $0x80, $0x38;
	[tilespmem:$0x13C00] =	vst v63  }
0x93: {  	s10 =	sadd.s32 $0x8398, s11;
	s13 =	sadd.s32 $0x30, s7  }
0x94: {  	[hbm4b:s13+s5] =	stream.linear.scatter [tilespmem:s10], [sflag:$0x5], $0x80, $0x38;
	[tilespmem:$0x13C00] =	vst v63  }
0x95: {  	s10 =	sadd.s32 $0x8420, s11;
	s13 =	sadd.s32 $0x40, s7  }
0x96: {  	[hbm4b:s13+s5] =	stream.linear.scatter [tilespmem:s10], [sflag:$0x5], $0x80, $0x38;
	[tilespmem:$0x13C00] =	vst v63  }
.Ltmp1:
0x97: {  	s10 =	sadd.s32 $0x84A8, s11;
	s13 =	sadd.s32 $0x50, s7;
	(pc) =	sbr.rel @p1 .LBB2_5-.Ltmp1, $4  }
0x98: {  	[hbm4b:s13+s5] =	stream.linear.scatter [tilespmem:s10], [sflag:$0x5], $0x80, $0x38;
	[tilespmem:$0x13C00] =	vst v63  }
0x99: {  	s10 =	sadd.s32 $0x8530, s11;
	s13 =	sadd.s32 $0x60, s7;
	s11 =	sadd.s32 $0x85B8, s11  }
0x9a: {  	[hbm4b:s13+s5] =	stream.linear.scatter [tilespmem:s10], [sflag:$0x5], $0x80, $0x38;
	[tilespmem:$0x13C00] =	vst v63  }
0x9b: {  	s13 =	sadd.s32 $0x70, s7;
	s7 =	sadd.s32 $0x1000, s7;
	s10 =	smov.u32 s16  }
0x9c: {  	[hbm4b:s13+s5] =	stream.linear.scatter [tilespmem:s11], [sflag:$0x5], $0x80, $0x38;
	[tilespmem:$0x13C00] =	vst v63  }
0x9d: {  	s10 =	sadd.s32 $0x8200, s2  }
0x9e: {  	[hbm4b:s7+s5] =	stream.linear.scatter [tilespmem:s10], [sflag:$0x5], $0x80, $0x38;
	[tilespmem:$0x13C00] =	vst v63  }
0x9f: {  	s28 =	sadd.s32 $0x8288, s2;
	s9 =	sadd.s32 $0x10, s7  }
0xa0: {  	[hbm4b:s9+s5] =	stream.linear.scatter [tilespmem:s28], [sflag:$0x5], $0x80, $0x38;
	[tilespmem:$0x13C00] =	vst v63  }
0xa1: {  	s11 =	sadd.s32 $0x8310, s2;
	s13 =	sadd.s32 $0x20, s7  }
0xa2: {  	[hbm4b:s13+s5] =	stream.linear.scatter [tilespmem:s11], [sflag:$0x5], $0x80, $0x38;
	[tilespmem:$0x13C00] =	vst v63  }
0xa3: {  	s16 =	sadd.s32 $0x8398, s2;
	s20 =	sadd.s32 $0x30, s7  }
0xa4: {  	[hbm4b:s20+s5] =	stream.linear.scatter [tilespmem:s16], [sflag:$0x5], $0x80, $0x38;
	[tilespmem:$0x13C00] =	vst v63  }
0xa5: {  	s21 =	sadd.s32 $0x8420, s2;
	s24 =	sadd.s32 $0x40, s7  }
0xa6: {  	[hbm4b:s24+s5] =	stream.linear.scatter [tilespmem:s21], [sflag:$0x5], $0x80, $0x38;
	[tilespmem:$0x13C00] =	vst v63  }
0xa7: {  	s28 =	sadd.s32 $0x84A8, s2;
	s9 =	sadd.s32 $0x50, s7  }
0xa8: {  	[hbm4b:s9+s5] =	stream.linear.scatter [tilespmem:s28], [sflag:$0x5], $0x80, $0x38;
	[tilespmem:$0x13C00] =	vst v63  }
0xa9: {  	s13 =	sadd.s32 $0x8530, s2;
	s16 =	sadd.s32 $0x60, s7  }
0xaa: {  	[hbm4b:s16+s5] =	stream.linear.scatter [tilespmem:s13], [sflag:$0x5], $0x80, $0x38;
	[tilespmem:$0x13C00] =	vst v63  }
0xab: {  	p1 =	sne.s32 s8, $0x0;
	s20 =	sadd.s32 $0x85B8, s2;
	s21 =	sadd.s32 $0x70, s7  }
0xac: {  	[hbm4b:s21+s5] =	stream.linear.scatter [tilespmem:s20], [sflag:$0x5], $0x80, $0x38;
	[tilespmem:$0x13C00] =	vst v63  }
.Ltmp2:
0xad: {  	_ = 	snop;
	(pc) =	sbr.rel @!p1 .LBB2_7-.Ltmp2, $4  }
0xae: {  	_ =	swait.ge [sflag:s31], $0x80  }
0xaf: {  	[sflag:s31] =	ssyncset.done $0x0  }
0xb0: {  	s24 =	simm.s32 $0x180;
	s28 =	simm.s32 $0x6200;
	[sflag:s31] =	ssyncadd.s32 $0xFFFFFF80  }
0xb1: {  	[tilespmem:s28], [sflag:$0x4] =	stream.indirect.gather [hbm4b:s6+s19], $0x40, s24, s19, $0xb8;
	[tilespmem:$0x13C00] =	vst v63  }
0xb2: {  	s2 =	simm.s32 $0x6  }
0xb3: {  	_ =	swait.ge [sflag:s2], $0x2000  }
.Ltmp3:
0xb4: {  	[sflag:s2] =	ssyncset.done $0x0;
	(pc) =	sbr.rel @p0 .LBB2_10-.Ltmp3, $4  }
.Ltmp4:
0xb5: {  	[sflag:s2] =	ssyncadd.s32 $0xFFFFE000;
	(pc) =	sbr.rel @!p0 .LBB2_9-.Ltmp4, $4  }
0xb6: {  	_ =	swait.ge [sflag:s0], $0x2000  }
0xb7: {  	[sflag:s0] =	ssyncset.done $0x0  }
0xb8: {  	[sflag:s0] =	ssyncadd.s32 $0xFFFFE000  }
0xb9: {  	_ = 	snop  }
.LBB2_7:
0xba: {  	_ =	swait.ge [sflag:s0], $0x2000  }
0xbb: {  	[sflag:s0] =	ssyncset.done $0x0  }
0xbc: {  	[sflag:s0] =	ssyncadd.s32 $0xFFFFE000  }
.LBB2_9:
0xbd: {  	s2 =	rddreg [dreg:$0x9]  }
0xbe: {  	s2 =	sadd.s32 s18, s2  }
0xbf: {  	s7 =	sshll.u32 s2, $0x4;
	s10 =	sshll.u32 s2, $0x7;
	s2 =	sshrl.u32 s2, $0x1  }
0xc0: {  	s7 =	sand.u32 $0xFFFF000, s7;
	s10 =	sand.u32 $0xE80, s10;
	s2 =	sand.u32 $0x70, s2  }
0xc1: {  	s7 =	sor.u32 s7, s10;
	s2 =	sadd.s32 s1, s2  }
0xc2: {  	s2 =	sadd.s32 s7, s2  }
0xc3: {  	[tilespmem:s19], [sflag:$0xA] =	stream.linear.gather [hbm4b:s2+s5], $0x80, $0x38;
	[tilespmem:$0x13C00] =	vst v63  }
.LBB2_10:
0xc4: {  	s2 =	sor.u32 $0x1, s18  }
0xc5: {  	s7 =	sadd.s32 s4, s2  }
0xc6: {  	s2 =	sshll.u32 s7, $0x1  }
0xc7: {  	s10 =	sand.u32 $0x3FFFFFC0, s2  }
0xc8: {  	s11 =	simm.s32 $0x1;
	s2 =	simm.s32 $0x2270;
	v9 =	vld [tilespmem:s10+$0x10A00]  }
0xc9: {  	v4 =	vmov s11;
	v6 =	vld [tilespmem:s2+$0xFFFFFFD0]  }
0xca: {  	v14 =	vand.u32 $0x7F, v4  }
0xcb: {  	v8 =	vadd.s32 v0, v14  }
0xcc: {  	s24 =	simm.s32 $0x0;
	v7 =	vld [tilespmem:s10+$0x10A10]  }
0xcd: {  	v4 =	vmov s24;
	v10 =	vld [tilespmem:s2+$0xFFFFFF90]  }
0xce: {  	v18 =	vand.u32 $0x7E, v4;
	v5 =	vld [tilespmem:s10+$0x10A20];
	v6 =	vadd.f32 v6, v9  }
0xcf: {  	s9 =	simm.s32 $0x3;
	v4 =	vld [tilespmem:s10+$0x10A30];
	v11 =	vadd.s32 v0, v18;
	s10 =	simm.s32 $0x22F0  }
0xd0: {  	v12 =	vld [tilespmem:s10+$0xFFFFFFD0];
	[tilespmem:v8+s17+$0x0] =	vst.idx.msk $0xffff, v6;
	v6 =	vmov s9  }
0xd1: {  	v6 =	vand.u32 $0x7F, v6;
	v13 =	vld [tilespmem:s2+$0xFFFFFFE0]  }
0xd2: {  	v8 =	vadd.f32 v10, v9;
	v10 =	vadd.s32 v0, v6  }
0xd3: {  	s13 =	simm.s32 $0x2;
	v15 =	vadd.s32 v1, v14  }
0xd4: {  	[tilespmem:v11+s17+$0x0] =	vst.idx.msk $0xffff, v8;
	v8 =	vmov s13;
	v11 =	vld [tilespmem:s10+$0xFFFFFF90]  }
0xd5: {  	v12 =	vadd.f32 v12, v9;
	v8 =	vand.u32 $0x7E, v8;
	v16 =	vld [tilespmem:s2+$0xFFFFFFA0]  }
0xd6: {  	s11 =	simm.s32 $0x2370;
	s13 =	simm.s32 $0x5;
	v17 =	vadd.s32 v0, v8;
	v13 =	vadd.f32 v13, v7  }
0xd7: {  	v19 =	vld [tilespmem:s11+$0xFFFFFFD0];
	[tilespmem:v10+s17+$0x0] =	vst.idx.msk $0xffff, v12;
	v12 =	vadd.s32 v1, v18;
	v10 =	vmov s13  }
0xd8: {  	[tilespmem:v15+s17+$0x0] =	vst.idx.msk $0xffff, v13;
	v10 =	vand.u32 $0x7F, v10;
	v13 =	vld [tilespmem:s10+$0xFFFFFFE0]  }
0xd9: {  	v11 =	vadd.f32 v11, v9;
	v15 =	vadd.s32 v0, v10;
	v20 =	vld [tilespmem:s2+$0xFFFFFFF0]  }
0xda: {  	s16 =	simm.s32 $0x4;
	v21 =	vadd.s32 v1, v6;
	v16 =	vadd.f32 v16, v7  }
0xdb: {  	v22 =	vadd.s32 v2, v14;
	[tilespmem:v17+s17+$0x0] =	vst.idx.msk $0xffff, v11;
	v11 =	vmov s16;
	v17 =	vld [tilespmem:s11+$0xFFFFFF90]  }
0xdc: {  	v11 =	vand.u32 $0x7E, v11;
	[tilespmem:v12+s17+$0x0] =	vst.idx.msk $0xffff, v16;
	v12 =	vadd.f32 v19, v9;
	v16 =	vld [tilespmem:s10+$0xFFFFFFA0]  }
0xdd: {  	s20 =	simm.s32 $0x7;
	s16 =	simm.s32 $0x23F0;
	v19 =	vadd.s32 v0, v11;
	v13 =	vadd.f32 v13, v7;
	v23 =	vld [tilespmem:s2+$0xFFFFFFB0]  }
0xde: {  	v24 =	vld [tilespmem:s16+$0xFFFFFFD0];
	[tilespmem:v15+s17+$0x0] =	vst.idx.msk $0xffff, v12;
	v15 =	vadd.s32 v1, v8;
	v20 =	vadd.f32 v20, v5;
	v12 =	vmov s20  }
0xdf: {  	[tilespmem:v21+s17+$0x0] =	vst.idx.msk $0xffff, v13;
	v21 =	vadd.s32 v2, v18;
	v12 =	vand.u32 $0x7F, v12;
	v25 =	vld [tilespmem:s11+$0xFFFFFFE0]  }
0xe0: {  	v13 =	vadd.f32 v17, v9;
	[tilespmem:v22+s17+$0x0] =	vst.idx.msk $0xffff, v20;
	v17 =	vadd.s32 v0, v12;
	v20 =	vld [tilespmem:s10+$0xFFFFFFF0]  }
0xe1: {  	s21 =	simm.s32 $0x6;
	v26 =	vadd.s32 v1, v10;
	v16 =	vadd.f32 v16, v7;
	v27 =	vld [tilespmem:s2+$0x0]  }
0xe2: {  	v28 =	vadd.s32 v2, v6;
	[tilespmem:v19+s17+$0x0] =	vst.idx.msk $0xffff, v13;
	v13 =	vmov s21;
	v19 =	vadd.f32 v23, v5;
	v23 =	vld [tilespmem:s16+$0xFFFFFF90]  }
0xe3: {  	v30 =	vadd.s32 v3, v14;
	v13 =	vand.u32 $0x7E, v13;
	v29 =	vld [tilespmem:s11+$0xFFFFFFA0];
	[tilespmem:v15+s17+$0x0] =	vst.idx.msk $0xffff, v16;
	v16 =	vadd.f32 v24, v9  }
0xe4: {  	[tilespmem:v21+s17+$0x0] =	vst.idx.msk $0xffff, v19;
	v21 =	vadd.s32 v0, v13;
	v14 =	vadd.f32 v25, v7;
	v15 =	vld [tilespmem:s10+$0xFFFFFFB0]  }
0xe5: {  	s24 =	simm.s32 $0x9;
	s20 =	simm.s32 $0x2470;
	v19 =	vadd.s32 v1, v11;
	[tilespmem:v17+s17+$0x0] =	vst.idx.msk $0xffff, v16;
	v20 =	vadd.f32 v20, v5;
	v16 =	vld [tilespmem:s2+$0xFFFFFFC0]  }
0xe6: {  	v22 =	vld [tilespmem:s20+$0xFFFFFFD0];
	v24 =	vmov s24;
	v17 =	vadd.s32 v2, v8;
	[tilespmem:v26+s17+$0x0] =	vst.idx.msk $0xffff, v14;
	v27 =	vadd.f32 v27, v4  }
0xe7: {  	s28 =	sshrl.u32 s7, $0x5;
	s13 =	simm.s32 $0x8;
	v18 =	vadd.s32 v3, v18;
	v14 =	vand.u32 $0x7F, v24;
	v26 =	vadd.f32 v23, v9;
	v23 =	vld [tilespmem:s16+$0xFFFFFFE0];
	[tilespmem:v28+s17+$0x0] =	vst.idx.msk $0xffff, v20  }
0xe8: {  	s21 =	simm.s32 $0xA;
	s24 =	sor.u32 $0x3, s18;
	s2 =	simm.s32 $0x2470;
	v24 =	vadd.s32 v0, v14;
	v25 =	vadd.f32 v29, v7;
	v20 =	vld [tilespmem:s11+$0xFFFFFFF0];
	[tilespmem:v30+s17+$0x0] =	vst.idx.msk $0xffff, v27  }
.LBB2_11:
0xe9: {  	p1 =	slt.u32 s21, $0x7E;
	[tilespmem:v21+s17+$0x0] =	vst.idx.msk $0xffff, v26;
	v26 =	vadd.s32 v1, v12;
	v15 =	vadd.f32 v15, v5;
	v27 =	vld [tilespmem:s10+$0x0];
	v28 =	vmov v11  }
0xea: {  	v21 =	vmov s13;
	v11 =	vmovc v13;
	s13 =	smov.u32 s21;
	v29 =	vld [tilespmem:s20+$0xFFFFFF90];
	[tilespmem:v19+s17+$0x0] =	vst.idx.msk $0xffff, v25;
	v25 =	vadd.s32 v2, v10;
	v16 =	vadd.f32 v16, v4  }
0xeb: {  	v31 =	vadd.s32 v3, v6;
	v13 =	vand.u32 $0x7E, v21;
	v19 =	vadd.f32 v22, v9;
	v30 =	vld [tilespmem:s16+$0xFFFFFFA0];
	[tilespmem:v17+s17+$0x0] =	vst.idx.msk $0xffff, v15  }
.Ltmp5:
0xec: {  	v6 =	vmov v10;
	v21 =	vadd.s32 v0, v13;
	v17 =	vadd.f32 v23, v7;
	v15 =	vld [tilespmem:s11+$0xFFFFFFB0];
	[tilespmem:v18+s17+$0x0] =	vst.idx.msk $0xffff, v16;
	(pc) =	sbr.rel @p1 .LBB2_11-.Ltmp5, $4  }
0xed: {  	s9 =	sadd.s32 $0x1, s21;
	s20 =	sadd.s32 $0x80, s20;
	v10 =	vmov v12;
	[tilespmem:v24+s17+$0x0] =	vst.idx.msk $0xffff, v19;
	v19 =	vadd.s32 v1, v11;
	v18 =	vadd.f32 v20, v5;
	v16 =	vld [tilespmem:s10+$0xFFFFFFC0];
	s10 =	smov.u32 s11  }
0xee: {  	v12 =	vmovc v14;
	v20 =	vmov s9;
	s11 =	smov.u32 s16;
	s16 =	smov.u32 s2;
	s2 =	smov.u32 s20;
	v22 =	vld [tilespmem:s20+$0xFFFFFFD0];
	[tilespmem:v26+s17+$0x0] =	vst.idx.msk $0xffff, v17;
	v17 =	vadd.s32 v2, v28;
	v27 =	vadd.f32 v27, v4  }
0xef: {  	v14 =	vand.u32 $0x7F, v20;
	v26 =	vadd.f32 v29, v9;
	v23 =	vld [tilespmem:s16+$0xFFFFFFE0];
	[tilespmem:v25+s17+$0x0] =	vst.idx.msk $0xffff, v18;
	v18 =	vadd.s32 v3, v8  }
0xf0: {  	s21 =	sadd.s32 $0x2, s21;
	v24 =	vadd.s32 v0, v14;
	v8 =	vmov v28;
	v25 =	vadd.f32 v30, v7;
	v20 =	vld [tilespmem:s11+$0xFFFFFFF0];
	[tilespmem:v31+s17+$0x0] =	vst.idx.msk $0xffff, v27  }
0xf1: {  	v27 =	vmov s13;
	v28 =	vld [tilespmem:s20+$0xFFFFFF90]  }
0xf2: {  	v27 =	vand.u32 $0x7E, v27  }
0xf3: {  	v29 =	vadd.s32 v0, v27;
	_ =	sdelay $0x1  }
0xf4: {  	v22 =	vadd.f32 v22, v9  }
0xf5: {  	[tilespmem:v21+s17+$0x0] =	vst.idx.msk $0xffff, v26;
	v57 =	vadd.f32 v28, v9  }
0xf6: {  	v21 =	vld [tilespmem:s16+$0xFFFFFFA0];
	[tilespmem:v24+s17+$0x0] =	vst.idx.msk $0xffff, v22  }
0xf7: {  	v58 =	vadd.s32 v1, v12;
	v24 =	vld [tilespmem:s2+$0xFFFFFFE0];
	[tilespmem:v29+s17+$0x0] =	vst.idx.msk $0xffff, v57  }
0xf8: {  	v59 =	vadd.s32 v1, v13;
	v60 =	vld [tilespmem:s2+$0xFFFFFFA0]  }
0xf9: {  	v61 =	vadd.s32 v1, v14  }
0xfa: {  	v62 =	vadd.s32 v1, v27;
	v23 =	vadd.f32 v23, v7  }
0xfb: {  	[tilespmem:v19+s17+$0x0] =	vst.idx.msk $0xffff, v25;
	v63 =	vadd.f32 v21, v7  }
0xfc: {  	v30 =	vld [tilespmem:s11+$0xFFFFFFB0];
	[tilespmem:v58+s17+$0x0] =	vst.idx.msk $0xffff, v23;
	v31 =	vadd.f32 v24, v7  }
0xfd: {  	v32 =	vadd.s32 v2, v10;
	v33 =	vld [tilespmem:s16+$0xFFFFFFF0];
	[tilespmem:v59+s17+$0x0] =	vst.idx.msk $0xffff, v63;
	v34 =	vadd.f32 v60, v7  }
0xfe: {  	v35 =	vadd.f32 v15, v5;
	v36 =	vadd.s32 v2, v11;
	v19 =	vld [tilespmem:s16+$0xFFFFFFB0];
	[tilespmem:v61+s17+$0x0] =	vst.idx.msk $0xffff, v31  }
0xff: {  	v37 =	vadd.s32 v2, v12;
	v16 =	vadd.f32 v16, v4;
	v38 =	vld [tilespmem:s2+$0xFFFFFFF0];
	[tilespmem:v62+s17+$0x0] =	vst.idx.msk $0xffff, v34  }
0x100: {  	v40 =	vadd.s32 v2, v13;
	[tilespmem:v17+s17+$0x0] =	vst.idx.msk $0xffff, v35;
	v39 =	vadd.f32 v20, v5;
	v41 =	vld [tilespmem:s2+$0xFFFFFFB0]  }
0x101: {  	v42 =	vld [tilespmem:s10+$0x0];
	v44 =	vadd.s32 v2, v14;
	[tilespmem:v18+s17+$0x0] =	vst.idx.msk $0xffff, v16;
	v43 =	vadd.f32 v30, v5  }
0x102: {  	v47 =	vadd.s32 v2, v27;
	v45 =	vld [tilespmem:s10+$0xFFFFFFC0];
	[tilespmem:v32+s17+$0x0] =	vst.idx.msk $0xffff, v39;
	v46 =	vadd.f32 v33, v5  }
0x103: {  	v6 =	vadd.s32 v3, v6;
	v48 =	vld [tilespmem:s11+$0x0];
	[tilespmem:v36+s17+$0x0] =	vst.idx.msk $0xffff, v43;
	v49 =	vadd.f32 v19, v5  }
0x104: {  	v8 =	vadd.s32 v3, v8;
	v16 =	vld [tilespmem:s11+$0xFFFFFFC0];
	[tilespmem:v37+s17+$0x0] =	vst.idx.msk $0xffff, v46;
	v50 =	vadd.f32 v38, v5  }
0x105: {  	v51 =	vadd.s32 v3, v10;
	v52 =	vld [tilespmem:s16+$0x0];
	[tilespmem:v40+s17+$0x0] =	vst.idx.msk $0xffff, v49;
	v5 =	vadd.f32 v41, v5  }
0x106: {  	v54 =	vadd.s32 v3, v11;
	v53 =	vadd.f32 v42, v4;
	v15 =	vld [tilespmem:s16+$0xFFFFFFC0];
	[tilespmem:v44+s17+$0x0] =	vst.idx.msk $0xffff, v50  }
0x107: {  	v56 =	vadd.s32 v3, v12;
	v55 =	vadd.f32 v45, v4;
	v57 =	vld [tilespmem:s2+$0x0];
	[tilespmem:v47+s17+$0x0] =	vst.idx.msk $0xffff, v5  }
0x108: {  	v58 =	vadd.s32 v3, v13;
	[tilespmem:v6+s17+$0x0] =	vst.idx.msk $0xffff, v53;
	v5 =	vadd.f32 v48, v4;
	v59 =	vld [tilespmem:s2+$0xFFFFFFC0]  }
0x109: {  	[tilespmem:v8+s17+$0x0] =	vst.idx.msk $0xffff, v55;
	v61 =	vadd.s32 v3, v14;
	v60 =	vadd.f32 v16, v4  }
0x10a: {  	v62 =	vadd.s32 v3, v27;
	[tilespmem:v51+s17+$0x0] =	vst.idx.msk $0xffff, v5;
	v5 =	vadd.f32 v52, v4  }
0x10b: {  	[tilespmem:v54+s17+$0x0] =	vst.idx.msk $0xffff, v60;
	v63 =	vadd.f32 v15, v4  }
0x10c: {  	s11 =	sshll.u32 s7, $0x7;
	[tilespmem:v56+s17+$0x0] =	vst.idx.msk $0xffff, v5;
	v5 =	vadd.f32 v57, v4  }
0x10d: {  	[tilespmem:v58+s17+$0x0] =	vst.idx.msk $0xffff, v63;
	s2 =	sand.u32 $0xE80, s11;
	v4 =	vadd.f32 v59, v4  }
0x10e: {  	s13 =	sshll.u32 s28, $0xF;
	s2 =	sadd.s32 s3, s2;
	[tilespmem:v61+s17+$0x0] =	vst.idx.msk $0xffff, v5  }
0x10f: {  	s16 =	simm.s32 $0xA400;
	s7 =	sadd.s32 s13, s2;
	[tilespmem:v62+s17+$0x0] =	vst.idx.msk $0xffff, v4  }
0x110: {  	[hbm4b:s7+s5] =	stream.linear.scatter [tilespmem:s16], [sflag:$0x6], $0x80, $0x38;
	[tilespmem:$0x13C00] =	vst v63  }
0x111: {  	s20 =	simm.s32 $0xA488;
	s9 =	sadd.s32 $0x10, s7  }
0x112: {  	[hbm4b:s9+s5] =	stream.linear.scatter [tilespmem:s20], [sflag:$0x6], $0x80, $0x38;
	[tilespmem:$0x13C00] =	vst v63  }
0x113: {  	s21 =	simm.s32 $0xA510;
	s11 =	simm.s32 $0xA620;
	s28 =	sadd.s32 $0x20, s7  }
0x114: {  	[hbm4b:s28+s5] =	stream.linear.scatter [tilespmem:s21], [sflag:$0x6], $0x80, $0x38;
	[tilespmem:$0x13C00] =	vst v63  }
0x115: {  	s2 =	simm.s32 $0x440;
	s10 =	sadd.s32 $0x30, s7;
	s9 =	simm.s32 $0xA598  }
0x116: {  	[hbm4b:s10+s5] =	stream.linear.scatter [tilespmem:s9], [sflag:$0x6], $0x80, $0x38;
	[tilespmem:$0x13C00] =	vst v63  }
0x117: {  	s13 =	sadd.s32 $0x40, s7;
	s16 =	simm.s32 $0xA6A8;
	s20 =	sadd.s32 $0x50, s7  }
0x118: {  	[hbm4b:s13+s5] =	stream.linear.scatter [tilespmem:s11], [sflag:$0x6], $0x80, $0x38;
	[tilespmem:$0x13C00] =	vst v63  }
0x119: {  	s21 =	simm.s32 $0xA730;
	s28 =	sadd.s32 $0x60, s7;
	s10 =	simm.s32 $0x2200  }
0x11a: {  	[hbm4b:s20+s5] =	stream.linear.scatter [tilespmem:s16], [sflag:$0x6], $0x80, $0x38;
	[tilespmem:$0x13C00] =	vst v63  }
0x11b: {  	s11 =	simm.s32 $0xA7B8;
	s13 =	sadd.s32 $0x70, s7;
	s7 =	sadd.s32 $0x1000, s7  }
0x11c: {  	[hbm4b:s28+s5] =	stream.linear.scatter [tilespmem:s21], [sflag:$0x6], $0x80, $0x38;
	[tilespmem:$0x13C00] =	vst v63  }
.LBB2_13:
0x11d: {  	[hbm4b:s13+s5] =	stream.linear.scatter [tilespmem:s11], [sflag:$0x6], $0x80, $0x38;
	[tilespmem:$0x13C00] =	vst v63  }
0x11e: {  	s9 =	smov.u32 s2;
	s2 =	smov.u32 s10  }
0x11f: {  	s16 =	sadd.s32 $0x1100, s10;
	s2 =	sshra.s32 s2, $0x2;
	s11 =	sadd.s32 $0xA400, s9  }
0x120: {  	[hbm4b:s7+s5] =	stream.linear.scatter [tilespmem:s11], [sflag:$0x6], $0x80, $0x38;
	[tilespmem:$0x13C00] =	vst v63  }
0x121: {  	p1 =	sne.s32 s10, $0x7700;
	s10 =	sadd.s32 $0xA488, s9;
	s11 =	sadd.s32 $0x10, s7  }
0x122: {  	[hbm4b:s11+s5] =	stream.linear.scatter [tilespmem:s10], [sflag:$0x6], $0x80, $0x38;
	[tilespmem:$0x13C00] =	vst v63  }
0x123: {  	s10 =	sadd.s32 $0xA510, s9;
	s11 =	sadd.s32 $0x20, s7  }
0x124: {  	[hbm4b:s11+s5] =	stream.linear.scatter [tilespmem:s10], [sflag:$0x6], $0x80, $0x38;
	[tilespmem:$0x13C00] =	vst v63  }
0x125: {  	s10 =	sadd.s32 $0xA598, s9;
	s11 =	sadd.s32 $0x30, s7  }
0x126: {  	[hbm4b:s11+s5] =	stream.linear.scatter [tilespmem:s10], [sflag:$0x6], $0x80, $0x38;
	[tilespmem:$0x13C00] =	vst v63  }
0x127: {  	s10 =	sadd.s32 $0xA620, s9;
	s11 =	sadd.s32 $0x40, s7  }
0x128: {  	[hbm4b:s11+s5] =	stream.linear.scatter [tilespmem:s10], [sflag:$0x6], $0x80, $0x38;
	[tilespmem:$0x13C00] =	vst v63  }
.Ltmp6:
0x129: {  	s10 =	sadd.s32 $0xA6A8, s9;
	s11 =	sadd.s32 $0x50, s7;
	(pc) =	sbr.rel @p1 .LBB2_13-.Ltmp6, $4  }
0x12a: {  	[hbm4b:s11+s5] =	stream.linear.scatter [tilespmem:s10], [sflag:$0x6], $0x80, $0x38;
	[tilespmem:$0x13C00] =	vst v63  }
0x12b: {  	s13 =	sadd.s32 $0x70, s7;
	s10 =	sadd.s32 $0xA730, s9;
	s11 =	sadd.s32 $0x60, s7  }
0x12c: {  	[hbm4b:s11+s5] =	stream.linear.scatter [tilespmem:s10], [sflag:$0x6], $0x80, $0x38;
	[tilespmem:$0x13C00] =	vst v63  }
0x12d: {  	s7 =	sadd.s32 $0x1000, s7;
	s11 =	sadd.s32 $0xA7B8, s9;
	s10 =	smov.u32 s16  }
0x12e: {  	[hbm4b:s13+s5] =	stream.linear.scatter [tilespmem:s11], [sflag:$0x6], $0x80, $0x38;
	[tilespmem:$0x13C00] =	vst v63  }
0x12f: {  	s9 =	sadd.s32 $0xA400, s2  }
0x130: {  	[hbm4b:s7+s5] =	stream.linear.scatter [tilespmem:s9], [sflag:$0x6], $0x80, $0x38;
	[tilespmem:$0x13C00] =	vst v63  }
0x131: {  	s20 =	sadd.s32 $0xA488, s2;
	s10 =	sadd.s32 $0x10, s7  }
0x132: {  	[hbm4b:s10+s5] =	stream.linear.scatter [tilespmem:s20], [sflag:$0x6], $0x80, $0x38;
	[tilespmem:$0x13C00] =	vst v63  }
0x133: {  	s21 =	sadd.s32 $0xA510, s2;
	s28 =	sadd.s32 $0x20, s7  }
0x134: {  	[hbm4b:s28+s5] =	stream.linear.scatter [tilespmem:s21], [sflag:$0x6], $0x80, $0x38;
	[tilespmem:$0x13C00] =	vst v63  }
0x135: {  	s11 =	sadd.s32 $0xA598, s2;
	s13 =	sadd.s32 $0x30, s7  }
0x136: {  	[hbm4b:s13+s5] =	stream.linear.scatter [tilespmem:s11], [sflag:$0x6], $0x80, $0x38;
	[tilespmem:$0x13C00] =	vst v63  }
0x137: {  	s16 =	sadd.s32 $0xA620, s2;
	s20 =	sadd.s32 $0x40, s7  }
0x138: {  	[hbm4b:s20+s5] =	stream.linear.scatter [tilespmem:s16], [sflag:$0x6], $0x80, $0x38;
	[tilespmem:$0x13C00] =	vst v63  }
0x139: {  	s21 =	sadd.s32 $0xA6A8, s2;
	s28 =	sadd.s32 $0x50, s7  }
0x13a: {  	[hbm4b:s28+s5] =	stream.linear.scatter [tilespmem:s21], [sflag:$0x6], $0x80, $0x38;
	[tilespmem:$0x13C00] =	vst v63  }
0x13b: {  	s10 =	sadd.s32 $0xA730, s2;
	s11 =	sadd.s32 $0x60, s7  }
0x13c: {  	[hbm4b:s11+s5] =	stream.linear.scatter [tilespmem:s10], [sflag:$0x6], $0x80, $0x38;
	[tilespmem:$0x13C00] =	vst v63  }
0x13d: {  	s13 =	sadd.s32 $0xA7B8, s2;
	s2 =	simm.s32 @p0 $0x7;
	s16 =	sadd.s32 $0x70, s7  }
0x13e: {  	[hbm4b:s16+s5] =	stream.linear.scatter [tilespmem:s13], [sflag:$0x6], $0x80, $0x38;
	[tilespmem:$0x13C00] =	vst v63  }
0x13f: {  	_ =	swait.ge @p0 [sflag:s2], $0x2000  }
0x140: {  	[sflag:s2] =	ssyncset.done @p0 $0x0  }
0x141: {  	[sflag:s2] =	ssyncadd.s32 @p0 $0xFFFFE000;
	s2 =	simm.s32 @p0 $0x3  }
0x142: {  	_ =	swait.ge @p0 [sflag:s2], $0x2000  }
0x143: {  	[sflag:s2] =	ssyncset.done @p0 $0x0  }
0x144: {  	[sflag:s2] =	ssyncadd.s32 @p0 $0xFFFFE000;
	s2 =	simm.s32 @!p0 $0x9  }
0x145: {  	p1 =	seq.s32 @!p0 s8, $0x0;
	_ =	swait.ge @!p0 [sflag:s2], $0x80  }
0x146: {  	p1 =	por p1, p0;
	s9 =	simm.s32 @!p0 $0x200;
	[sflag:s2] =	ssyncset.done @!p0 $0x0  }
0x147: {  	s7 =	simm.s32 @!p0 $0x0;
	[sflag:s2] =	ssyncadd.s32 @!p0 $0xFFFFFF80;
	s2 =	simm.s32 @!p0 $0x80  }
0x148: {  	[tilespmem:s9], [sflag:$0x1] =	stream.indirect.gather @!p0 [hbm4b:s6+s2], $0x40, s7, s2, $0xb8;
	[tilespmem:$0x13C00] =	vst v63  }
0x149: {  	s2 =	simm.s32 @!p1 $0x7;
	s9 =	sadd.s32 @!p0 s18, s14  }
0x14a: {  	_ =	swait.ge @!p1 [sflag:s2], $0x2000;
	s10 =	sshll.u32 @!p0 s9, $0x4  }
0x14b: {  	s11 =	sshll.u32 @!p0 s9, $0x7;
	s9 =	sshrl.u32 @!p0 s9, $0x1;
	[sflag:s2] =	ssyncset.done @!p1 $0x0  }
0x14c: {  	s10 =	sand.u32 @!p0 $0xFFFF000, s10;
	[sflag:s2] =	ssyncadd.s32 @!p1 $0xFFFFE000;
	s2 =	simm.s32 @!p0 $0x3  }
0x14d: {  	s11 =	sand.u32 @!p0 $0xF00, s11;
	s9 =	sand.u32 @!p0 $0x70, s9;
	_ =	swait.ge @!p0 [sflag:s2], $0x2000  }
0x14e: {  	s10 =	sor.u32 @!p0 s10, s11;
	s9 =	sadd.s32 @!p0 s1, s9;
	[sflag:s2] =	ssyncset.done @!p0 $0x0  }
0x14f: {  	[sflag:s2] =	ssyncadd.s32 @!p0 $0xFFFFE000;
	s2 =	sadd.s32 @!p0 s10, s9;
	s9 =	simm.s32 @!p0 $0x100  }
0x150: {  	[tilespmem:s9], [sflag:$0xB] =	stream.linear.gather @!p0 [hbm4b:s2+s7], $0x80, $0x38;
	[tilespmem:$0x13C00] =	vst v63  }
0x151: {  	s7 =	sadd.s32 s4, s22  }
0x152: {  	s2 =	simm.s32 $0x4270;
	s20 =	sshll.u32 s7, $0x1  }
0x153: {  	s22 =	simm.s32 $0x1;
	v6 =	vld [tilespmem:s2+$0xFFFFFFD0];
	s21 =	sand.u32 $0x3FFFFFC0, s20  }
0x154: {  	v4 =	vmov s22;
	v9 =	vld [tilespmem:s21+$0x10A00]  }
0x155: {  	v14 =	vand.u32 $0x7F, v4  }
0x156: {  	v8 =	vadd.s32 v0, v14  }
0x157: {  	s28 =	simm.s32 $0x0;
	s10 =	simm.s32 $0x42F0;
	v10 =	vld [tilespmem:s2+$0xFFFFFF90]  }
0x158: {  	v12 =	vld [tilespmem:s10+$0xFFFFFFD0];
	v4 =	vmov s28  }
0x159: {  	v7 =	vld [tilespmem:s21+$0x10A10];
	v18 =	vand.u32 $0x7E, v4;
	v6 =	vadd.f32 v6, v9  }
0x15a: {  	s11 =	simm.s32 $0x3;
	v5 =	vld [tilespmem:s21+$0x10A20];
	v11 =	vadd.s32 v0, v18  }
0x15b: {  	v4 =	vld [tilespmem:s21+$0x10A30];
	[tilespmem:v8+s23+$0x0] =	vst.idx.msk $0xffff, v6;
	v6 =	vmov s11  }
0x15c: {  	v6 =	vand.u32 $0x7F, v6;
	v13 =	vld [tilespmem:s2+$0xFFFFFFE0]  }
0x15d: {  	v8 =	vadd.f32 v10, v9;
	v10 =	vadd.s32 v0, v6  }
0x15e: {  	s13 =	simm.s32 $0x2;
	v15 =	vadd.s32 v1, v14  }
0x15f: {  	[tilespmem:v11+s23+$0x0] =	vst.idx.msk $0xffff, v8;
	v8 =	vmov s13;
	v11 =	vld [tilespmem:s10+$0xFFFFFF90]  }
0x160: {  	v12 =	vadd.f32 v12, v9;
	v8 =	vand.u32 $0x7E, v8;
	v16 =	vld [tilespmem:s2+$0xFFFFFFA0]  }
0x161: {  	s16 =	simm.s32 $0x5;
	s11 =	simm.s32 $0x4370;
	v17 =	vadd.s32 v0, v8;
	v13 =	vadd.f32 v13, v7  }
0x162: {  	v19 =	vld [tilespmem:s11+$0xFFFFFFD0];
	[tilespmem:v10+s23+$0x0] =	vst.idx.msk $0xffff, v12;
	v12 =	vadd.s32 v1, v18;
	v10 =	vmov s16  }
0x163: {  	[tilespmem:v15+s23+$0x0] =	vst.idx.msk $0xffff, v13;
	v10 =	vand.u32 $0x7F, v10;
	v13 =	vld [tilespmem:s10+$0xFFFFFFE0]  }
0x164: {  	v11 =	vadd.f32 v11, v9;
	v15 =	vadd.s32 v0, v10;
	v20 =	vld [tilespmem:s2+$0xFFFFFFF0]  }
0x165: {  	s20 =	simm.s32 $0x4;
	v21 =	vadd.s32 v1, v6;
	v16 =	vadd.f32 v16, v7  }
0x166: {  	v22 =	vadd.s32 v2, v14;
	[tilespmem:v17+s23+$0x0] =	vst.idx.msk $0xffff, v11;
	v11 =	vmov s20;
	v17 =	vld [tilespmem:s11+$0xFFFFFF90]  }
0x167: {  	v11 =	vand.u32 $0x7E, v11;
	[tilespmem:v12+s23+$0x0] =	vst.idx.msk $0xffff, v16;
	v12 =	vadd.f32 v19, v9;
	v16 =	vld [tilespmem:s10+$0xFFFFFFA0]  }
0x168: {  	s21 =	simm.s32 $0x7;
	s16 =	simm.s32 $0x43F0;
	v19 =	vadd.s32 v0, v11;
	v13 =	vadd.f32 v13, v7;
	v23 =	vld [tilespmem:s2+$0xFFFFFFB0]  }
0x169: {  	v24 =	vld [tilespmem:s16+$0xFFFFFFD0];
	[tilespmem:v15+s23+$0x0] =	vst.idx.msk $0xffff, v12;
	v15 =	vadd.s32 v1, v8;
	v20 =	vadd.f32 v20, v5;
	v12 =	vmov s21  }
0x16a: {  	[tilespmem:v21+s23+$0x0] =	vst.idx.msk $0xffff, v13;
	v21 =	vadd.s32 v2, v18;
	v12 =	vand.u32 $0x7F, v12;
	v25 =	vld [tilespmem:s11+$0xFFFFFFE0]  }
0x16b: {  	v13 =	vadd.f32 v17, v9;
	[tilespmem:v22+s23+$0x0] =	vst.idx.msk $0xffff, v20;
	v17 =	vadd.s32 v0, v12;
	v20 =	vld [tilespmem:s10+$0xFFFFFFF0]  }
0x16c: {  	s22 =	simm.s32 $0x6;
	v26 =	vadd.s32 v1, v10;
	v16 =	vadd.f32 v16, v7;
	v27 =	vld [tilespmem:s2+$0x0]  }
0x16d: {  	v28 =	vadd.s32 v2, v6;
	[tilespmem:v19+s23+$0x0] =	vst.idx.msk $0xffff, v13;
	v13 =	vmov s22;
	v19 =	vadd.f32 v23, v5;
	v23 =	vld [tilespmem:s16+$0xFFFFFF90]  }
0x16e: {  	v30 =	vadd.s32 v3, v14;
	v13 =	vand.u32 $0x7E, v13;
	v29 =	vld [tilespmem:s11+$0xFFFFFFA0];
	[tilespmem:v15+s23+$0x0] =	vst.idx.msk $0xffff, v16;
	v16 =	vadd.f32 v24, v9  }
0x16f: {  	[tilespmem:v21+s23+$0x0] =	vst.idx.msk $0xffff, v19;
	v21 =	vadd.s32 v0, v13;
	v14 =	vadd.f32 v25, v7;
	v15 =	vld [tilespmem:s10+$0xFFFFFFB0]  }
0x170: {  	s28 =	simm.s32 $0x9;
	s20 =	simm.s32 $0x4470;
	v19 =	vadd.s32 v1, v11;
	[tilespmem:v17+s23+$0x0] =	vst.idx.msk $0xffff, v16;
	v20 =	vadd.f32 v20, v5;
	v16 =	vld [tilespmem:s2+$0xFFFFFFC0]  }
0x171: {  	v22 =	vld [tilespmem:s20+$0xFFFFFFD0];
	v24 =	vmov s28;
	v17 =	vadd.s32 v2, v8;
	[tilespmem:v26+s23+$0x0] =	vst.idx.msk $0xffff, v14;
	v27 =	vadd.f32 v27, v4  }
0x172: {  	s13 =	simm.s32 $0x8;
	v18 =	vadd.s32 v3, v18;
	v14 =	vand.u32 $0x7F, v24;
	v26 =	vadd.f32 v23, v9;
	v23 =	vld [tilespmem:s16+$0xFFFFFFE0];
	[tilespmem:v28+s23+$0x0] =	vst.idx.msk $0xffff, v20  }
0x173: {  	s21 =	simm.s32 $0xA;
	s22 =	sshrl.u32 s7, $0x5;
	s2 =	simm.s32 $0x4470;
	v24 =	vadd.s32 v0, v14;
	v25 =	vadd.f32 v29, v7;
	v20 =	vld [tilespmem:s11+$0xFFFFFFF0];
	[tilespmem:v30+s23+$0x0] =	vst.idx.msk $0xffff, v27  }
.LBB2_15:
0x174: {  	p2 =	slt.u32 s21, $0x7E;
	[tilespmem:v21+s23+$0x0] =	vst.idx.msk $0xffff, v26;
	v26 =	vadd.s32 v1, v12;
	v15 =	vadd.f32 v15, v5;
	v27 =	vld [tilespmem:s10+$0x0];
	v28 =	vmov v11  }
0x175: {  	v21 =	vmov s13;
	v11 =	vmovc v13;
	s13 =	smov.u32 s21;
	v29 =	vld [tilespmem:s20+$0xFFFFFF90];
	[tilespmem:v19+s23+$0x0] =	vst.idx.msk $0xffff, v25;
	v25 =	vadd.s32 v2, v10;
	v16 =	vadd.f32 v16, v4  }
0x176: {  	v31 =	vadd.s32 v3, v6;
	v13 =	vand.u32 $0x7E, v21;
	v19 =	vadd.f32 v22, v9;
	v30 =	vld [tilespmem:s16+$0xFFFFFFA0];
	[tilespmem:v17+s23+$0x0] =	vst.idx.msk $0xffff, v15  }
.Ltmp7:
0x177: {  	v6 =	vmov v10;
	v21 =	vadd.s32 v0, v13;
	v17 =	vadd.f32 v23, v7;
	v15 =	vld [tilespmem:s11+$0xFFFFFFB0];
	[tilespmem:v18+s23+$0x0] =	vst.idx.msk $0xffff, v16;
	(pc) =	sbr.rel @p2 .LBB2_15-.Ltmp7, $4  }
0x178: {  	s9 =	sadd.s32 $0x1, s21;
	s20 =	sadd.s32 $0x80, s20;
	v10 =	vmov v12;
	[tilespmem:v24+s23+$0x0] =	vst.idx.msk $0xffff, v19;
	v19 =	vadd.s32 v1, v11;
	v18 =	vadd.f32 v20, v5;
	v16 =	vld [tilespmem:s10+$0xFFFFFFC0];
	s10 =	smov.u32 s11  }
0x179: {  	v12 =	vmovc v14;
	v20 =	vmov s9;
	s11 =	smov.u32 s16;
	s16 =	smov.u32 s2;
	s2 =	smov.u32 s20;
	v22 =	vld [tilespmem:s20+$0xFFFFFFD0];
	[tilespmem:v26+s23+$0x0] =	vst.idx.msk $0xffff, v17;
	v17 =	vadd.s32 v2, v28;
	v27 =	vadd.f32 v27, v4  }
0x17a: {  	v14 =	vand.u32 $0x7F, v20;
	v26 =	vadd.f32 v29, v9;
	v23 =	vld [tilespmem:s16+$0xFFFFFFE0];
	[tilespmem:v25+s23+$0x0] =	vst.idx.msk $0xffff, v18;
	v18 =	vadd.s32 v3, v8  }
0x17b: {  	s21 =	sadd.s32 $0x2, s21;
	v24 =	vadd.s32 v0, v14;
	v8 =	vmov v28;
	v25 =	vadd.f32 v30, v7;
	v20 =	vld [tilespmem:s11+$0xFFFFFFF0];
	[tilespmem:v31+s23+$0x0] =	vst.idx.msk $0xffff, v27  }
0x17c: {  	v27 =	vmov s13;
	v28 =	vld [tilespmem:s20+$0xFFFFFF90]  }
0x17d: {  	v27 =	vand.u32 $0x7E, v27  }
0x17e: {  	v29 =	vadd.s32 v0, v27;
	_ =	sdelay $0x1  }
0x17f: {  	v22 =	vadd.f32 v22, v9  }
0x180: {  	[tilespmem:v21+s23+$0x0] =	vst.idx.msk $0xffff, v26;
	v57 =	vadd.f32 v28, v9  }
0x181: {  	v21 =	vld [tilespmem:s16+$0xFFFFFFA0];
	[tilespmem:v24+s23+$0x0] =	vst.idx.msk $0xffff, v22  }
0x182: {  	v58 =	vadd.s32 v1, v12;
	v24 =	vld [tilespmem:s2+$0xFFFFFFE0];
	[tilespmem:v29+s23+$0x0] =	vst.idx.msk $0xffff, v57  }
0x183: {  	v59 =	vadd.s32 v1, v13;
	v60 =	vld [tilespmem:s2+$0xFFFFFFA0]  }
0x184: {  	v61 =	vadd.s32 v1, v14  }
0x185: {  	v62 =	vadd.s32 v1, v27;
	v23 =	vadd.f32 v23, v7  }
0x186: {  	[tilespmem:v19+s23+$0x0] =	vst.idx.msk $0xffff, v25;
	v63 =	vadd.f32 v21, v7  }
0x187: {  	v30 =	vld [tilespmem:s11+$0xFFFFFFB0];
	[tilespmem:v58+s23+$0x0] =	vst.idx.msk $0xffff, v23;
	v31 =	vadd.f32 v24, v7  }
0x188: {  	v32 =	vadd.s32 v2, v10;
	v33 =	vld [tilespmem:s16+$0xFFFFFFF0];
	[tilespmem:v59+s23+$0x0] =	vst.idx.msk $0xffff, v63;
	v34 =	vadd.f32 v60, v7  }
0x189: {  	v35 =	vadd.f32 v15, v5;
	v36 =	vadd.s32 v2, v11;
	v19 =	vld [tilespmem:s16+$0xFFFFFFB0];
	[tilespmem:v61+s23+$0x0] =	vst.idx.msk $0xffff, v31  }
0x18a: {  	v37 =	vadd.s32 v2, v12;
	v16 =	vadd.f32 v16, v4;
	v38 =	vld [tilespmem:s2+$0xFFFFFFF0];
	[tilespmem:v62+s23+$0x0] =	vst.idx.msk $0xffff, v34  }
0x18b: {  	v40 =	vadd.s32 v2, v13;
	[tilespmem:v17+s23+$0x0] =	vst.idx.msk $0xffff, v35;
	v39 =	vadd.f32 v20, v5;
	v41 =	vld [tilespmem:s2+$0xFFFFFFB0]  }
0x18c: {  	v42 =	vld [tilespmem:s10+$0x0];
	v44 =	vadd.s32 v2, v14;
	[tilespmem:v18+s23+$0x0] =	vst.idx.msk $0xffff, v16;
	v43 =	vadd.f32 v30, v5  }
0x18d: {  	v47 =	vadd.s32 v2, v27;
	v45 =	vld [tilespmem:s10+$0xFFFFFFC0];
	[tilespmem:v32+s23+$0x0] =	vst.idx.msk $0xffff, v39;
	v46 =	vadd.f32 v33, v5  }
0x18e: {  	v6 =	vadd.s32 v3, v6;
	v48 =	vld [tilespmem:s11+$0x0];
	[tilespmem:v36+s23+$0x0] =	vst.idx.msk $0xffff, v43;
	v49 =	vadd.f32 v19, v5  }
0x18f: {  	v8 =	vadd.s32 v3, v8;
	v16 =	vld [tilespmem:s11+$0xFFFFFFC0];
	[tilespmem:v37+s23+$0x0] =	vst.idx.msk $0xffff, v46;
	v50 =	vadd.f32 v38, v5  }
0x190: {  	v51 =	vadd.s32 v3, v10;
	v52 =	vld [tilespmem:s16+$0x0];
	[tilespmem:v40+s23+$0x0] =	vst.idx.msk $0xffff, v49;
	v5 =	vadd.f32 v41, v5  }
0x191: {  	v54 =	vadd.s32 v3, v11;
	v53 =	vadd.f32 v42, v4;
	v15 =	vld [tilespmem:s16+$0xFFFFFFC0];
	[tilespmem:v44+s23+$0x0] =	vst.idx.msk $0xffff, v50  }
0x192: {  	v56 =	vadd.s32 v3, v12;
	v55 =	vadd.f32 v45, v4;
	v57 =	vld [tilespmem:s2+$0x0];
	[tilespmem:v47+s23+$0x0] =	vst.idx.msk $0xffff, v5  }
0x193: {  	v58 =	vadd.s32 v3, v13;
	[tilespmem:v6+s23+$0x0] =	vst.idx.msk $0xffff, v53;
	v5 =	vadd.f32 v48, v4;
	v59 =	vld [tilespmem:s2+$0xFFFFFFC0]  }
0x194: {  	[tilespmem:v8+s23+$0x0] =	vst.idx.msk $0xffff, v55;
	v61 =	vadd.s32 v3, v14;
	v60 =	vadd.f32 v16, v4  }
0x195: {  	v62 =	vadd.s32 v3, v27;
	[tilespmem:v51+s23+$0x0] =	vst.idx.msk $0xffff, v5;
	v5 =	vadd.f32 v52, v4  }
0x196: {  	[tilespmem:v54+s23+$0x0] =	vst.idx.msk $0xffff, v60;
	v63 =	vadd.f32 v15, v4  }
0x197: {  	s13 =	sshll.u32 s7, $0x7;
	[tilespmem:v56+s23+$0x0] =	vst.idx.msk $0xffff, v5;
	v5 =	vadd.f32 v57, v4  }
0x198: {  	[tilespmem:v58+s23+$0x0] =	vst.idx.msk $0xffff, v63;
	s2 =	sand.u32 $0xF00, s13;
	v4 =	vadd.f32 v59, v4  }
0x199: {  	s16 =	sshll.u32 s22, $0xF;
	s2 =	sadd.s32 s3, s2;
	[tilespmem:v61+s23+$0x0] =	vst.idx.msk $0xffff, v5  }
0x19a: {  	s20 =	simm.s32 $0xC600;
	s7 =	sadd.s32 s16, s2;
	[tilespmem:v62+s23+$0x0] =	vst.idx.msk $0xffff, v4  }
0x19b: {  	[hbm4b:s7+s5] =	stream.linear.scatter [tilespmem:s20], [sflag:$0x7], $0x80, $0x38;
	[tilespmem:$0x13C00] =	vst v63  }
0x19c: {  	s21 =	simm.s32 $0xC688;
	s9 =	sadd.s32 $0x10, s7  }
0x19d: {  	[hbm4b:s9+s5] =	stream.linear.scatter [tilespmem:s21], [sflag:$0x7], $0x80, $0x38;
	[tilespmem:$0x13C00] =	vst v63  }
0x19e: {  	s10 =	simm.s32 $0xC798;
	s22 =	simm.s32 $0xC710;
	s28 =	sadd.s32 $0x20, s7  }
0x19f: {  	[hbm4b:s28+s5] =	stream.linear.scatter [tilespmem:s22], [sflag:$0x7], $0x80, $0x38;
	[tilespmem:$0x13C00] =	vst v63  }
0x1a0: {  	s13 =	simm.s32 $0xC820;
	s2 =	simm.s32 $0x440;
	s11 =	sadd.s32 $0x30, s7  }
0x1a1: {  	[hbm4b:s11+s5] =	stream.linear.scatter [tilespmem:s10], [sflag:$0x7], $0x80, $0x38;
	[tilespmem:$0x13C00] =	vst v63  }
0x1a2: {  	s16 =	sadd.s32 $0x40, s7;
	s20 =	simm.s32 $0xC8A8;
	s21 =	sadd.s32 $0x50, s7  }
0x1a3: {  	[hbm4b:s16+s5] =	stream.linear.scatter [tilespmem:s13], [sflag:$0x7], $0x80, $0x38;
	[tilespmem:$0x13C00] =	vst v63  }
0x1a4: {  	s22 =	simm.s32 $0xC930;
	s28 =	sadd.s32 $0x60, s7;
	s10 =	simm.s32 $0x2200  }
0x1a5: {  	[hbm4b:s21+s5] =	stream.linear.scatter [tilespmem:s20], [sflag:$0x7], $0x80, $0x38;
	[tilespmem:$0x13C00] =	vst v63  }
0x1a6: {  	s11 =	simm.s32 $0xC9B8;
	s13 =	sadd.s32 $0x70, s7;
	s7 =	sadd.s32 $0x1000, s7  }
0x1a7: {  	[hbm4b:s28+s5] =	stream.linear.scatter [tilespmem:s22], [sflag:$0x7], $0x80, $0x38;
	[tilespmem:$0x13C00] =	vst v63  }
.LBB2_17:
0x1a8: {  	[hbm4b:s13+s5] =	stream.linear.scatter [tilespmem:s11], [sflag:$0x7], $0x80, $0x38;
	[tilespmem:$0x13C00] =	vst v63  }
0x1a9: {  	s9 =	smov.u32 s2;
	s2 =	smov.u32 s10  }
0x1aa: {  	s16 =	sadd.s32 $0x1100, s10;
	s2 =	sshra.s32 s2, $0x2;
	s11 =	sadd.s32 $0xC600, s9  }
0x1ab: {  	[hbm4b:s7+s5] =	stream.linear.scatter [tilespmem:s11], [sflag:$0x7], $0x80, $0x38;
	[tilespmem:$0x13C00] =	vst v63  }
0x1ac: {  	p2 =	sne.s32 s10, $0x7700;
	s10 =	sadd.s32 $0xC688, s9;
	s11 =	sadd.s32 $0x10, s7  }
0x1ad: {  	[hbm4b:s11+s5] =	stream.linear.scatter [tilespmem:s10], [sflag:$0x7], $0x80, $0x38;
	[tilespmem:$0x13C00] =	vst v63  }
0x1ae: {  	s10 =	sadd.s32 $0xC710, s9;
	s11 =	sadd.s32 $0x20, s7  }
0x1af: {  	[hbm4b:s11+s5] =	stream.linear.scatter [tilespmem:s10], [sflag:$0x7], $0x80, $0x38;
	[tilespmem:$0x13C00] =	vst v63  }
0x1b0: {  	s10 =	sadd.s32 $0xC798, s9;
	s11 =	sadd.s32 $0x30, s7  }
0x1b1: {  	[hbm4b:s11+s5] =	stream.linear.scatter [tilespmem:s10], [sflag:$0x7], $0x80, $0x38;
	[tilespmem:$0x13C00] =	vst v63  }
0x1b2: {  	s10 =	sadd.s32 $0xC820, s9;
	s11 =	sadd.s32 $0x40, s7  }
0x1b3: {  	[hbm4b:s11+s5] =	stream.linear.scatter [tilespmem:s10], [sflag:$0x7], $0x80, $0x38;
	[tilespmem:$0x13C00] =	vst v63  }
.Ltmp8:
0x1b4: {  	s10 =	sadd.s32 $0xC8A8, s9;
	s11 =	sadd.s32 $0x50, s7;
	(pc) =	sbr.rel @p2 .LBB2_17-.Ltmp8, $4  }
0x1b5: {  	[hbm4b:s11+s5] =	stream.linear.scatter [tilespmem:s10], [sflag:$0x7], $0x80, $0x38;
	[tilespmem:$0x13C00] =	vst v63  }
0x1b6: {  	s13 =	sadd.s32 $0x70, s7;
	s10 =	sadd.s32 $0xC930, s9;
	s11 =	sadd.s32 $0x60, s7  }
0x1b7: {  	[hbm4b:s11+s5] =	stream.linear.scatter [tilespmem:s10], [sflag:$0x7], $0x80, $0x38;
	[tilespmem:$0x13C00] =	vst v63  }
0x1b8: {  	s7 =	sadd.s32 $0x1000, s7;
	s11 =	sadd.s32 $0xC9B8, s9;
	s10 =	smov.u32 s16  }
0x1b9: {  	[hbm4b:s13+s5] =	stream.linear.scatter [tilespmem:s11], [sflag:$0x7], $0x80, $0x38;
	[tilespmem:$0x13C00] =	vst v63  }
0x1ba: {  	s9 =	sadd.s32 $0xC600, s2  }
0x1bb: {  	[hbm4b:s7+s5] =	stream.linear.scatter [tilespmem:s9], [sflag:$0x7], $0x80, $0x38;
	[tilespmem:$0x13C00] =	vst v63  }
0x1bc: {  	s11 =	sadd.s32 $0xC688, s2;
	s10 =	sadd.s32 $0x10, s7  }
0x1bd: {  	[hbm4b:s10+s5] =	stream.linear.scatter [tilespmem:s11], [sflag:$0x7], $0x80, $0x38;
	[tilespmem:$0x13C00] =	vst v63  }
0x1be: {  	s13 =	sadd.s32 $0xC710, s2;
	s16 =	sadd.s32 $0x20, s7  }
0x1bf: {  	[hbm4b:s16+s5] =	stream.linear.scatter [tilespmem:s13], [sflag:$0x7], $0x80, $0x38;
	[tilespmem:$0x13C00] =	vst v63  }
0x1c0: {  	s20 =	sadd.s32 $0xC798, s2;
	s21 =	sadd.s32 $0x30, s7  }
0x1c1: {  	[hbm4b:s21+s5] =	stream.linear.scatter [tilespmem:s20], [sflag:$0x7], $0x80, $0x38;
	[tilespmem:$0x13C00] =	vst v63  }
0x1c2: {  	s22 =	sadd.s32 $0xC820, s2;
	s28 =	sadd.s32 $0x40, s7  }
0x1c3: {  	[hbm4b:s28+s5] =	stream.linear.scatter [tilespmem:s22], [sflag:$0x7], $0x80, $0x38;
	[tilespmem:$0x13C00] =	vst v63  }
0x1c4: {  	s11 =	sadd.s32 $0xC8A8, s2;
	s13 =	sadd.s32 $0x50, s7  }
0x1c5: {  	[hbm4b:s13+s5] =	stream.linear.scatter [tilespmem:s11], [sflag:$0x7], $0x80, $0x38;
	[tilespmem:$0x13C00] =	vst v63  }
0x1c6: {  	s16 =	sadd.s32 $0xC930, s2;
	s20 =	sadd.s32 $0x60, s7  }
0x1c7: {  	[hbm4b:s20+s5] =	stream.linear.scatter [tilespmem:s16], [sflag:$0x7], $0x80, $0x38;
	[tilespmem:$0x13C00] =	vst v63  }
0x1c8: {  	s21 =	sadd.s32 $0xC9B8, s2;
	s2 =	simm.s32 @p0 $0x8;
	s22 =	sadd.s32 $0x70, s7  }
0x1c9: {  	[hbm4b:s22+s5] =	stream.linear.scatter [tilespmem:s21], [sflag:$0x7], $0x80, $0x38;
	[tilespmem:$0x13C00] =	vst v63  }
0x1ca: {  	_ =	swait.ge @p0 [sflag:s2], $0x2000  }
0x1cb: {  	[sflag:s2] =	ssyncset.done @p0 $0x0  }
0x1cc: {  	[sflag:s2] =	ssyncadd.s32 @p0 $0xFFFFE000;
	s2 =	simm.s32 @p0 $0x4  }
0x1cd: {  	_ =	swait.ge @p0 [sflag:s2], $0x2000  }
0x1ce: {  	[sflag:s2] =	ssyncset.done @p0 $0x0  }
0x1cf: {  	[sflag:s2] =	ssyncadd.s32 @p0 $0xFFFFE000;
	s2 =	simm.s32 @!p0 $0xA  }
0x1d0: {  	_ =	swait.ge @!p0 [sflag:s2], $0x80  }
0x1d1: {  	[sflag:s2] =	ssyncset.done @!p0 $0x0  }
0x1d2: {  	s7 =	simm.s32 @!p0 $0x2200;
	[sflag:s2] =	ssyncadd.s32 @!p0 $0xFFFFFF80;
	s2 =	simm.s32 @!p0 $0x80  }
0x1d3: {  	[tilespmem:s7], [sflag:$0x2] =	stream.indirect.gather @!p0 [hbm4b:s6+s2], $0x40, s2, s2, $0xb8;
	[tilespmem:$0x13C00] =	vst v63  }
0x1d4: {  	s2 =	simm.s32 @!p1 $0x8  }
0x1d5: {  	s7 =	sadd.s32 @!p0 s18, s15;
	_ =	swait.ge @!p1 [sflag:s2], $0x2000  }
0x1d6: {  	s9 =	sshll.u32 @!p0 s7, $0x4;
	[sflag:s2] =	ssyncset.done @!p1 $0x0  }
0x1d7: {  	s10 =	sshll.u32 @!p0 s7, $0x7;
	[sflag:s2] =	ssyncadd.s32 @!p1 $0xFFFFE000;
	s2 =	simm.s32 @!p0 $0x4  }
0x1d8: {  	s7 =	sshrl.u32 @!p0 s7, $0x1;
	s9 =	sand.u32 @!p0 $0xFFFF000, s9;
	_ =	swait.ge @!p0 [sflag:s2], $0x2000  }
0x1d9: {  	s10 =	sand.u32 @!p0 $0xF80, s10;
	s7 =	sand.u32 @!p0 $0x70, s7;
	[sflag:s2] =	ssyncset.done @!p0 $0x0  }
0x1da: {  	s7 =	sadd.s32 @!p0 s1, s7;
	[sflag:s2] =	ssyncadd.s32 @!p0 $0xFFFFE000;
	s2 =	sor.u32 @!p0 s9, s10  }
0x1db: {  	s9 =	simm.s32 @!p0 $0x180;
	s2 =	sadd.s32 @!p0 s2, s7;
	s7 =	simm.s32 @!p0 $0x0  }
0x1dc: {  	[tilespmem:s9], [sflag:$0xC] =	stream.linear.gather @!p0 [hbm4b:s2+s7], $0x80, $0x38;
	[tilespmem:$0x13C00] =	vst v63  }
0x1dd: {  	s7 =	sadd.s32 s4, s24  }
0x1de: {  	s2 =	simm.s32 $0x6270;
	s24 =	sshll.u32 s7, $0x1  }
0x1df: {  	s11 =	simm.s32 $0x1;
	v6 =	vld [tilespmem:s2+$0xFFFFFFD0];
	s28 =	sand.u32 $0x3FFFFFC0, s24  }
0x1e0: {  	v4 =	vmov s11;
	v9 =	vld [tilespmem:s28+$0x10A00]  }
0x1e1: {  	v14 =	vand.u32 $0x7F, v4  }
0x1e2: {  	v8 =	vadd.s32 v0, v14  }
0x1e3: {  	s13 =	simm.s32 $0x0;
	s10 =	simm.s32 $0x62F0;
	v10 =	vld [tilespmem:s2+$0xFFFFFF90]  }
0x1e4: {  	v4 =	vmov s13;
	v12 =	vld [tilespmem:s10+$0xFFFFFFD0]  }
0x1e5: {  	v18 =	vand.u32 $0x7E, v4;
	v7 =	vld [tilespmem:s28+$0x10A10];
	v6 =	vadd.f32 v6, v9  }
0x1e6: {  	s16 =	simm.s32 $0x3;
	v11 =	vadd.s32 v0, v18;
	v5 =	vld [tilespmem:s28+$0x10A20]  }
0x1e7: {  	v4 =	vld [tilespmem:s28+$0x10A30];
	[tilespmem:v8+s25+$0x0] =	vst.idx.msk $0xffff, v6;
	v6 =	vmov s16  }
0x1e8: {  	v6 =	vand.u32 $0x7F, v6;
	v13 =	vld [tilespmem:s2+$0xFFFFFFE0]  }
0x1e9: {  	v8 =	vadd.f32 v10, v9;
	v10 =	vadd.s32 v0, v6  }
0x1ea: {  	v15 =	vadd.s32 v1, v14;
	s18 =	simm.s32 $0x2  }
0x1eb: {  	[tilespmem:v11+s25+$0x0] =	vst.idx.msk $0xffff, v8;
	v8 =	vmov s18;
	v11 =	vld [tilespmem:s10+$0xFFFFFF90]  }
0x1ec: {  	v12 =	vadd.f32 v12, v9;
	v8 =	vand.u32 $0x7E, v8;
	v16 =	vld [tilespmem:s2+$0xFFFFFFA0]  }
0x1ed: {  	s11 =	simm.s32 $0x6370;
	s20 =	simm.s32 $0x5;
	v17 =	vadd.s32 v0, v8;
	v13 =	vadd.f32 v13, v7  }
0x1ee: {  	v19 =	vld [tilespmem:s11+$0xFFFFFFD0];
	[tilespmem:v10+s25+$0x0] =	vst.idx.msk $0xffff, v12;
	v12 =	vadd.s32 v1, v18;
	v10 =	vmov s20  }
0x1ef: {  	[tilespmem:v15+s25+$0x0] =	vst.idx.msk $0xffff, v13;
	v10 =	vand.u32 $0x7F, v10;
	v13 =	vld [tilespmem:s10+$0xFFFFFFE0]  }
0x1f0: {  	v11 =	vadd.f32 v11, v9;
	v15 =	vadd.s32 v0, v10;
	v20 =	vld [tilespmem:s2+$0xFFFFFFF0]  }
0x1f1: {  	s21 =	simm.s32 $0x4;
	v21 =	vadd.s32 v1, v6;
	v16 =	vadd.f32 v16, v7  }
0x1f2: {  	v22 =	vadd.s32 v2, v14;
	[tilespmem:v17+s25+$0x0] =	vst.idx.msk $0xffff, v11;
	v11 =	vmov s21;
	v17 =	vld [tilespmem:s11+$0xFFFFFF90]  }
0x1f3: {  	v11 =	vand.u32 $0x7E, v11;
	[tilespmem:v12+s25+$0x0] =	vst.idx.msk $0xffff, v16;
	v12 =	vadd.f32 v19, v9;
	v16 =	vld [tilespmem:s10+$0xFFFFFFA0]  }
0x1f4: {  	s22 =	simm.s32 $0x7;
	s16 =	simm.s32 $0x63F0;
	v19 =	vadd.s32 v0, v11;
	v13 =	vadd.f32 v13, v7;
	v23 =	vld [tilespmem:s2+$0xFFFFFFB0]  }
0x1f5: {  	v24 =	vld [tilespmem:s16+$0xFFFFFFD0];
	[tilespmem:v15+s25+$0x0] =	vst.idx.msk $0xffff, v12;
	v15 =	vadd.s32 v1, v8;
	v20 =	vadd.f32 v20, v5;
	v12 =	vmov s22  }
0x1f6: {  	[tilespmem:v21+s25+$0x0] =	vst.idx.msk $0xffff, v13;
	v21 =	vadd.s32 v2, v18;
	v12 =	vand.u32 $0x7F, v12;
	v25 =	vld [tilespmem:s11+$0xFFFFFFE0]  }
0x1f7: {  	v13 =	vadd.f32 v17, v9;
	[tilespmem:v22+s25+$0x0] =	vst.idx.msk $0xffff, v20;
	v17 =	vadd.s32 v0, v12;
	v20 =	vld [tilespmem:s10+$0xFFFFFFF0]  }
0x1f8: {  	s24 =	simm.s32 $0x6;
	v26 =	vadd.s32 v1, v10;
	v16 =	vadd.f32 v16, v7;
	v27 =	vld [tilespmem:s2+$0x0]  }
0x1f9: {  	v28 =	vadd.s32 v2, v6;
	[tilespmem:v19+s25+$0x0] =	vst.idx.msk $0xffff, v13;
	v13 =	vmov s24;
	v19 =	vadd.f32 v23, v5;
	v23 =	vld [tilespmem:s16+$0xFFFFFF90]  }
0x1fa: {  	v30 =	vadd.s32 v3, v14;
	v13 =	vand.u32 $0x7E, v13;
	v29 =	vld [tilespmem:s11+$0xFFFFFFA0];
	[tilespmem:v15+s25+$0x0] =	vst.idx.msk $0xffff, v16;
	v16 =	vadd.f32 v24, v9  }
0x1fb: {  	[tilespmem:v21+s25+$0x0] =	vst.idx.msk $0xffff, v19;
	v21 =	vadd.s32 v0, v13;
	v14 =	vadd.f32 v25, v7;
	v15 =	vld [tilespmem:s10+$0xFFFFFFB0]  }
0x1fc: {  	s28 =	simm.s32 $0x9;
	s20 =	simm.s32 $0x6470;
	v19 =	vadd.s32 v1, v11;
	[tilespmem:v17+s25+$0x0] =	vst.idx.msk $0xffff, v16;
	v20 =	vadd.f32 v20, v5;
	v16 =	vld [tilespmem:s2+$0xFFFFFFC0]  }
0x1fd: {  	v22 =	vld [tilespmem:s20+$0xFFFFFFD0];
	v24 =	vmov s28;
	v17 =	vadd.s32 v2, v8;
	[tilespmem:v26+s25+$0x0] =	vst.idx.msk $0xffff, v14;
	v27 =	vadd.f32 v27, v4  }
0x1fe: {  	s13 =	simm.s32 $0x8;
	v18 =	vadd.s32 v3, v18;
	v14 =	vand.u32 $0x7F, v24;
	v26 =	vadd.f32 v23, v9;
	v23 =	vld [tilespmem:s16+$0xFFFFFFE0];
	[tilespmem:v28+s25+$0x0] =	vst.idx.msk $0xffff, v20  }
0x1ff: {  	s18 =	sshrl.u32 s7, $0x5;
	s21 =	simm.s32 $0xA;
	s2 =	simm.s32 $0x6470;
	v24 =	vadd.s32 v0, v14;
	v25 =	vadd.f32 v29, v7;
	v20 =	vld [tilespmem:s11+$0xFFFFFFF0];
	[tilespmem:v30+s25+$0x0] =	vst.idx.msk $0xffff, v27  }
.LBB2_19:
0x200: {  	p0 =	slt.u32 s21, $0x7E;
	[tilespmem:v21+s25+$0x0] =	vst.idx.msk $0xffff, v26;
	v26 =	vadd.s32 v1, v12;
	v15 =	vadd.f32 v15, v5;
	v27 =	vld [tilespmem:s10+$0x0];
	v28 =	vmov v11  }
0x201: {  	v21 =	vmov s13;
	v11 =	vmovc v13;
	s13 =	smov.u32 s21;
	v29 =	vld [tilespmem:s20+$0xFFFFFF90];
	[tilespmem:v19+s25+$0x0] =	vst.idx.msk $0xffff, v25;
	v25 =	vadd.s32 v2, v10;
	v16 =	vadd.f32 v16, v4  }
0x202: {  	v31 =	vadd.s32 v3, v6;
	v13 =	vand.u32 $0x7E, v21;
	v19 =	vadd.f32 v22, v9;
	v30 =	vld [tilespmem:s16+$0xFFFFFFA0];
	[tilespmem:v17+s25+$0x0] =	vst.idx.msk $0xffff, v15  }
.Ltmp9:
0x203: {  	v6 =	vmov v10;
	v21 =	vadd.s32 v0, v13;
	v17 =	vadd.f32 v23, v7;
	v15 =	vld [tilespmem:s11+$0xFFFFFFB0];
	[tilespmem:v18+s25+$0x0] =	vst.idx.msk $0xffff, v16;
	(pc) =	sbr.rel @p0 .LBB2_19-.Ltmp9, $4  }
0x204: {  	s9 =	sadd.s32 $0x1, s21;
	s20 =	sadd.s32 $0x80, s20;
	v10 =	vmov v12;
	[tilespmem:v24+s25+$0x0] =	vst.idx.msk $0xffff, v19;
	v19 =	vadd.s32 v1, v11;
	v18 =	vadd.f32 v20, v5;
	v16 =	vld [tilespmem:s10+$0xFFFFFFC0];
	s10 =	smov.u32 s11  }
0x205: {  	v12 =	vmovc v14;
	v20 =	vmov s9;
	s11 =	smov.u32 s16;
	s16 =	smov.u32 s2;
	s2 =	smov.u32 s20;
	v22 =	vld [tilespmem:s20+$0xFFFFFFD0];
	[tilespmem:v26+s25+$0x0] =	vst.idx.msk $0xffff, v17;
	v17 =	vadd.s32 v2, v28;
	v27 =	vadd.f32 v27, v4  }
0x206: {  	v14 =	vand.u32 $0x7F, v20;
	v26 =	vadd.f32 v29, v9;
	v23 =	vld [tilespmem:s16+$0xFFFFFFE0];
	[tilespmem:v25+s25+$0x0] =	vst.idx.msk $0xffff, v18;
	v18 =	vadd.s32 v3, v8  }
0x207: {  	s21 =	sadd.s32 $0x2, s21;
	v24 =	vadd.s32 v0, v14;
	v8 =	vmov v28;
	v25 =	vadd.f32 v30, v7;
	v20 =	vld [tilespmem:s11+$0xFFFFFFF0];
	[tilespmem:v31+s25+$0x0] =	vst.idx.msk $0xffff, v27  }
0x208: {  	v27 =	vmov s13;
	v28 =	vld [tilespmem:s20+$0xFFFFFF90]  }
0x209: {  	v27 =	vand.u32 $0x7E, v27  }
0x20a: {  	v29 =	vadd.s32 v0, v27;
	_ =	sdelay $0x1  }
0x20b: {  	v22 =	vadd.f32 v22, v9  }
0x20c: {  	[tilespmem:v21+s25+$0x0] =	vst.idx.msk $0xffff, v26;
	v57 =	vadd.f32 v28, v9  }
0x20d: {  	v21 =	vld [tilespmem:s16+$0xFFFFFFA0];
	[tilespmem:v24+s25+$0x0] =	vst.idx.msk $0xffff, v22  }
0x20e: {  	v58 =	vadd.s32 v1, v12;
	v24 =	vld [tilespmem:s2+$0xFFFFFFE0];
	[tilespmem:v29+s25+$0x0] =	vst.idx.msk $0xffff, v57  }
0x20f: {  	v59 =	vadd.s32 v1, v13;
	v60 =	vld [tilespmem:s2+$0xFFFFFFA0]  }
0x210: {  	v61 =	vadd.s32 v1, v14  }
0x211: {  	v62 =	vadd.s32 v1, v27;
	v23 =	vadd.f32 v23, v7  }
0x212: {  	[tilespmem:v19+s25+$0x0] =	vst.idx.msk $0xffff, v25;
	v63 =	vadd.f32 v21, v7  }
0x213: {  	v30 =	vld [tilespmem:s11+$0xFFFFFFB0];
	[tilespmem:v58+s25+$0x0] =	vst.idx.msk $0xffff, v23;
	v31 =	vadd.f32 v24, v7  }
0x214: {  	v32 =	vadd.s32 v2, v10;
	v33 =	vld [tilespmem:s16+$0xFFFFFFF0];
	[tilespmem:v59+s25+$0x0] =	vst.idx.msk $0xffff, v63;
	v34 =	vadd.f32 v60, v7  }
0x215: {  	v35 =	vadd.f32 v15, v5;
	v36 =	vadd.s32 v2, v11;
	v19 =	vld [tilespmem:s16+$0xFFFFFFB0];
	[tilespmem:v61+s25+$0x0] =	vst.idx.msk $0xffff, v31  }
0x216: {  	v37 =	vadd.s32 v2, v12;
	v16 =	vadd.f32 v16, v4;
	v38 =	vld [tilespmem:s2+$0xFFFFFFF0];
	[tilespmem:v62+s25+$0x0] =	vst.idx.msk $0xffff, v34  }
0x217: {  	v40 =	vadd.s32 v2, v13;
	[tilespmem:v17+s25+$0x0] =	vst.idx.msk $0xffff, v35;
	v39 =	vadd.f32 v20, v5;
	v41 =	vld [tilespmem:s2+$0xFFFFFFB0]  }
0x218: {  	v42 =	vld [tilespmem:s10+$0x0];
	v44 =	vadd.s32 v2, v14;
	[tilespmem:v18+s25+$0x0] =	vst.idx.msk $0xffff, v16;
	v43 =	vadd.f32 v30, v5  }
0x219: {  	v47 =	vadd.s32 v2, v27;
	v45 =	vld [tilespmem:s10+$0xFFFFFFC0];
	[tilespmem:v32+s25+$0x0] =	vst.idx.msk $0xffff, v39;
	v46 =	vadd.f32 v33, v5  }
0x21a: {  	v6 =	vadd.s32 v3, v6;
	v48 =	vld [tilespmem:s11+$0x0];
	[tilespmem:v36+s25+$0x0] =	vst.idx.msk $0xffff, v43;
	v49 =	vadd.f32 v19, v5  }
0x21b: {  	v8 =	vadd.s32 v3, v8;
	v16 =	vld [tilespmem:s11+$0xFFFFFFC0];
	[tilespmem:v37+s25+$0x0] =	vst.idx.msk $0xffff, v46;
	v50 =	vadd.f32 v38, v5  }
0x21c: {  	v51 =	vadd.s32 v3, v10;
	v52 =	vld [tilespmem:s16+$0x0];
	[tilespmem:v40+s25+$0x0] =	vst.idx.msk $0xffff, v49;
	v5 =	vadd.f32 v41, v5  }
0x21d: {  	v54 =	vadd.s32 v3, v11;
	v53 =	vadd.f32 v42, v4;
	v15 =	vld [tilespmem:s16+$0xFFFFFFC0];
	[tilespmem:v44+s25+$0x0] =	vst.idx.msk $0xffff, v50  }
0x21e: {  	v56 =	vadd.s32 v3, v12;
	v55 =	vadd.f32 v45, v4;
	v57 =	vld [tilespmem:s2+$0x0];
	[tilespmem:v47+s25+$0x0] =	vst.idx.msk $0xffff, v5  }
0x21f: {  	v58 =	vadd.s32 v3, v13;
	[tilespmem:v6+s25+$0x0] =	vst.idx.msk $0xffff, v53;
	v5 =	vadd.f32 v48, v4;
	v59 =	vld [tilespmem:s2+$0xFFFFFFC0]  }
0x220: {  	[tilespmem:v8+s25+$0x0] =	vst.idx.msk $0xffff, v55;
	v61 =	vadd.s32 v3, v14;
	v60 =	vadd.f32 v16, v4  }
0x221: {  	v62 =	vadd.s32 v3, v27;
	[tilespmem:v51+s25+$0x0] =	vst.idx.msk $0xffff, v5;
	v5 =	vadd.f32 v52, v4  }
0x222: {  	[tilespmem:v54+s25+$0x0] =	vst.idx.msk $0xffff, v60;
	v63 =	vadd.f32 v15, v4  }
0x223: {  	s21 =	sshll.u32 s7, $0x7;
	[tilespmem:v56+s25+$0x0] =	vst.idx.msk $0xffff, v5;
	v5 =	vadd.f32 v57, v4  }
0x224: {  	[tilespmem:v58+s25+$0x0] =	vst.idx.msk $0xffff, v63;
	s2 =	sand.u32 $0xF80, s21;
	v4 =	vadd.f32 v59, v4  }
0x225: {  	s22 =	sshll.u32 s18, $0xF;
	s2 =	sadd.s32 s3, s2;
	[tilespmem:v61+s25+$0x0] =	vst.idx.msk $0xffff, v5  }
0x226: {  	s24 =	simm.s32 $0xE800;
	s7 =	sadd.s32 s22, s2;
	[tilespmem:v62+s25+$0x0] =	vst.idx.msk $0xffff, v4  }
0x227: {  	[hbm4b:s7+s5] =	stream.linear.scatter [tilespmem:s24], [sflag:$0x8], $0x80, $0x38;
	[tilespmem:$0x13C00] =	vst v63  }
0x228: {  	s28 =	simm.s32 $0xE888;
	s9 =	sadd.s32 $0x10, s7  }
0x229: {  	[hbm4b:s9+s5] =	stream.linear.scatter [tilespmem:s28], [sflag:$0x8], $0x80, $0x38;
	[tilespmem:$0x13C00] =	vst v63  }
0x22a: {  	s13 =	simm.s32 $0xE998;
	s10 =	simm.s32 $0xE910;
	s11 =	sadd.s32 $0x20, s7  }
0x22b: {  	[hbm4b:s11+s5] =	stream.linear.scatter [tilespmem:s10], [sflag:$0x8], $0x80, $0x38;
	[tilespmem:$0x13C00] =	vst v63  }
0x22c: {  	s18 =	simm.s32 $0xEA20;
	s21 =	simm.s32 $0xEAA8;
	s16 =	sadd.s32 $0x30, s7  }
0x22d: {  	[hbm4b:s16+s5] =	stream.linear.scatter [tilespmem:s13], [sflag:$0x8], $0x80, $0x38;
	[tilespmem:$0x13C00] =	vst v63  }
0x22e: {  	s2 =	simm.s32 $0x440;
	s20 =	sadd.s32 $0x40, s7;
	s22 =	sadd.s32 $0x50, s7  }
0x22f: {  	[hbm4b:s20+s5] =	stream.linear.scatter [tilespmem:s18], [sflag:$0x8], $0x80, $0x38;
	[tilespmem:$0x13C00] =	vst v63  }
0x230: {  	s24 =	simm.s32 $0xEB30;
	s28 =	sadd.s32 $0x60, s7;
	s10 =	simm.s32 $0x2200  }
0x231: {  	[hbm4b:s22+s5] =	stream.linear.scatter [tilespmem:s21], [sflag:$0x8], $0x80, $0x38;
	[tilespmem:$0x13C00] =	vst v63  }
0x232: {  	s11 =	simm.s32 $0xEBB8;
	s13 =	sadd.s32 $0x70, s7;
	s7 =	sadd.s32 $0x1000, s7  }
0x233: {  	[hbm4b:s28+s5] =	stream.linear.scatter [tilespmem:s24], [sflag:$0x8], $0x80, $0x38;
	[tilespmem:$0x13C00] =	vst v63  }
.LBB2_21:
0x234: {  	[hbm4b:s13+s5] =	stream.linear.scatter [tilespmem:s11], [sflag:$0x8], $0x80, $0x38;
	[tilespmem:$0x13C00] =	vst v63  }
0x235: {  	s9 =	smov.u32 s2;
	s2 =	smov.u32 s10  }
0x236: {  	s16 =	sadd.s32 $0x1100, s10;
	s2 =	sshra.s32 s2, $0x2;
	s11 =	sadd.s32 $0xE800, s9  }
0x237: {  	[hbm4b:s7+s5] =	stream.linear.scatter [tilespmem:s11], [sflag:$0x8], $0x80, $0x38;
	[tilespmem:$0x13C00] =	vst v63  }
0x238: {  	p0 =	sne.s32 s10, $0x7700;
	s10 =	sadd.s32 $0xE888, s9;
	s11 =	sadd.s32 $0x10, s7  }
0x239: {  	[hbm4b:s11+s5] =	stream.linear.scatter [tilespmem:s10], [sflag:$0x8], $0x80, $0x38;
	[tilespmem:$0x13C00] =	vst v63  }
0x23a: {  	s10 =	sadd.s32 $0xE910, s9;
	s11 =	sadd.s32 $0x20, s7  }
0x23b: {  	[hbm4b:s11+s5] =	stream.linear.scatter [tilespmem:s10], [sflag:$0x8], $0x80, $0x38;
	[tilespmem:$0x13C00] =	vst v63  }
0x23c: {  	s10 =	sadd.s32 $0xE998, s9;
	s11 =	sadd.s32 $0x30, s7  }
0x23d: {  	[hbm4b:s11+s5] =	stream.linear.scatter [tilespmem:s10], [sflag:$0x8], $0x80, $0x38;
	[tilespmem:$0x13C00] =	vst v63  }
0x23e: {  	s10 =	sadd.s32 $0xEA20, s9;
	s11 =	sadd.s32 $0x40, s7  }
0x23f: {  	[hbm4b:s11+s5] =	stream.linear.scatter [tilespmem:s10], [sflag:$0x8], $0x80, $0x38;
	[tilespmem:$0x13C00] =	vst v63  }
.Ltmp10:
0x240: {  	s10 =	sadd.s32 $0xEAA8, s9;
	s11 =	sadd.s32 $0x50, s7;
	(pc) =	sbr.rel @p0 .LBB2_21-.Ltmp10, $4  }
0x241: {  	[hbm4b:s11+s5] =	stream.linear.scatter [tilespmem:s10], [sflag:$0x8], $0x80, $0x38;
	[tilespmem:$0x13C00] =	vst v63  }
0x242: {  	s13 =	sadd.s32 $0x70, s7;
	s10 =	sadd.s32 $0xEB30, s9;
	s11 =	sadd.s32 $0x60, s7  }
0x243: {  	[hbm4b:s11+s5] =	stream.linear.scatter [tilespmem:s10], [sflag:$0x8], $0x80, $0x38;
	[tilespmem:$0x13C00] =	vst v63  }
0x244: {  	s7 =	sadd.s32 $0x1000, s7;
	s11 =	sadd.s32 $0xEBB8, s9;
	s10 =	smov.u32 s16  }
0x245: {  	[hbm4b:s13+s5] =	stream.linear.scatter [tilespmem:s11], [sflag:$0x8], $0x80, $0x38;
	[tilespmem:$0x13C00] =	vst v63  }
0x246: {  	s9 =	sadd.s32 $0xE800, s2  }
0x247: {  	[hbm4b:s7+s5] =	stream.linear.scatter [tilespmem:s9], [sflag:$0x8], $0x80, $0x38;
	[tilespmem:$0x13C00] =	vst v63  }
0x248: {  	s22 =	sadd.s32 $0xE888, s2;
	s10 =	sadd.s32 $0x10, s7  }
0x249: {  	[hbm4b:s10+s5] =	stream.linear.scatter [tilespmem:s22], [sflag:$0x8], $0x80, $0x38;
	[tilespmem:$0x13C00] =	vst v63  }
0x24a: {  	s24 =	sadd.s32 $0xE910, s2;
	s28 =	sadd.s32 $0x20, s7  }
0x24b: {  	[hbm4b:s28+s5] =	stream.linear.scatter [tilespmem:s24], [sflag:$0x8], $0x80, $0x38;
	[tilespmem:$0x13C00] =	vst v63  }
0x24c: {  	s11 =	sadd.s32 $0x30, s7;
	s10 =	sadd.s32 $0xE998, s2  }
0x24d: {  	[hbm4b:s11+s5] =	stream.linear.scatter [tilespmem:s10], [sflag:$0x8], $0x80, $0x38;
	[tilespmem:$0x13C00] =	vst v63  }
0x24e: {  	s13 =	sadd.s32 $0xEA20, s2;
	s16 =	sadd.s32 $0x40, s7;
	s8 =	sadd.s32 $0x1, s8  }
0x24f: {  	[hbm4b:s16+s5] =	stream.linear.scatter [tilespmem:s13], [sflag:$0x8], $0x80, $0x38;
	[tilespmem:$0x13C00] =	vst v63  }
0x250: {  	s18 =	sadd.s32 $0xEAA8, s2;
	s20 =	sadd.s32 $0x50, s7;
	p0 =	sne.s32 s8, $0x32  }
0x251: {  	[hbm4b:s20+s5] =	stream.linear.scatter [tilespmem:s18], [sflag:$0x8], $0x80, $0x38;
	[tilespmem:$0x13C00] =	vst v63  }
.Ltmp11:
0x252: {  	_ = 	snop;
	(pc) =	sbr.rel @p0 .LBB2_2-.Ltmp11, $4  }
0x253: {  	s21 =	sadd.s32 $0xEB30, s2;
	s22 =	sadd.s32 $0x60, s7  }
0x254: {  	[hbm4b:s22+s5] =	stream.linear.scatter [tilespmem:s21], [sflag:$0x8], $0x80, $0x38;
	[tilespmem:$0x13C00] =	vst v63  }
0x255: {  	s24 =	sadd.s32 $0xEBB8, s2;
	s28 =	sadd.s32 $0x70, s7  }
0x256: {  	[hbm4b:s28+s5] =	stream.linear.scatter [tilespmem:s24], [sflag:$0x8], $0x80, $0x38;
	[tilespmem:$0x13C00] =	vst v63  }
0x257: {  	s2 =	simm.s32 $0x5  }
0x258: {  	_ =	swait.ge [sflag:s2], $0x2000  }
0x259: {  	[sflag:s2] =	ssyncset.done $0x0  }
0x25a: {  	s22 =	simm.s32 $0x6;
	[sflag:s2] =	ssyncadd.s32 $0xFFFFE000  }
0x25b: {  	_ =	swait.ge [sflag:s22], $0x2000  }
0x25c: {  	[sflag:s22] =	ssyncset.done $0x0  }
0x25d: {  	s24 =	simm.s32 $0x7;
	[sflag:s22] =	ssyncadd.s32 $0xFFFFE000  }
0x25e: {  	_ =	swait.ge [sflag:s24], $0x2000  }
0x25f: {  	[sflag:s24] =	ssyncset.done $0x0  }
0x260: {  	s7 =	simm.s32 $0x8;
	[sflag:s24] =	ssyncadd.s32 $0xFFFFE000  }
0x261: {  	_ =	swait.ge [sflag:s7], $0x2000  }
0x262: {  	s8 =	rddreg [dreg:$0xb]  }
0x263: {  	s28 =	rddreg [dreg:$0xa];
	s8 =	sadd.s32 $0x1, s8  }
0x264: {  	p0 =	sne.s32 s8, s28  }
.Ltmp12:
0x265: {  	_ = 	snop;
	(pc) =	sbr.rel @p0 .LBB2_1-.Ltmp12, $3  }
0x266: {  	_ =	sdelay $0x1  }
0x267: {  	[sflag:s7] =	ssyncset.done $0x0  }
0x268: {  	[sflag:s7] =	ssyncadd.s32 $0xFFFFE000  }
0x269: {  	_ =	sfence.sel $0x180000  }
0x26a: {  	[bflag:$0x0] =	sbarrier.arrive $0xFFFF  }
0x26b: {  	_ =	strace $0x90000047  }
0x26c: {  	s0 =	stileid.u32;
	[bflag:$0x2] =	sbarrier.arrive $0xFFFF  }
0x26d: {  	p0 =	sne.s32 s0, $0x0;
	s0 =	rddreg [dreg:$0x3]  }
0x26e: {  	s0 =	sadd.s32 @!p0 $0x100000, s0  }
0x26f: {  	[sflag:s0] =	ssyncadd.tile.s32 @!p0 $0x1;
	_ =	shalt  }
.Lfunc_end2:
_tile_overlayer_lowered:
.L_overlay_start_2:
0x270: {  	(tag) =	ssettag $0x2  }
0x271: {  	s0 =	rddreg [dreg:$0x0];
	s2 =	stileid.u32  }
0x272: {  	s1 =	rddreg [dreg:$0x1];
	p0 =	sne.s32 s2, $0x0  }
0x273: {  	s3 =	rddreg [dreg:$0x2];
	[bflag:$0x3] =	sbarrier.arrive $0xFFFF;
	s2 =	simm.s32 @!p0 $0x1C0D  }
0x274: {  	[timem:s3], [sflag:s2] =	dma.local @!p0 [hbm:s0], s1  }
0x275: {  	s0 =	simm.s32 @!p0 $0xD  }
0x276: {  	_ =	swait.ge @!p0 [sflag:s0], s1  }
0x277: {  	s1 =	ssub.s32 @!p0 $0x0, s1;
	[sflag:s0] =	ssyncset.done @!p0 $0x0  }
0x278: {  	[sflag:s0] =	ssyncadd.s32 @!p0 s1  }
0x279: {  	[bflag:$0x3] =	sbarrier.arrive $0xFFFF  }
0x27a: {  	_ =	shalt  }

</sc_bundles>
